<compile_context>
chip_gen: v7x
topology: tpu7x:2x2x1
jax: 0.10.2.dev20260603
libtpu: 0.0.44.dev20260713+nightly
codegen_flags: <defaults>
</compile_context>

<pallas_src>
import functools

import jax
import jax.numpy as jnp
from jax import lax
from jax.experimental import pallas as pl
from jax.experimental.pallas import tpu as pltpu
from jax.experimental.pallas import tpu_sc as plsc

N = 10000
E = 320000
D = 128
C = 40

NC = 2
NS = 16
NW = NC * NS
PER_W = E // NW
ECH = 80
N_ECH = PER_W // ECH
RCH = 80
N_RCH = N // RCH
RITER = (N_RCH + NS - 1) // NS

def _zero_buf(buf, rows, width):
    def row(i, _):
        def col(j, _):
            buf[i, pl.ds(j * 16, 16)] = jnp.zeros((16,), jnp.float32)
            return 0
        return lax.fori_loop(0, width // 16, col, 0)
    lax.fori_loop(0, rows, row, 0)


def _deg_kernel(dst_hbm, out_hbm, didx0, didx1, didx2, didx3, ones_v, buf_v,
                acc_sh, dsem0, dsem1, dsem2, dsem3, ssem0, ssem1, ssem2,
                ssem3):
    c = lax.axis_index("c")
    s = lax.axis_index("s")
    wid = c * NS + s
    ebase = wid * PER_W

    def fill_ones(i, _):
        ones_v[pl.ds(i * 16, 16)] = jnp.ones((16,), jnp.float32)
        return 0
    lax.fori_loop(0, ECH // 16, fill_ones, 0)

    def fill_zeros(i, _):
        buf_v[pl.ds(i * 16, 16)] = jnp.zeros((16,), jnp.float32)
        return 0
    lax.fori_loop(0, RCH // 16, fill_zeros, 0)

    def zacc(it, _):
        j = it * NS + s
        @pl.when(j < N_RCH)
        def _():
            pltpu.sync_copy(buf_v, acc_sh.at[pl.ds(j * RCH, RCH)])
        return 0
    lax.fori_loop(0, RITER, zacc, 0)

    def d_issue(didx, dsem, i):
        pltpu.async_copy(dst_hbm.at[pl.ds(ebase + i * ECH, ECH)], didx, dsem)

    def d_wait(didx, dsem):
        pltpu.make_async_copy(
            dst_hbm.at[pl.ds(ebase, ECH)], didx, dsem).wait()

    def s_issue(didx, ssem):
        pltpu.async_copy(ones_v, acc_sh.at[didx], ssem, add=True)

    def s_wait(didx, ssem):
        pltpu.make_async_copy(ones_v, acc_sh.at[didx], ssem).wait()

    bufs = ((didx0, dsem0, ssem0), (didx1, dsem1, ssem1),
            (didx2, dsem2, ssem2), (didx3, dsem3, ssem3))
    for b in (0, 1):
        didx, dsem, _ = bufs[b]
        d_issue(didx, dsem, b)
    plsc.subcore_barrier()

    def step4(i4, _):
        for b in range(4):
            didx, dsem, ssem = bufs[b]
            pdidx, pdsem, pssem = bufs[(b + 2) % 4]
            i = i4 * 4 + b
            d_wait(didx, dsem)
            s_issue(didx, ssem)
            p = i + 2
            @pl.when(p < N_ECH)
            def _():
                @pl.when(p >= 4)
                def _():
                    s_wait(pdidx, pssem)
                d_issue(pdidx, pdsem, p)
        return 0
    lax.fori_loop(0, (N_ECH - 1) // 4, step4, 0)
    for b in (1, 2, 3):
        didx, _, ssem = bufs[b]
        s_wait(didx, ssem)
    didx, dsem, _ = bufs[0]
    d_wait(didx, dsem)
    pltpu.sync_copy(ones_v, acc_sh.at[didx], add=True)
    plsc.subcore_barrier()

    def wout(it, _):
        j = it * NS + s
        @pl.when(j < N_RCH)
        def _():
            pltpu.sync_copy(acc_sh.at[pl.ds(j * RCH, RCH)], buf_v)
            pltpu.sync_copy(buf_v, out_hbm.at[pl.ds(c * N + j * RCH, RCH)])
        return 0
    lax.fori_loop(0, RITER, wout, 0)


@functools.cache
def _deg_call():
    mesh = plsc.VectorSubcoreMesh(core_axis_name="c", subcore_axis_name="s")
    return pl.kernel(
        _deg_kernel,
        mesh=mesh,
        out_type=jax.ShapeDtypeStruct((NC * N,), jnp.float32),
        scratch_types=[
            pltpu.VMEM((ECH,), jnp.int32),
            pltpu.VMEM((ECH,), jnp.int32),
            pltpu.VMEM((ECH,), jnp.int32),
            pltpu.VMEM((ECH,), jnp.int32),
            pltpu.VMEM((ECH,), jnp.float32),
            pltpu.VMEM((RCH,), jnp.float32),
            pltpu.VMEM_SHARED((N,), jnp.float32),
        ] + [pltpu.SemaphoreType.DMA] * 8,
    )


def _segsum_kernel(g_hbm, src_hbm, dst_hbm, out_hbm, sidx0, sidx1, sidx2,
                   sidx3, didx0, didx1, didx2, didx3, rows0, rows1, rows2,
                   rows3, acc_sh, xsem0, xsem1, xsem2, xsem3, gsem0, gsem1,
                   gsem2, gsem3, dsem0, dsem1, dsem2, dsem3, ssem0, ssem1,
                   ssem2, ssem3):
    c = lax.axis_index("c")
    s = lax.axis_index("s")
    wid = c * NS + s
    ebase = wid * PER_W

    _zero_buf(rows0, RCH, D)

    def zacc(it, _):
        j = it * NS + s
        @pl.when(j < N_RCH)
        def _():
            pltpu.sync_copy(rows0, acc_sh.at[pl.ds(j * RCH, RCH)])
        return 0
    lax.fori_loop(0, RITER, zacc, 0)

    def x_issue(sidx, xsem, i):
        pltpu.async_copy(src_hbm.at[pl.ds(ebase + i * ECH, ECH)], sidx, xsem)

    def x_wait(sidx, xsem):
        pltpu.make_async_copy(
            src_hbm.at[pl.ds(ebase, ECH)], sidx, xsem).wait()

    def g_issue(sidx, rows, gsem):
        pltpu.async_copy(g_hbm.at[sidx], rows, gsem)

    def g_wait(sidx, rows, gsem):
        pltpu.make_async_copy(g_hbm.at[sidx], rows, gsem).wait()

    def d_issue(didx, dsem, i):
        pltpu.async_copy(dst_hbm.at[pl.ds(ebase + i * ECH, ECH)], didx, dsem)

    def d_wait(didx, dsem):
        pltpu.make_async_copy(
            dst_hbm.at[pl.ds(ebase, ECH)], didx, dsem).wait()

    def s_issue(rows, didx, ssem):
        pltpu.async_copy(rows, acc_sh.at[didx], ssem, add=True)

    def s_wait(rows, didx, ssem):
        pltpu.make_async_copy(rows, acc_sh.at[didx], ssem).wait()

    bufs = ((sidx0, xsem0, rows0, gsem0, didx0, dsem0, ssem0),
            (sidx1, xsem1, rows1, gsem1, didx1, dsem1, ssem1),
            (sidx2, xsem2, rows2, gsem2, didx2, dsem2, ssem2),
            (sidx3, xsem3, rows3, gsem3, didx3, dsem3, ssem3))
    for b in (0, 1, 2):
        sidx, xsem = bufs[b][0], bufs[b][1]
        x_issue(sidx, xsem, b)
    for b in (0, 1):
        sidx, xsem, rows, gsem, didx, dsem, _ = bufs[b]
        x_wait(sidx, xsem)
        g_issue(sidx, rows, gsem)
        d_issue(didx, dsem, b)
    plsc.subcore_barrier()

    def step4(i4, _):
        for b in range(4):
            sidx, xsem, rows, gsem, didx, dsem, ssem = bufs[b]
            pb = bufs[(b + 2) % 4]
            qb = bufs[(b + 3) % 4]
            i = i4 * 4 + b
            g_wait(sidx, rows, gsem)
            d_wait(didx, dsem)
            s_issue(rows, didx, ssem)
            p = i + 2
            @pl.when(p < N_ECH)
            def _():
                psidx, pxsem, prows, pgsem, pdidx, pdsem, pssem = pb
                @pl.when(p >= 4)
                def _():
                    s_wait(prows, pdidx, pssem)
                x_wait(psidx, pxsem)
                g_issue(psidx, prows, pgsem)
                d_issue(pdidx, pdsem, p)
            q = i + 3
            @pl.when(q < N_ECH)
            def _():
                x_issue(qb[0], qb[1], q)
        return 0
    lax.fori_loop(0, (N_ECH - 1) // 4, step4, 0)
    for b in (1, 2, 3):
        _, _, rows, _, didx, _, ssem = bufs[b]
        s_wait(rows, didx, ssem)
    sidx, xsem, rows, gsem, didx, dsem, _ = bufs[0]
    g_wait(sidx, rows, gsem)
    d_wait(didx, dsem)
    pltpu.sync_copy(rows, acc_sh.at[didx], add=True)
    plsc.subcore_barrier()

    def wout(it, _):
        j = it * NS + s
        @pl.when(j < N_RCH)
        def _():
            pltpu.sync_copy(acc_sh.at[pl.ds(j * RCH, RCH)], rows0)
            pltpu.sync_copy(rows0, out_hbm.at[pl.ds(c * N + j * RCH, RCH)])
        return 0
    lax.fori_loop(0, RITER, wout, 0)


@functools.cache
def _segsum_call():
    mesh = plsc.VectorSubcoreMesh(core_axis_name="c", subcore_axis_name="s")
    return pl.kernel(
        _segsum_kernel,
        mesh=mesh,
        out_type=jax.ShapeDtypeStruct((NC * N, D), jnp.float32),
        scratch_types=(
            [pltpu.VMEM((ECH,), jnp.int32)] * 8
            + [pltpu.VMEM((ECH, D), jnp.float32)] * 4
            + [pltpu.VMEM_SHARED((N, D), jnp.float32)]
            + [pltpu.SemaphoreType.DMA] * 16
        ),
    )


def _bn_mm_body(x_ref, gam_ref, bet_ref, w_ref, h_out):
    x = x_ref[...]
    mean = jnp.mean(x, axis=0, keepdims=True)
    var = jnp.mean((x - mean) ** 2, axis=0, keepdims=True)
    xn = (x - mean) * lax.rsqrt(var + 1e-5) * gam_ref[...] + bet_ref[...]
    h_out[...] = jnp.dot(xn, w_ref[...], preferred_element_type=jnp.float32)


def _scale_body(h_ref, deg_ref, g_out, dinv_out):
    deg = deg_ref[:, 0:1] + deg_ref[:, 1:2] + 1.0
    dinv = lax.rsqrt(deg)
    g_out[...] = h_ref[...] * dinv
    dinv_out[...] = dinv


def _update_mm_body(parts_ref, g_ref, dinv_ref, b_ref, w_ref, out_ref):
    dinv = dinv_ref[...]
    agg = parts_ref[0:N] + parts_ref[N:2 * N] + g_ref[...]
    h = jax.nn.relu(dinv * agg + b_ref[...])
    out_ref[...] = jnp.dot(h, w_ref[...], preferred_element_type=jnp.float32) * dinv


def _final_body(parts_ref, g_ref, dinv_ref, b_ref, wm1_ref, bm1_ref, wm2_ref,
                bm2_ref, wm3_ref, bm3_ref, out_ref):
    dinv = dinv_ref[...]
    agg = parts_ref[0:N] + parts_ref[N:2 * N] + g_ref[...]
    h = jax.nn.relu(dinv * agg + b_ref[...])
    h = jnp.dot(h, wm1_ref[...], preferred_element_type=jnp.float32) + bm1_ref[...]
    h = jnp.dot(h, wm2_ref[...], preferred_element_type=jnp.float32) + bm2_ref[...]
    h = jnp.dot(h, wm3_ref[...], preferred_element_type=jnp.float32) + bm3_ref[...]
    m = jnp.max(h, axis=1, keepdims=True)
    z = h - m
    lse = jnp.log(jnp.sum(jnp.exp(z), axis=1, keepdims=True))
    out_ref[...] = z - lse


def kernel(x, edge_index, bn_gamma, bn_beta, W1, b1, W2, b2, Wm1, bm1, Wm2,
           bm2, Wm3, bm3):
    src = edge_index[0].astype(jnp.int32)
    dst = edge_index[1].astype(jnp.int32)

    deg_parts = _deg_call()(dst).reshape(2, N).transpose(1, 0)

    h1 = pl.pallas_call(
        _bn_mm_body,
        out_shape=jax.ShapeDtypeStruct((N, D), jnp.float32),
    )(x, bn_gamma.reshape(1, D), bn_beta.reshape(1, D), W1)

    g1, dinv = pl.pallas_call(
        _scale_body,
        out_shape=(
            jax.ShapeDtypeStruct((N, D), jnp.float32),
            jax.ShapeDtypeStruct((N, 1), jnp.float32),
        ),
    )(h1, deg_parts)

    agg1 = _segsum_call()(g1, src, dst)

    g2 = pl.pallas_call(
        _update_mm_body,
        out_shape=jax.ShapeDtypeStruct((N, D), jnp.float32),
    )(agg1, g1, dinv, b1.reshape(1, D), W2)

    agg2 = _segsum_call()(g2, src, dst)

    out = pl.pallas_call(
        _final_body,
        out_shape=jax.ShapeDtypeStruct((N, C), jnp.float32),
    )(agg2, g2, dinv, b2.reshape(1, D), Wm1, bm1.reshape(1, D), Wm2,
      bm2.reshape(1, D), Wm3, bm3.reshape(1, C))
    return out

# --- scband reference (transcript-rebuilt; emitter-appended) ---
"""Pipeline reference for scband-gcn2-bn1-lin2-mlp3-61426622267904 (READ-ONLY COPY).

The authoritative reference and input builder live on the scoring server;
editing this copy changes nothing except your own understanding.
"""

import jax, jax.numpy as jnp
import numpy as np

N = 10000
E = 320000
D = 128
H = 128
C = 40


def setup_inputs(seed: int = 0) -> dict:
    key = jax.random.key(seed)
    ks = jax.random.split(key, 16)
    x = jax.random.normal(ks[0], (N, D), dtype=jnp.float32)
    edge_index = jax.random.randint(ks[1], (2, E), 0, N, dtype=jnp.int64)
    def lin(k, fan_in, fan_out):
        bound = 1.0 / np.sqrt(fan_in)
        kw, kb = jax.random.split(k)
        W = jax.random.uniform(kw, (fan_in, fan_out), minval=-bound, maxval=bound, dtype=jnp.float32)
        b = jax.random.uniform(kb, (fan_out,), minval=-bound, maxval=bound, dtype=jnp.float32)
        return W, b
    W1, b1 = lin(ks[2], D, H)
    W2, b2 = lin(ks[3], H, H)
    Wm1, bm1 = lin(ks[4], H, H)
    Wm2, bm2 = lin(ks[5], H, H)
    Wm3, bm3 = lin(ks[6], H, C)
    bn_gamma = jnp.ones((D,), dtype=jnp.float32)
    bn_beta = jnp.zeros((D,), dtype=jnp.float32)
    return {
        'x': x, 'edge_index': edge_index,
        'bn_gamma': bn_gamma, 'bn_beta': bn_beta,
        'W1': W1, 'b1': b1, 'W2': W2, 'b2': b2,
        'Wm1': Wm1, 'bm1': bm1, 'Wm2': Wm2, 'bm2': bm2, 'Wm3': Wm3, 'bm3': bm3,
    }


def _batch_norm(x, gamma, beta, eps=1e-5):
    mean = jnp.mean(x, axis=0)
    var = jnp.var(x, axis=0)
    return (x - mean) / jnp.sqrt(var + eps) * gamma + beta


def _gcn_conv(x, W, b, src, dst, n):
    # GCNConv: linear transform, add self-loops, symmetric normalization, scatter-add aggregate
    x = x @ W
    loop = jnp.arange(n, dtype=src.dtype)
    src2 = jnp.concatenate([src, loop])
    dst2 = jnp.concatenate([dst, loop])
    deg = jnp.zeros((n,), dtype=x.dtype).at[dst2].add(1.0)
    dinv = jnp.where(deg > 0, jax.lax.rsqrt(deg), 0.0)
    norm = dinv[src2] * dinv[dst2]
    msg = x[src2] * norm[:, None]
    out = jax.ops.segment_sum(msg, dst2, num_segments=n)
    return out + b


def reference(x, edge_index, bn_gamma, bn_beta, W1, b1, W2, b2, Wm1, bm1, Wm2, bm2, Wm3, bm3):
    src, dst = edge_index[0], edge_index[1]
    h = _batch_norm(x, bn_gamma, bn_beta)
    h = _gcn_conv(h, W1, b1, src, dst, N)
    h = jax.nn.relu(h)
    # dropout: deterministic reference treats as identity (eval behavior)
    h = _gcn_conv(h, W2, b2, src, dst, N)
    h = jax.nn.relu(h)
    h = h @ Wm1 + bm1
    h = h @ Wm2 + bm2
    h = h @ Wm3 + bm3
    return jax.nn.log_softmax(h, axis=1)

if __name__ == "__main__":
    import jax
    _d = setup_inputs()
    print(jax.jit(kernel)(*tuple(_d.values())))

</pallas_src>

<mosaic_0001>
#map = affine_map<(d0, d1) -> (0)>
module attributes {stable_mosaic.version = 14 : i64} {
  func.func @_deg_kernel(%arg0: i32, %arg1: i32, %arg2: memref<320000xi32, #tpu.memory_space<hbm>>, %arg3: memref<20000xf32, #tpu.memory_space<hbm>>, %arg4: memref<80xi32, #tpu.memory_space<vmem>>, %arg5: memref<80xi32, #tpu.memory_space<vmem>>, %arg6: memref<80xi32, #tpu.memory_space<vmem>>, %arg7: memref<80xi32, #tpu.memory_space<vmem>>, %arg8: memref<80xf32, #tpu.memory_space<vmem>>, %arg9: memref<80xf32, #tpu.memory_space<vmem>>, %arg10: memref<10000xf32, #tpu.memory_space<vmem_shared>>, %arg11: memref<!tpu.dma_semaphore, #tpu.memory_space<semaphore_mem>>, %arg12: memref<!tpu.dma_semaphore, #tpu.memory_space<semaphore_mem>>, %arg13: memref<!tpu.dma_semaphore, #tpu.memory_space<semaphore_mem>>, %arg14: memref<!tpu.dma_semaphore, #tpu.memory_space<semaphore_mem>>, %arg15: memref<!tpu.dma_semaphore, #tpu.memory_space<semaphore_mem>>, %arg16: memref<!tpu.dma_semaphore, #tpu.memory_space<semaphore_mem>>, %arg17: memref<!tpu.dma_semaphore, #tpu.memory_space<semaphore_mem>>, %arg18: memref<!tpu.dma_semaphore, #tpu.memory_space<semaphore_mem>>) attributes {dimension_semantics = [#tpu.dimension_semantics<core_parallel>, #tpu.dimension_semantics<subcore_parallel>], iteration_bounds = array<i64: 2, 16>, scalar_prefetch = 0 : i64, scratch_operands = 15 : i64, tpu.core_type = #tpu.core_type<sc_vector_subcore>, window_params = [{transform_indices = #map}, {transform_indices = #map}]} {
    %mul3A = arith.constant 16 : i32
    %mul3A_0 = arith.muli %arg0, %mul3A : i32
    %add3A = arith.addi %mul3A_0, %arg1 : i32
    %mul3A_1 = arith.constant 10000 : i32
    %mul3A_2 = arith.muli %add3A, %mul3A_1 : i32
    %scan3A = arith.constant 0 : i32
    %scan3A_3 = arith.constant 0 : i32
    %scan3A_4 = arith.constant 5 : i32
    %scan3A_5 = arith.addi %scan3A_3, %scan3A_4 : i32
    %scan3A_6 = arith.constant 1 : i32
    %scan3A_7 = scf.for %scan3A_52 = %scan3A_3 to %scan3A_5 step %scan3A_6 iter_args(%scan3A_53 = %scan3A) -> (i32)  : i32 {
      %broadcast_in_dim3A = arith.constant 1.000000e+00 : f32
      %broadcast_in_dim3A_54 = vector.broadcast %broadcast_in_dim3A : f32 to vector<16xf32>
      %mul3A_55 = arith.constant 16 : i32
      %mul3A_56 = arith.muli %scan3A_52, %mul3A_55 : i32
      %swap3A = arith.index_cast %mul3A_56 : i32 to index
      %swap3A_57 = tpu.vector_load %arg8[%swap3A] {strides = array<i32>} : memref<80xf32, #tpu.memory_space<vmem>>, vector<16xf32>,
      %swap3A_58 = vector.shape_cast %swap3A_57 : vector<16xf32> to vector<16xf32>
      %swap3A_59 = vector.shape_cast %broadcast_in_dim3A_54 : vector<16xf32> to vector<16xf32>
      tpu.vector_store %arg8[%swap3A], %swap3A_59 {strides = array<i32>} : memref<80xf32, #tpu.memory_space<vmem>>, vector<16xf32>,
      %scan3A_60 = arith.constant 0 : i32
      scf.yield %scan3A_60 : i32
    }
    %scan3A_8 = arith.constant 5 : i32
    %scan3A_9 = arith.constant 0 : i32
    %scan3A_10 = arith.constant 0 : i32
    %scan3A_11 = arith.constant 5 : i32
    %scan3A_12 = arith.addi %scan3A_10, %scan3A_11 : i32
    %scan3A_13 = arith.constant 1 : i32
    %scan3A_14 = scf.for %scan3A_52 = %scan3A_10 to %scan3A_12 step %scan3A_13 iter_args(%scan3A_53 = %scan3A_9) -> (i32)  : i32 {
      %broadcast_in_dim3A = arith.constant 0.000000e+00 : f32
      %broadcast_in_dim3A_54 = vector.broadcast %broadcast_in_dim3A : f32 to vector<16xf32>
      %mul3A_55 = arith.constant 16 : i32
      %mul3A_56 = arith.muli %scan3A_52, %mul3A_55 : i32
      %swap3A = arith.index_cast %mul3A_56 : i32 to index
      %swap3A_57 = tpu.vector_load %arg9[%swap3A] {strides = array<i32>} : memref<80xf32, #tpu.memory_space<vmem>>, vector<16xf32>,
      %swap3A_58 = vector.shape_cast %swap3A_57 : vector<16xf32> to vector<16xf32>
      %swap3A_59 = vector.shape_cast %broadcast_in_dim3A_54 : vector<16xf32> to vector<16xf32>
      tpu.vector_store %arg9[%swap3A], %swap3A_59 {strides = array<i32>} : memref<80xf32, #tpu.memory_space<vmem>>, vector<16xf32>,
      %scan3A_60 = arith.constant 0 : i32
      scf.yield %scan3A_60 : i32
    }
    %scan3A_15 = arith.constant 5 : i32
    %scan3A_16 = arith.constant 0 : i32
    %scan3A_17 = arith.constant 0 : i32
    %scan3A_18 = arith.constant 8 : i32
    %scan3A_19 = arith.addi %scan3A_17, %scan3A_18 : i32
    %scan3A_20 = arith.constant 1 : i32
    %scan3A_21 = scf.for %scan3A_52 = %scan3A_17 to %scan3A_19 step %scan3A_20 iter_args(%scan3A_53 = %scan3A_16) -> (i32)  : i32 {
      %mul3A_54 = arith.constant 16 : i32
      %mul3A_55 = arith.muli %scan3A_52, %mul3A_54 : i32
      %add3A_56 = arith.addi %mul3A_55, %arg1 : i32
      %lt3A = arith.constant 125 : i32
      %lt3A_57 = arith.cmpi slt, %add3A_56, %lt3A : i32
      %convert_element_type3A = arith.extui %lt3A_57 : i1 to i32
      %cond3A = arith.constant 0 : i32
      %cond3A_58 = arith.cmpi ne, %convert_element_type3A, %cond3A : i32
      scf.if %cond3A_58 {
        %mul3A_60 = arith.constant 80 : i32
        %mul3A_61 = arith.muli %add3A_56, %mul3A_60 : i32
        "tpu.region"() ({
          %run_scoped3A = tpu.sem_alloc : memref<!tpu.dma_semaphore, #tpu.memory_space<semaphore_mem>>
          %dma_start3A_62 = tpu.memref_slice %arg10[%mul3A_61] : memref<10000xf32, #tpu.memory_space<vmem_shared>> -> memref<80xf32, #tpu.memory_space<vmem_shared>>
          %dma_start3A_63 = tpu.memref_slice %arg10[%mul3A_61] : memref<10000xf32, #tpu.memory_space<vmem_shared>> -> memref<80xf32, #tpu.memory_space<vmem_shared>>
          tpu.enqueue_dma source(%arg9 : memref<80xf32, #tpu.memory_space<vmem>>) target(%dma_start3A_63 : memref<80xf32, #tpu.memory_space<vmem_shared>>) target_semaphore(%run_scoped3A : memref<!tpu.dma_semaphore, #tpu.memory_space<semaphore_mem>>)
          %dma_wait3A_64 = tpu.memref_slice %arg10[%mul3A_61] : memref<10000xf32, #tpu.memory_space<vmem_shared>> -> memref<80xf32, #tpu.memory_space<vmem_shared>>
          %dma_wait3A_65 = tpu.memref_slice %arg10[%mul3A_61] : memref<10000xf32, #tpu.memory_space<vmem_shared>> -> memref<80xf32, #tpu.memory_space<vmem_shared>>
          tpu.wait_dma2 semaphore(%run_scoped3A : memref<!tpu.dma_semaphore, #tpu.memory_space<semaphore_mem>>) src(%arg9 : memref<80xf32, #tpu.memory_space<vmem>>) dst(%dma_wait3A_65 : memref<80xf32, #tpu.memory_space<vmem_shared>>)
          tpu.yield
        }) : () -> ()
      } else {
      }
      %scan3A_59 = arith.constant 0 : i32
      scf.yield %scan3A_59 : i32
    }
    %scan3A_22 = arith.constant 8 : i32
    %add3A_23 = arith.constant 0 : i32
    %add3A_24 = arith.addi %mul3A_2, %add3A_23 : i32
    %dma_start3A = tpu.memref_slice %arg2[%add3A_24] : memref<320000xi32, #tpu.memory_space<hbm>> -> memref<80xi32, #tpu.memory_space<hbm>>
    %dma_start3A_25 = tpu.memref_slice %arg2[%add3A_24] : memref<320000xi32, #tpu.memory_space<hbm>> -> memref<80xi32, #tpu.memory_space<hbm>>
    tpu.enqueue_dma source(%dma_start3A_25 : memref<80xi32, #tpu.memory_space<hbm>>) target(%arg4 : memref<80xi32, #tpu.memory_space<vmem>>) target_semaphore(%arg11 : memref<!tpu.dma_semaphore, #tpu.memory_space<semaphore_mem>>)
    %add3A_26 = arith.constant 80 : i32
    %add3A_27 = arith.addi %mul3A_2, %add3A_26 : i32
    %dma_start3A_28 = tpu.memref_slice %arg2[%add3A_27] : memref<320000xi32, #tpu.memory_space<hbm>> -> memref<80xi32, #tpu.memory_space<hbm>>
    %dma_start3A_29 = tpu.memref_slice %arg2[%add3A_27] : memref<320000xi32, #tpu.memory_space<hbm>> -> memref<80xi32, #tpu.memory_space<hbm>>
    tpu.enqueue_dma source(%dma_start3A_29 : memref<80xi32, #tpu.memory_space<hbm>>) target(%arg5 : memref<80xi32, #tpu.memory_space<vmem>>) target_semaphore(%arg12 : memref<!tpu.dma_semaphore, #tpu.memory_space<semaphore_mem>>)
    %barrier3A = arith.constant 0 : index
    tpu.barrier barrier_id(%barrier3A)
    %scan3A_30 = arith.constant 0 : i32
    %scan3A_31 = arith.constant 0 : i32
    %scan3A_32 = arith.constant 31 : i32
    %scan3A_33 = arith.addi %scan3A_31, %scan3A_32 : i32
    %scan3A_34 = arith.constant 1 : i32
    %scan3A_35 = scf.for %scan3A_52 = %scan3A_31 to %scan3A_33 step %scan3A_34 iter_args(%scan3A_53 = %scan3A_30) -> (i32)  : i32 {
      %mul3A_54 = arith.constant 4 : i32
      %mul3A_55 = arith.muli %scan3A_52, %mul3A_54 : i32
      %add3A_56 = arith.constant 0 : i32
      %add3A_57 = arith.addi %mul3A_55, %add3A_56 : i32
      %dma_wait3A_58 = tpu.memref_slice %arg2[%mul3A_2] : memref<320000xi32, #tpu.memory_space<hbm>> -> memref<80xi32, #tpu.memory_space<hbm>>
      %dma_wait3A_59 = tpu.memref_slice %arg2[%mul3A_2] : memref<320000xi32, #tpu.memory_space<hbm>> -> memref<80xi32, #tpu.memory_space<hbm>>
      tpu.wait_dma2 semaphore(%arg11 : memref<!tpu.dma_semaphore, #tpu.memory_space<semaphore_mem>>) src(%dma_wait3A_59 : memref<80xi32, #tpu.memory_space<hbm>>) dst(%arg4 : memref<80xi32, #tpu.memory_space<vmem>>)
      %dma_start3A_60 = arith.constant 0 : i32
      %dma_start3A_61 = tpu.memref_slice %arg10[%dma_start3A_60] : memref<10000xf32, #tpu.memory_space<vmem_shared>> -> memref<10000xf32, #tpu.memory_space<vmem_shared>>
      tpu.enqueue_indirect_dma source(%arg8 : memref<80xf32, #tpu.memory_space<vmem>>) target(%dma_start3A_61 : memref<10000xf32, #tpu.memory_space<vmem_shared>>) offsets(%arg4 : memref<80xi32, #tpu.memory_space<vmem>>) semaphore(%arg15 : memref<!tpu.dma_semaphore, #tpu.memory_space<semaphore_mem>>) {add = true}
      %add3A_62 = arith.constant 2 : i32
      %add3A_63 = arith.addi %add3A_57, %add3A_62 : i32
      %lt3A = arith.constant 125 : i32
      %lt3A_64 = arith.cmpi slt, %add3A_63, %lt3A : i32
      %convert_element_type3A = arith.extui %lt3A_64 : i1 to i32
      %cond3A = arith.constant 0 : i32
      %cond3A_65 = arith.cmpi ne, %convert_element_type3A, %cond3A : i32
      scf.if %cond3A_65 {
        %ge3A = arith.constant 4 : i32
        %ge3A_112 = arith.cmpi sge, %add3A_63, %ge3A : i32
        %convert_element_type3A_113 = arith.extui %ge3A_112 : i1 to i32
        %cond3A_114 = arith.constant 0 : i32
        %cond3A_115 = arith.cmpi ne, %convert_element_type3A_113, %cond3A_114 : i32
        scf.if %cond3A_115 {
          %dma_wait3A_121 = arith.constant 0 : i32
          %dma_wait3A_122 = tpu.memref_slice %arg10[%dma_wait3A_121] : memref<10000xf32, #tpu.memory_space<vmem_shared>> -> memref<10000xf32, #tpu.memory_space<vmem_shared>>
          tpu.wait_indirect_dma semaphore(%arg17 : memref<!tpu.dma_semaphore, #tpu.memory_space<semaphore_mem>>) src(%arg8 : memref<80xf32, #tpu.memory_space<vmem>>) dst(%dma_wait3A_122 : memref<10000xf32, #tpu.memory_space<vmem_shared>>)
        } else {
        }
        %mul3A_116 = arith.constant 80 : i32
        %mul3A_117 = arith.muli %add3A_63, %mul3A_116 : i32
        %add3A_118 = arith.addi %mul3A_2, %mul3A_117 : i32
        %dma_start3A_119 = tpu.memref_slice %arg2[%add3A_118] : memref<320000xi32, #tpu.memory_space<hbm>> -> memref<80xi32, #tpu.memory_space<hbm>>
        %dma_start3A_120 = tpu.memref_slice %arg2[%add3A_118] : memref<320000xi32, #tpu.memory_space<hbm>> -> memref<80xi32, #tpu.memory_space<hbm>>
        tpu.enqueue_dma source(%dma_start3A_120 : memref<80xi32, #tpu.memory_space<hbm>>) target(%arg6 : memref<80xi32, #tpu.memory_space<vmem>>) target_semaphore(%arg13 : memref<!tpu.dma_semaphore, #tpu.memory_space<semaphore_mem>>)
      } else {
      }
      %mul3A_66 = arith.constant 4 : i32
      %mul3A_67 = arith.muli %scan3A_52, %mul3A_66 : i32
      %add3A_68 = arith.constant 1 : i32
      %add3A_69 = arith.addi %mul3A_67, %add3A_68 : i32
      %dma_wait3A_70 = tpu.memref_slice %arg2[%mul3A_2] : memref<320000xi32, #tpu.memory_space<hbm>> -> memref<80xi32, #tpu.memory_space<hbm>>
      %dma_wait3A_71 = tpu.memref_slice %arg2[%mul3A_2] : memref<320000xi32, #tpu.memory_space<hbm>> -> memref<80xi32, #tpu.memory_space<hbm>>
      tpu.wait_dma2 semaphore(%arg12 : memref<!tpu.dma_semaphore, #tpu.memory_space<semaphore_mem>>) src(%dma_wait3A_71 : memref<80xi32, #tpu.memory_space<hbm>>) dst(%arg5 : memref<80xi32, #tpu.memory_space<vmem>>)
      %dma_start3A_72 = arith.constant 0 : i32
      %dma_start3A_73 = tpu.memref_slice %arg10[%dma_start3A_72] : memref<10000xf32, #tpu.memory_space<vmem_shared>> -> memref<10000xf32, #tpu.memory_space<vmem_shared>>
      tpu.enqueue_indirect_dma source(%arg8 : memref<80xf32, #tpu.memory_space<vmem>>) target(%dma_start3A_73 : memref<10000xf32, #tpu.memory_space<vmem_shared>>) offsets(%arg5 : memref<80xi32, #tpu.memory_space<vmem>>) semaphore(%arg16 : memref<!tpu.dma_semaphore, #tpu.memory_space<semaphore_mem>>) {add = true}
      %add3A_74 = arith.constant 2 : i32
      %add3A_75 = arith.addi %add3A_69, %add3A_74 : i32
      %lt3A_76 = arith.constant 125 : i32
      %lt3A_77 = arith.cmpi slt, %add3A_75, %lt3A_76 : i32
      %convert_element_type3A_78 = arith.extui %lt3A_77 : i1 to i32
      %cond3A_79 = arith.constant 0 : i32
      %cond3A_80 = arith.cmpi ne, %convert_element_type3A_78, %cond3A_79 : i32
      scf.if %cond3A_80 {
        %ge3A = arith.constant 4 : i32
        %ge3A_112 = arith.cmpi sge, %add3A_75, %ge3A : i32
        %convert_element_type3A_113 = arith.extui %ge3A_112 : i1 to i32
        %cond3A_114 = arith.constant 0 : i32
        %cond3A_115 = arith.cmpi ne, %convert_element_type3A_113, %cond3A_114 : i32
        scf.if %cond3A_115 {
          %dma_wait3A_121 = arith.constant 0 : i32
          %dma_wait3A_122 = tpu.memref_slice %arg10[%dma_wait3A_121] : memref<10000xf32, #tpu.memory_space<vmem_shared>> -> memref<10000xf32, #tpu.memory_space<vmem_shared>>
          tpu.wait_indirect_dma semaphore(%arg18 : memref<!tpu.dma_semaphore, #tpu.memory_space<semaphore_mem>>) src(%arg8 : memref<80xf32, #tpu.memory_space<vmem>>) dst(%dma_wait3A_122 : memref<10000xf32, #tpu.memory_space<vmem_shared>>)
        } else {
        }
        %mul3A_116 = arith.constant 80 : i32
        %mul3A_117 = arith.muli %add3A_75, %mul3A_116 : i32
        %add3A_118 = arith.addi %mul3A_2, %mul3A_117 : i32
        %dma_start3A_119 = tpu.memref_slice %arg2[%add3A_118] : memref<320000xi32, #tpu.memory_space<hbm>> -> memref<80xi32, #tpu.memory_space<hbm>>
        %dma_start3A_120 = tpu.memref_slice %arg2[%add3A_118] : memref<320000xi32, #tpu.memory_space<hbm>> -> memref<80xi32, #tpu.memory_space<hbm>>
        tpu.enqueue_dma source(%dma_start3A_120 : memref<80xi32, #tpu.memory_space<hbm>>) target(%arg7 : memref<80xi32, #tpu.memory_space<vmem>>) target_semaphore(%arg14 : memref<!tpu.dma_semaphore, #tpu.memory_space<semaphore_mem>>)
      } else {
      }
      %mul3A_81 = arith.constant 4 : i32
      %mul3A_82 = arith.muli %scan3A_52, %mul3A_81 : i32
      %add3A_83 = arith.constant 2 : i32
      %add3A_84 = arith.addi %mul3A_82, %add3A_83 : i32
      %dma_wait3A_85 = tpu.memref_slice %arg2[%mul3A_2] : memref<320000xi32, #tpu.memory_space<hbm>> -> memref<80xi32, #tpu.memory_space<hbm>>
      %dma_wait3A_86 = tpu.memref_slice %arg2[%mul3A_2] : memref<320000xi32, #tpu.memory_space<hbm>> -> memref<80xi32, #tpu.memory_space<hbm>>
      tpu.wait_dma2 semaphore(%arg13 : memref<!tpu.dma_semaphore, #tpu.memory_space<semaphore_mem>>) src(%dma_wait3A_86 : memref<80xi32, #tpu.memory_space<hbm>>) dst(%arg6 : memref<80xi32, #tpu.memory_space<vmem>>)
      %dma_start3A_87 = arith.constant 0 : i32
      %dma_start3A_88 = tpu.memref_slice %arg10[%dma_start3A_87] : memref<10000xf32, #tpu.memory_space<vmem_shared>> -> memref<10000xf32, #tpu.memory_space<vmem_shared>>
      tpu.enqueue_indirect_dma source(%arg8 : memref<80xf32, #tpu.memory_space<vmem>>) target(%dma_start3A_88 : memref<10000xf32, #tpu.memory_space<vmem_shared>>) offsets(%arg6 : memref<80xi32, #tpu.memory_space<vmem>>) semaphore(%arg17 : memref<!tpu.dma_semaphore, #tpu.memory_space<semaphore_mem>>) {add = true}
      %add3A_89 = arith.constant 2 : i32
      %add3A_90 = arith.addi %add3A_84, %add3A_89 : i32
      %lt3A_91 = arith.constant 125 : i32
      %lt3A_92 = arith.cmpi slt, %add3A_90, %lt3A_91 : i32
      %convert_element_type3A_93 = arith.extui %lt3A_92 : i1 to i32
      %cond3A_94 = arith.constant 0 : i32
      %cond3A_95 = arith.cmpi ne, %convert_element_type3A_93, %cond3A_94 : i32
      scf.if %cond3A_95 {
        %ge3A = arith.constant 4 : i32
        %ge3A_112 = arith.cmpi sge, %add3A_90, %ge3A : i32
        %convert_element_type3A_113 = arith.extui %ge3A_112 : i1 to i32
        %cond3A_114 = arith.constant 0 : i32
        %cond3A_115 = arith.cmpi ne, %convert_element_type3A_113, %cond3A_114 : i32
        scf.if %cond3A_115 {
          %dma_wait3A_121 = arith.constant 0 : i32
          %dma_wait3A_122 = tpu.memref_slice %arg10[%dma_wait3A_121] : memref<10000xf32, #tpu.memory_space<vmem_shared>> -> memref<10000xf32, #tpu.memory_space<vmem_shared>>
          tpu.wait_indirect_dma semaphore(%arg15 : memref<!tpu.dma_semaphore, #tpu.memory_space<semaphore_mem>>) src(%arg8 : memref<80xf32, #tpu.memory_space<vmem>>) dst(%dma_wait3A_122 : memref<10000xf32, #tpu.memory_space<vmem_shared>>)
        } else {
        }
        %mul3A_116 = arith.constant 80 : i32
        %mul3A_117 = arith.muli %add3A_90, %mul3A_116 : i32
        %add3A_118 = arith.addi %mul3A_2, %mul3A_117 : i32
        %dma_start3A_119 = tpu.memref_slice %arg2[%add3A_118] : memref<320000xi32, #tpu.memory_space<hbm>> -> memref<80xi32, #tpu.memory_space<hbm>>
        %dma_start3A_120 = tpu.memref_slice %arg2[%add3A_118] : memref<320000xi32, #tpu.memory_space<hbm>> -> memref<80xi32, #tpu.memory_space<hbm>>
        tpu.enqueue_dma source(%dma_start3A_120 : memref<80xi32, #tpu.memory_space<hbm>>) target(%arg4 : memref<80xi32, #tpu.memory_space<vmem>>) target_semaphore(%arg11 : memref<!tpu.dma_semaphore, #tpu.memory_space<semaphore_mem>>)
      } else {
      }
      %mul3A_96 = arith.constant 4 : i32
      %mul3A_97 = arith.muli %scan3A_52, %mul3A_96 : i32
      %add3A_98 = arith.constant 3 : i32
      %add3A_99 = arith.addi %mul3A_97, %add3A_98 : i32
      %dma_wait3A_100 = tpu.memref_slice %arg2[%mul3A_2] : memref<320000xi32, #tpu.memory_space<hbm>> -> memref<80xi32, #tpu.memory_space<hbm>>
      %dma_wait3A_101 = tpu.memref_slice %arg2[%mul3A_2] : memref<320000xi32, #tpu.memory_space<hbm>> -> memref<80xi32, #tpu.memory_space<hbm>>
      tpu.wait_dma2 semaphore(%arg14 : memref<!tpu.dma_semaphore, #tpu.memory_space<semaphore_mem>>) src(%dma_wait3A_101 : memref<80xi32, #tpu.memory_space<hbm>>) dst(%arg7 : memref<80xi32, #tpu.memory_space<vmem>>)
      %dma_start3A_102 = arith.constant 0 : i32
      %dma_start3A_103 = tpu.memref_slice %arg10[%dma_start3A_102] : memref<10000xf32, #tpu.memory_space<vmem_shared>> -> memref<10000xf32, #tpu.memory_space<vmem_shared>>
      tpu.enqueue_indirect_dma source(%arg8 : memref<80xf32, #tpu.memory_space<vmem>>) target(%dma_start3A_103 : memref<10000xf32, #tpu.memory_space<vmem_shared>>) offsets(%arg7 : memref<80xi32, #tpu.memory_space<vmem>>) semaphore(%arg18 : memref<!tpu.dma_semaphore, #tpu.memory_space<semaphore_mem>>) {add = true}
      %add3A_104 = arith.constant 2 : i32
      %add3A_105 = arith.addi %add3A_99, %add3A_104 : i32
      %lt3A_106 = arith.constant 125 : i32
      %lt3A_107 = arith.cmpi slt, %add3A_105, %lt3A_106 : i32
      %convert_element_type3A_108 = arith.extui %lt3A_107 : i1 to i32
      %cond3A_109 = arith.constant 0 : i32
      %cond3A_110 = arith.cmpi ne, %convert_element_type3A_108, %cond3A_109 : i32
      scf.if %cond3A_110 {
        %ge3A = arith.constant 4 : i32
        %ge3A_112 = arith.cmpi sge, %add3A_105, %ge3A : i32
        %convert_element_type3A_113 = arith.extui %ge3A_112 : i1 to i32
        %cond3A_114 = arith.constant 0 : i32
        %cond3A_115 = arith.cmpi ne, %convert_element_type3A_113, %cond3A_114 : i32
        scf.if %cond3A_115 {
          %dma_wait3A_121 = arith.constant 0 : i32
          %dma_wait3A_122 = tpu.memref_slice %arg10[%dma_wait3A_121] : memref<10000xf32, #tpu.memory_space<vmem_shared>> -> memref<10000xf32, #tpu.memory_space<vmem_shared>>
          tpu.wait_indirect_dma semaphore(%arg16 : memref<!tpu.dma_semaphore, #tpu.memory_space<semaphore_mem>>) src(%arg8 : memref<80xf32, #tpu.memory_space<vmem>>) dst(%dma_wait3A_122 : memref<10000xf32, #tpu.memory_space<vmem_shared>>)
        } else {
        }
        %mul3A_116 = arith.constant 80 : i32
        %mul3A_117 = arith.muli %add3A_105, %mul3A_116 : i32
        %add3A_118 = arith.addi %mul3A_2, %mul3A_117 : i32
        %dma_start3A_119 = tpu.memref_slice %arg2[%add3A_118] : memref<320000xi32, #tpu.memory_space<hbm>> -> memref<80xi32, #tpu.memory_space<hbm>>
        %dma_start3A_120 = tpu.memref_slice %arg2[%add3A_118] : memref<320000xi32, #tpu.memory_space<hbm>> -> memref<80xi32, #tpu.memory_space<hbm>>
        tpu.enqueue_dma source(%dma_start3A_120 : memref<80xi32, #tpu.memory_space<hbm>>) target(%arg5 : memref<80xi32, #tpu.memory_space<vmem>>) target_semaphore(%arg12 : memref<!tpu.dma_semaphore, #tpu.memory_space<semaphore_mem>>)
      } else {
      }
      %scan3A_111 = arith.constant 0 : i32
      scf.yield %scan3A_111 : i32
    }
    %scan3A_36 = arith.constant 31 : i32
    %dma_wait3A = arith.constant 0 : i32
    %dma_wait3A_37 = tpu.memref_slice %arg10[%dma_wait3A] : memref<10000xf32, #tpu.memory_space<vmem_shared>> -> memref<10000xf32, #tpu.memory_space<vmem_shared>>
    tpu.wait_indirect_dma semaphore(%arg16 : memref<!tpu.dma_semaphore, #tpu.memory_space<semaphore_mem>>) src(%arg8 : memref<80xf32, #tpu.memory_space<vmem>>) dst(%dma_wait3A_37 : memref<10000xf32, #tpu.memory_space<vmem_shared>>)
    %dma_wait3A_38 = arith.constant 0 : i32
    %dma_wait3A_39 = tpu.memref_slice %arg10[%dma_wait3A_38] : memref<10000xf32, #tpu.memory_space<vmem_shared>> -> memref<10000xf32, #tpu.memory_space<vmem_shared>>
    tpu.wait_indirect_dma semaphore(%arg17 : memref<!tpu.dma_semaphore, #tpu.memory_space<semaphore_mem>>) src(%arg8 : memref<80xf32, #tpu.memory_space<vmem>>) dst(%dma_wait3A_39 : memref<10000xf32, #tpu.memory_space<vmem_shared>>)
    %dma_wait3A_40 = arith.constant 0 : i32
    %dma_wait3A_41 = tpu.memref_slice %arg10[%dma_wait3A_40] : memref<10000xf32, #tpu.memory_space<vmem_shared>> -> memref<10000xf32, #tpu.memory_space<vmem_shared>>
    tpu.wait_indirect_dma semaphore(%arg18 : memref<!tpu.dma_semaphore, #tpu.memory_space<semaphore_mem>>) src(%arg8 : memref<80xf32, #tpu.memory_space<vmem>>) dst(%dma_wait3A_41 : memref<10000xf32, #tpu.memory_space<vmem_shared>>)
    %dma_wait3A_42 = tpu.memref_slice %arg2[%mul3A_2] : memref<320000xi32, #tpu.memory_space<hbm>> -> memref<80xi32, #tpu.memory_space<hbm>>
    %dma_wait3A_43 = tpu.memref_slice %arg2[%mul3A_2] : memref<320000xi32, #tpu.memory_space<hbm>> -> memref<80xi32, #tpu.memory_space<hbm>>
    tpu.wait_dma2 semaphore(%arg11 : memref<!tpu.dma_semaphore, #tpu.memory_space<semaphore_mem>>) src(%dma_wait3A_43 : memref<80xi32, #tpu.memory_space<hbm>>) dst(%arg4 : memref<80xi32, #tpu.memory_space<vmem>>)
    "tpu.region"() ({
      %run_scoped3A = tpu.sem_alloc : memref<!tpu.dma_semaphore, #tpu.memory_space<semaphore_mem>>
      %dma_start3A_52 = arith.constant 0 : i32
      %dma_start3A_53 = tpu.memref_slice %arg10[%dma_start3A_52] : memref<10000xf32, #tpu.memory_space<vmem_shared>> -> memref<10000xf32, #tpu.memory_space<vmem_shared>>
      tpu.enqueue_indirect_dma source(%arg8 : memref<80xf32, #tpu.memory_space<vmem>>) target(%dma_start3A_53 : memref<10000xf32, #tpu.memory_space<vmem_shared>>) offsets(%arg4 : memref<80xi32, #tpu.memory_space<vmem>>) semaphore(%run_scoped3A : memref<!tpu.dma_semaphore, #tpu.memory_space<semaphore_mem>>) {add = true}
      %dma_wait3A_54 = arith.constant 0 : i32
      %dma_wait3A_55 = tpu.memref_slice %arg10[%dma_wait3A_54] : memref<10000xf32, #tpu.memory_space<vmem_shared>> -> memref<10000xf32, #tpu.memory_space<vmem_shared>>
      tpu.wait_indirect_dma semaphore(%run_scoped3A : memref<!tpu.dma_semaphore, #tpu.memory_space<semaphore_mem>>) src(%arg8 : memref<80xf32, #tpu.memory_space<vmem>>) dst(%dma_wait3A_55 : memref<10000xf32, #tpu.memory_space<vmem_shared>>)
      tpu.yield
    }) : () -> ()
    %barrier3A_44 = arith.constant 0 : index
    tpu.barrier barrier_id(%barrier3A_44)
    %scan3A_45 = arith.constant 0 : i32
    %scan3A_46 = arith.constant 0 : i32
    %scan3A_47 = arith.constant 8 : i32
    %scan3A_48 = arith.addi %scan3A_46, %scan3A_47 : i32
    %scan3A_49 = arith.constant 1 : i32
    %scan3A_50 = scf.for %scan3A_52 = %scan3A_46 to %scan3A_48 step %scan3A_49 iter_args(%scan3A_53 = %scan3A_45) -> (i32)  : i32 {
      %mul3A_54 = arith.constant 16 : i32
      %mul3A_55 = arith.muli %scan3A_52, %mul3A_54 : i32
      %add3A_56 = arith.addi %mul3A_55, %arg1 : i32
      %lt3A = arith.constant 125 : i32
      %lt3A_57 = arith.cmpi slt, %add3A_56, %lt3A : i32
      %convert_element_type3A = arith.extui %lt3A_57 : i1 to i32
      %cond3A = arith.constant 0 : i32
      %cond3A_58 = arith.cmpi ne, %convert_element_type3A, %cond3A : i32
      scf.if %cond3A_58 {
        %mul3A_60 = arith.constant 80 : i32
        %mul3A_61 = arith.muli %add3A_56, %mul3A_60 : i32
        "tpu.region"() ({
          %run_scoped3A = tpu.sem_alloc : memref<!tpu.dma_semaphore, #tpu.memory_space<semaphore_mem>>
          %dma_start3A_67 = tpu.memref_slice %arg10[%mul3A_61] : memref<10000xf32, #tpu.memory_space<vmem_shared>> -> memref<80xf32, #tpu.memory_space<vmem_shared>>
          %dma_start3A_68 = tpu.memref_slice %arg10[%mul3A_61] : memref<10000xf32, #tpu.memory_space<vmem_shared>> -> memref<80xf32, #tpu.memory_space<vmem_shared>>
          tpu.enqueue_dma source(%dma_start3A_68 : memref<80xf32, #tpu.memory_space<vmem_shared>>) target(%arg9 : memref<80xf32, #tpu.memory_space<vmem>>) target_semaphore(%run_scoped3A : memref<!tpu.dma_semaphore, #tpu.memory_space<semaphore_mem>>)
          %dma_wait3A_69 = tpu.memref_slice %arg10[%mul3A_61] : memref<10000xf32, #tpu.memory_space<vmem_shared>> -> memref<80xf32, #tpu.memory_space<vmem_shared>>
          %dma_wait3A_70 = tpu.memref_slice %arg10[%mul3A_61] : memref<10000xf32, #tpu.memory_space<vmem_shared>> -> memref<80xf32, #tpu.memory_space<vmem_shared>>
          tpu.wait_dma2 semaphore(%run_scoped3A : memref<!tpu.dma_semaphore, #tpu.memory_space<semaphore_mem>>) src(%dma_wait3A_70 : memref<80xf32, #tpu.memory_space<vmem_shared>>) dst(%arg9 : memref<80xf32, #tpu.memory_space<vmem>>)
          tpu.yield
        }) : () -> ()
        %mul3A_62 = arith.constant 10000 : i32
        %mul3A_63 = arith.muli %arg0, %mul3A_62 : i32
        %mul3A_64 = arith.constant 80 : i32
        %mul3A_65 = arith.muli %add3A_56, %mul3A_64 : i32
        %add3A_66 = arith.addi %mul3A_63, %mul3A_65 : i32
        "tpu.region"() ({
          %run_scoped3A = tpu.sem_alloc : memref<!tpu.dma_semaphore, #tpu.memory_space<semaphore_mem>>
          %dma_start3A_67 = tpu.memref_slice %arg3[%add3A_66] : memref<20000xf32, #tpu.memory_space<hbm>> -> memref<80xf32, #tpu.memory_space<hbm>>
          %dma_start3A_68 = tpu.memref_slice %arg3[%add3A_66] : memref<20000xf32, #tpu.memory_space<hbm>> -> memref<80xf32, #tpu.memory_space<hbm>>
          tpu.enqueue_dma source(%arg9 : memref<80xf32, #tpu.memory_space<vmem>>) target(%dma_start3A_68 : memref<80xf32, #tpu.memory_space<hbm>>) target_semaphore(%run_scoped3A : memref<!tpu.dma_semaphore, #tpu.memory_space<semaphore_mem>>)
          %dma_wait3A_69 = tpu.memref_slice %arg3[%add3A_66] : memref<20000xf32, #tpu.memory_space<hbm>> -> memref<80xf32, #tpu.memory_space<hbm>>
          %dma_wait3A_70 = tpu.memref_slice %arg3[%add3A_66] : memref<20000xf32, #tpu.memory_space<hbm>> -> memref<80xf32, #tpu.memory_space<hbm>>
          tpu.wait_dma2 semaphore(%run_scoped3A : memref<!tpu.dma_semaphore, #tpu.memory_space<semaphore_mem>>) src(%arg9 : memref<80xf32, #tpu.memory_space<vmem>>) dst(%dma_wait3A_70 : memref<80xf32, #tpu.memory_space<hbm>>)
          tpu.yield
        }) : () -> ()
      } else {
      }
      %scan3A_59 = arith.constant 0 : i32
      scf.yield %scan3A_59 : i32
    }
    %scan3A_51 = arith.constant 8 : i32
    return
  }
}

#map = affine_map<(d0, d1) -> (0, 0)>
#map1 = affine_map<(d0, d1) -> (0)>
module attributes {stable_mosaic.version = 14 : i64} {
  func.func @_segsum_kernel(%arg0: i32, %arg1: i32, %arg2: memref<10000x128xf32, #tpu.memory_space<hbm>>, %arg3: memref<320000xi32, #tpu.memory_space<hbm>>, %arg4: memref<320000xi32, #tpu.memory_space<hbm>>, %arg5: memref<20000x128xf32, #tpu.memory_space<hbm>>, %arg6: memref<80xi32, #tpu.memory_space<vmem>>, %arg7: memref<80xi32, #tpu.memory_space<vmem>>, %arg8: memref<80xi32, #tpu.memory_space<vmem>>, %arg9: memref<80xi32, #tpu.memory_space<vmem>>, %arg10: memref<80xi32, #tpu.memory_space<vmem>>, %arg11: memref<80xi32, #tpu.memory_space<vmem>>, %arg12: memref<80xi32, #tpu.memory_space<vmem>>, %arg13: memref<80xi32, #tpu.memory_space<vmem>>, %arg14: memref<80x128xf32, #tpu.memory_space<vmem>>, %arg15: memref<80x128xf32, #tpu.memory_space<vmem>>, %arg16: memref<80x128xf32, #tpu.memory_space<vmem>>, %arg17: memref<80x128xf32, #tpu.memory_space<vmem>>, %arg18: memref<10000x128xf32, #tpu.memory_space<vmem_shared>>, %arg19: memref<!tpu.dma_semaphore, #tpu.memory_space<semaphore_mem>>, %arg20: memref<!tpu.dma_semaphore, #tpu.memory_space<semaphore_mem>>, %arg21: memref<!tpu.dma_semaphore, #tpu.memory_space<semaphore_mem>>, %arg22: memref<!tpu.dma_semaphore, #tpu.memory_space<semaphore_mem>>, %arg23: memref<!tpu.dma_semaphore, #tpu.memory_space<semaphore_mem>>, %arg24: memref<!tpu.dma_semaphore, #tpu.memory_space<semaphore_mem>>, %arg25: memref<!tpu.dma_semaphore, #tpu.memory_space<semaphore_mem>>, %arg26: memref<!tpu.dma_semaphore, #tpu.memory_space<semaphore_mem>>, %arg27: memref<!tpu.dma_semaphore, #tpu.memory_space<semaphore_mem>>, %arg28: memref<!tpu.dma_semaphore, #tpu.memory_space<semaphore_mem>>, %arg29: memref<!tpu.dma_semaphore, #tpu.memory_space<semaphore_mem>>, %arg30: memref<!tpu.dma_semaphore, #tpu.memory_space<semaphore_mem>>, %arg31: memref<!tpu.dma_semaphore, #tpu.memory_space<semaphore_mem>>, %arg32: memref<!tpu.dma_semaphore, #tpu.memory_space<semaphore_mem>>, %arg33: memref<!tpu.dma_semaphore, #tpu.memory_space<semaphore_mem>>, %arg34: memref<!tpu.dma_semaphore, #tpu.memory_space<semaphore_mem>>) attributes {dimension_semantics = [#tpu.dimension_semantics<core_parallel>, #tpu.dimension_semantics<subcore_parallel>], iteration_bounds = array<i64: 2, 16>, scalar_prefetch = 0 : i64, scratch_operands = 29 : i64, tpu.core_type = #tpu.core_type<sc_vector_subcore>, window_params = [{transform_indices = #map}, {transform_indices = #map1}, {transform_indices = #map1}, {transform_indices = #map}]} {
    %mul3A = arith.constant 16 : i32
    %mul3A_0 = arith.muli %arg0, %mul3A : i32
    %add3A = arith.addi %mul3A_0, %arg1 : i32
    %mul3A_1 = arith.constant 10000 : i32
    %mul3A_2 = arith.muli %add3A, %mul3A_1 : i32
    %scan3A = arith.constant 0 : i32
    %scan3A_3 = arith.constant 0 : i32
    %scan3A_4 = arith.constant 80 : i32
    %scan3A_5 = arith.addi %scan3A_3, %scan3A_4 : i32
    %scan3A_6 = arith.constant 1 : i32
    %scan3A_7 = scf.for %scan3A_73 = %scan3A_3 to %scan3A_5 step %scan3A_6 iter_args(%scan3A_74 = %scan3A) -> (i32)  : i32 {
      %scan3A_75 = arith.constant 0 : i32
      %scan3A_76 = arith.constant 0 : i32
      %scan3A_77 = arith.constant 8 : i32
      %scan3A_78 = arith.addi %scan3A_76, %scan3A_77 : i32
      %scan3A_79 = arith.constant 1 : i32
      %scan3A_80 = scf.for %scan3A_82 = %scan3A_76 to %scan3A_78 step %scan3A_79 iter_args(%scan3A_83 = %scan3A_75) -> (i32)  : i32 {
        %broadcast_in_dim3A = arith.constant 0.000000e+00 : f32
        %broadcast_in_dim3A_84 = vector.broadcast %broadcast_in_dim3A : f32 to vector<16xf32>
        %mul3A_85 = arith.constant 16 : i32
        %mul3A_86 = arith.muli %scan3A_82, %mul3A_85 : i32
        %swap3A = arith.index_cast %scan3A_73 : i32 to index
        %swap3A_87 = arith.index_cast %mul3A_86 : i32 to index
        %swap3A_88 = tpu.vector_load %arg14[%swap3A, %swap3A_87] {strides = array<i32>} : memref<80x128xf32, #tpu.memory_space<vmem>>, vector<1x16xf32>,
        %swap3A_89 = vector.shape_cast %swap3A_88 : vector<1x16xf32> to vector<16xf32>
        %swap3A_90 = vector.shape_cast %broadcast_in_dim3A_84 : vector<16xf32> to vector<1x16xf32>
        tpu.vector_store %arg14[%swap3A, %swap3A_87], %swap3A_90 {strides = array<i32>} : memref<80x128xf32, #tpu.memory_space<vmem>>, vector<1x16xf32>,
        %scan3A_91 = arith.constant 0 : i32
        scf.yield %scan3A_91 : i32
      }
      %scan3A_81 = arith.constant 8 : i32
      scf.yield %scan3A_80 : i32
    }
    %scan3A_8 = arith.constant 80 : i32
    %scan3A_9 = arith.constant 0 : i32
    %scan3A_10 = arith.constant 0 : i32
    %scan3A_11 = arith.constant 8 : i32
    %scan3A_12 = arith.addi %scan3A_10, %scan3A_11 : i32
    %scan3A_13 = arith.constant 1 : i32
    %scan3A_14 = scf.for %scan3A_73 = %scan3A_10 to %scan3A_12 step %scan3A_13 iter_args(%scan3A_74 = %scan3A_9) -> (i32)  : i32 {
      %mul3A_75 = arith.constant 16 : i32
      %mul3A_76 = arith.muli %scan3A_73, %mul3A_75 : i32
      %add3A_77 = arith.addi %mul3A_76, %arg1 : i32
      %lt3A = arith.constant 125 : i32
      %lt3A_78 = arith.cmpi slt, %add3A_77, %lt3A : i32
      %convert_element_type3A = arith.extui %lt3A_78 : i1 to i32
      %cond3A = arith.constant 0 : i32
      %cond3A_79 = arith.cmpi ne, %convert_element_type3A, %cond3A : i32
      scf.if %cond3A_79 {
        %mul3A_81 = arith.constant 80 : i32
        %mul3A_82 = arith.muli %add3A_77, %mul3A_81 : i32
        "tpu.region"() ({
          %run_scoped3A = tpu.sem_alloc : memref<!tpu.dma_semaphore, #tpu.memory_space<semaphore_mem>>
          %dma_start3A_83 = arith.constant 0 : i32
          %dma_start3A_84 = tpu.memref_slice %arg18[%mul3A_82, %dma_start3A_83] : memref<10000x128xf32, #tpu.memory_space<vmem_shared>> -> memref<80x128xf32, #tpu.memory_space<vmem_shared>>
          %dma_start3A_85 = arith.constant 0 : i32
          %dma_start3A_86 = tpu.memref_slice %arg18[%mul3A_82, %dma_start3A_85] : memref<10000x128xf32, #tpu.memory_space<vmem_shared>> -> memref<80x128xf32, #tpu.memory_space<vmem_shared>>
          tpu.enqueue_dma source(%arg14 : memref<80x128xf32, #tpu.memory_space<vmem>>) target(%dma_start3A_86 : memref<80x128xf32, #tpu.memory_space<vmem_shared>>) target_semaphore(%run_scoped3A : memref<!tpu.dma_semaphore, #tpu.memory_space<semaphore_mem>>)
          %dma_wait3A_87 = arith.constant 0 : i32
          %dma_wait3A_88 = tpu.memref_slice %arg18[%mul3A_82, %dma_wait3A_87] : memref<10000x128xf32, #tpu.memory_space<vmem_shared>> -> memref<80x128xf32, #tpu.memory_space<vmem_shared>>
          %dma_wait3A_89 = arith.constant 0 : i32
          %dma_wait3A_90 = tpu.memref_slice %arg18[%mul3A_82, %dma_wait3A_89] : memref<10000x128xf32, #tpu.memory_space<vmem_shared>> -> memref<80x128xf32, #tpu.memory_space<vmem_shared>>
          tpu.wait_dma2 semaphore(%run_scoped3A : memref<!tpu.dma_semaphore, #tpu.memory_space<semaphore_mem>>) src(%arg14 : memref<80x128xf32, #tpu.memory_space<vmem>>) dst(%dma_wait3A_90 : memref<80x128xf32, #tpu.memory_space<vmem_shared>>)
          tpu.yield
        }) : () -> ()
      } else {
      }
      %scan3A_80 = arith.constant 0 : i32
      scf.yield %scan3A_80 : i32
    }
    %scan3A_15 = arith.constant 8 : i32
    %add3A_16 = arith.constant 0 : i32
    %add3A_17 = arith.addi %mul3A_2, %add3A_16 : i32
    %dma_start3A = tpu.memref_slice %arg3[%add3A_17] : memref<320000xi32, #tpu.memory_space<hbm>> -> memref<80xi32, #tpu.memory_space<hbm>>
    %dma_start3A_18 = tpu.memref_slice %arg3[%add3A_17] : memref<320000xi32, #tpu.memory_space<hbm>> -> memref<80xi32, #tpu.memory_space<hbm>>
    tpu.enqueue_dma source(%dma_start3A_18 : memref<80xi32, #tpu.memory_space<hbm>>) target(%arg6 : memref<80xi32, #tpu.memory_space<vmem>>) target_semaphore(%arg19 : memref<!tpu.dma_semaphore, #tpu.memory_space<semaphore_mem>>)
    %add3A_19 = arith.constant 80 : i32
    %add3A_20 = arith.addi %mul3A_2, %add3A_19 : i32
    %dma_start3A_21 = tpu.memref_slice %arg3[%add3A_20] : memref<320000xi32, #tpu.memory_space<hbm>> -> memref<80xi32, #tpu.memory_space<hbm>>
    %dma_start3A_22 = tpu.memref_slice %arg3[%add3A_20] : memref<320000xi32, #tpu.memory_space<hbm>> -> memref<80xi32, #tpu.memory_space<hbm>>
    tpu.enqueue_dma source(%dma_start3A_22 : memref<80xi32, #tpu.memory_space<hbm>>) target(%arg7 : memref<80xi32, #tpu.memory_space<vmem>>) target_semaphore(%arg20 : memref<!tpu.dma_semaphore, #tpu.memory_space<semaphore_mem>>)
    %add3A_23 = arith.constant 160 : i32
    %add3A_24 = arith.addi %mul3A_2, %add3A_23 : i32
    %dma_start3A_25 = tpu.memref_slice %arg3[%add3A_24] : memref<320000xi32, #tpu.memory_space<hbm>> -> memref<80xi32, #tpu.memory_space<hbm>>
    %dma_start3A_26 = tpu.memref_slice %arg3[%add3A_24] : memref<320000xi32, #tpu.memory_space<hbm>> -> memref<80xi32, #tpu.memory_space<hbm>>
    tpu.enqueue_dma source(%dma_start3A_26 : memref<80xi32, #tpu.memory_space<hbm>>) target(%arg8 : memref<80xi32, #tpu.memory_space<vmem>>) target_semaphore(%arg21 : memref<!tpu.dma_semaphore, #tpu.memory_space<semaphore_mem>>)
    %dma_wait3A = tpu.memref_slice %arg3[%mul3A_2] : memref<320000xi32, #tpu.memory_space<hbm>> -> memref<80xi32, #tpu.memory_space<hbm>>
    %dma_wait3A_27 = tpu.memref_slice %arg3[%mul3A_2] : memref<320000xi32, #tpu.memory_space<hbm>> -> memref<80xi32, #tpu.memory_space<hbm>>
    tpu.wait_dma2 semaphore(%arg19 : memref<!tpu.dma_semaphore, #tpu.memory_space<semaphore_mem>>) src(%dma_wait3A_27 : memref<80xi32, #tpu.memory_space<hbm>>) dst(%arg6 : memref<80xi32, #tpu.memory_space<vmem>>)
    %dma_start3A_28 = arith.constant 0 : i32
    %dma_start3A_29 = arith.constant 0 : i32
    %dma_start3A_30 = tpu.memref_slice %arg2[%dma_start3A_28, %dma_start3A_29] : memref<10000x128xf32, #tpu.memory_space<hbm>> -> memref<10000x128xf32, #tpu.memory_space<hbm>>
    tpu.enqueue_indirect_dma source(%dma_start3A_30 : memref<10000x128xf32, #tpu.memory_space<hbm>>) target(%arg14 : memref<80x128xf32, #tpu.memory_space<vmem>>) offsets(%arg6 : memref<80xi32, #tpu.memory_space<vmem>>) semaphore(%arg23 : memref<!tpu.dma_semaphore, #tpu.memory_space<semaphore_mem>>)
    %add3A_31 = arith.constant 0 : i32
    %add3A_32 = arith.addi %mul3A_2, %add3A_31 : i32
    %dma_start3A_33 = tpu.memref_slice %arg4[%add3A_32] : memref<320000xi32, #tpu.memory_space<hbm>> -> memref<80xi32, #tpu.memory_space<hbm>>
    %dma_start3A_34 = tpu.memref_slice %arg4[%add3A_32] : memref<320000xi32, #tpu.memory_space<hbm>> -> memref<80xi32, #tpu.memory_space<hbm>>
    tpu.enqueue_dma source(%dma_start3A_34 : memref<80xi32, #tpu.memory_space<hbm>>) target(%arg10 : memref<80xi32, #tpu.memory_space<vmem>>) target_semaphore(%arg27 : memref<!tpu.dma_semaphore, #tpu.memory_space<semaphore_mem>>)
    %dma_wait3A_35 = tpu.memref_slice %arg3[%mul3A_2] : memref<320000xi32, #tpu.memory_space<hbm>> -> memref<80xi32, #tpu.memory_space<hbm>>
    %dma_wait3A_36 = tpu.memref_slice %arg3[%mul3A_2] : memref<320000xi32, #tpu.memory_space<hbm>> -> memref<80xi32, #tpu.memory_space<hbm>>
    tpu.wait_dma2 semaphore(%arg20 : memref<!tpu.dma_semaphore, #tpu.memory_space<semaphore_mem>>) src(%dma_wait3A_36 : memref<80xi32, #tpu.memory_space<hbm>>) dst(%arg7 : memref<80xi32, #tpu.memory_space<vmem>>)
    %dma_start3A_37 = arith.constant 0 : i32
    %dma_start3A_38 = arith.constant 0 : i32
    %dma_start3A_39 = tpu.memref_slice %arg2[%dma_start3A_37, %dma_start3A_38] : memref<10000x128xf32, #tpu.memory_space<hbm>> -> memref<10000x128xf32, #tpu.memory_space<hbm>>
    tpu.enqueue_indirect_dma source(%dma_start3A_39 : memref<10000x128xf32, #tpu.memory_space<hbm>>) target(%arg15 : memref<80x128xf32, #tpu.memory_space<vmem>>) offsets(%arg7 : memref<80xi32, #tpu.memory_space<vmem>>) semaphore(%arg24 : memref<!tpu.dma_semaphore, #tpu.memory_space<semaphore_mem>>)
    %add3A_40 = arith.constant 80 : i32
    %add3A_41 = arith.addi %mul3A_2, %add3A_40 : i32
    %dma_start3A_42 = tpu.memref_slice %arg4[%add3A_41] : memref<320000xi32, #tpu.memory_space<hbm>> -> memref<80xi32, #tpu.memory_space<hbm>>
    %dma_start3A_43 = tpu.memref_slice %arg4[%add3A_41] : memref<320000xi32, #tpu.memory_space<hbm>> -> memref<80xi32, #tpu.memory_space<hbm>>
    tpu.enqueue_dma source(%dma_start3A_43 : memref<80xi32, #tpu.memory_space<hbm>>) target(%arg11 : memref<80xi32, #tpu.memory_space<vmem>>) target_semaphore(%arg28 : memref<!tpu.dma_semaphore, #tpu.memory_space<semaphore_mem>>)
    %barrier3A = arith.constant 0 : index
    tpu.barrier barrier_id(%barrier3A)
    %scan3A_44 = arith.constant 0 : i32
    %scan3A_45 = arith.constant 0 : i32
    %scan3A_46 = arith.constant 31 : i32
    %scan3A_47 = arith.addi %scan3A_45, %scan3A_46 : i32
    %scan3A_48 = arith.constant 1 : i32
    %scan3A_49 = scf.for %scan3A_73 = %scan3A_45 to %scan3A_47 step %scan3A_48 iter_args(%scan3A_74 = %scan3A_44) -> (i32)  : i32 {
      %mul3A_75 = arith.constant 4 : i32
      %mul3A_76 = arith.muli %scan3A_73, %mul3A_75 : i32
      %add3A_77 = arith.constant 0 : i32
      %add3A_78 = arith.addi %mul3A_76, %add3A_77 : i32
      %dma_wait3A_79 = arith.constant 0 : i32
      %dma_wait3A_80 = arith.constant 0 : i32
      %dma_wait3A_81 = tpu.memref_slice %arg2[%dma_wait3A_79, %dma_wait3A_80] : memref<10000x128xf32, #tpu.memory_space<hbm>> -> memref<10000x128xf32, #tpu.memory_space<hbm>>
      tpu.wait_indirect_dma semaphore(%arg23 : memref<!tpu.dma_semaphore, #tpu.memory_space<semaphore_mem>>) src(%dma_wait3A_81 : memref<10000x128xf32, #tpu.memory_space<hbm>>) dst(%arg14 : memref<80x128xf32, #tpu.memory_space<vmem>>)
      %dma_wait3A_82 = tpu.memref_slice %arg4[%mul3A_2] : memref<320000xi32, #tpu.memory_space<hbm>> -> memref<80xi32, #tpu.memory_space<hbm>>
      %dma_wait3A_83 = tpu.memref_slice %arg4[%mul3A_2] : memref<320000xi32, #tpu.memory_space<hbm>> -> memref<80xi32, #tpu.memory_space<hbm>>
      tpu.wait_dma2 semaphore(%arg27 : memref<!tpu.dma_semaphore, #tpu.memory_space<semaphore_mem>>) src(%dma_wait3A_83 : memref<80xi32, #tpu.memory_space<hbm>>) dst(%arg10 : memref<80xi32, #tpu.memory_space<vmem>>)
      %dma_start3A_84 = arith.constant 0 : i32
      %dma_start3A_85 = arith.constant 0 : i32
      %dma_start3A_86 = tpu.memref_slice %arg18[%dma_start3A_84, %dma_start3A_85] : memref<10000x128xf32, #tpu.memory_space<vmem_shared>> -> memref<10000x128xf32, #tpu.memory_space<vmem_shared>>
      tpu.enqueue_indirect_dma source(%arg14 : memref<80x128xf32, #tpu.memory_space<vmem>>) target(%dma_start3A_86 : memref<10000x128xf32, #tpu.memory_space<vmem_shared>>) offsets(%arg10 : memref<80xi32, #tpu.memory_space<vmem>>) semaphore(%arg31 : memref<!tpu.dma_semaphore, #tpu.memory_space<semaphore_mem>>) {add = true}
      %add3A_87 = arith.constant 2 : i32
      %add3A_88 = arith.addi %add3A_78, %add3A_87 : i32
      %lt3A = arith.constant 125 : i32
      %lt3A_89 = arith.cmpi slt, %add3A_88, %lt3A : i32
      %convert_element_type3A = arith.extui %lt3A_89 : i1 to i32
      %cond3A = arith.constant 0 : i32
      %cond3A_90 = arith.cmpi ne, %convert_element_type3A, %cond3A : i32
      scf.if %cond3A_90 {
        %ge3A = arith.constant 4 : i32
        %ge3A_177 = arith.cmpi sge, %add3A_88, %ge3A : i32
        %convert_element_type3A_178 = arith.extui %ge3A_177 : i1 to i32
        %cond3A_179 = arith.constant 0 : i32
        %cond3A_180 = arith.cmpi ne, %convert_element_type3A_178, %cond3A_179 : i32
        scf.if %cond3A_180 {
          %dma_wait3A_191 = arith.constant 0 : i32
          %dma_wait3A_192 = arith.constant 0 : i32
          %dma_wait3A_193 = tpu.memref_slice %arg18[%dma_wait3A_191, %dma_wait3A_192] : memref<10000x128xf32, #tpu.memory_space<vmem_shared>> -> memref<10000x128xf32, #tpu.memory_space<vmem_shared>>
          tpu.wait_indirect_dma semaphore(%arg33 : memref<!tpu.dma_semaphore, #tpu.memory_space<semaphore_mem>>) src(%arg16 : memref<80x128xf32, #tpu.memory_space<vmem>>) dst(%dma_wait3A_193 : memref<10000x128xf32, #tpu.memory_space<vmem_shared>>)
        } else {
        }
        %dma_wait3A_181 = tpu.memref_slice %arg3[%mul3A_2] : memref<320000xi32, #tpu.memory_space<hbm>> -> memref<80xi32, #tpu.memory_space<hbm>>
        %dma_wait3A_182 = tpu.memref_slice %arg3[%mul3A_2] : memref<320000xi32, #tpu.memory_space<hbm>> -> memref<80xi32, #tpu.memory_space<hbm>>
        tpu.wait_dma2 semaphore(%arg21 : memref<!tpu.dma_semaphore, #tpu.memory_space<semaphore_mem>>) src(%dma_wait3A_182 : memref<80xi32, #tpu.memory_space<hbm>>) dst(%arg8 : memref<80xi32, #tpu.memory_space<vmem>>)
        %dma_start3A_183 = arith.constant 0 : i32
        %dma_start3A_184 = arith.constant 0 : i32
        %dma_start3A_185 = tpu.memref_slice %arg2[%dma_start3A_183, %dma_start3A_184] : memref<10000x128xf32, #tpu.memory_space<hbm>> -> memref<10000x128xf32, #tpu.memory_space<hbm>>
        tpu.enqueue_indirect_dma source(%dma_start3A_185 : memref<10000x128xf32, #tpu.memory_space<hbm>>) target(%arg16 : memref<80x128xf32, #tpu.memory_space<vmem>>) offsets(%arg8 : memref<80xi32, #tpu.memory_space<vmem>>) semaphore(%arg25 : memref<!tpu.dma_semaphore, #tpu.memory_space<semaphore_mem>>)
        %mul3A_186 = arith.constant 80 : i32
        %mul3A_187 = arith.muli %add3A_88, %mul3A_186 : i32
        %add3A_188 = arith.addi %mul3A_2, %mul3A_187 : i32
        %dma_start3A_189 = tpu.memref_slice %arg4[%add3A_188] : memref<320000xi32, #tpu.memory_space<hbm>> -> memref<80xi32, #tpu.memory_space<hbm>>
        %dma_start3A_190 = tpu.memref_slice %arg4[%add3A_188] : memref<320000xi32, #tpu.memory_space<hbm>> -> memref<80xi32, #tpu.memory_space<hbm>>
        tpu.enqueue_dma source(%dma_start3A_190 : memref<80xi32, #tpu.memory_space<hbm>>) target(%arg12 : memref<80xi32, #tpu.memory_space<vmem>>) target_semaphore(%arg29 : memref<!tpu.dma_semaphore, #tpu.memory_space<semaphore_mem>>)
      } else {
      }
      %add3A_91 = arith.constant 3 : i32
      %add3A_92 = arith.addi %add3A_78, %add3A_91 : i32
      %lt3A_93 = arith.constant 125 : i32
      %lt3A_94 = arith.cmpi slt, %add3A_92, %lt3A_93 : i32
      %convert_element_type3A_95 = arith.extui %lt3A_94 : i1 to i32
      %cond3A_96 = arith.constant 0 : i32
      %cond3A_97 = arith.cmpi ne, %convert_element_type3A_95, %cond3A_96 : i32
      scf.if %cond3A_97 {
        %mul3A_177 = arith.constant 80 : i32
        %mul3A_178 = arith.muli %add3A_92, %mul3A_177 : i32
        %add3A_179 = arith.addi %mul3A_2, %mul3A_178 : i32
        %dma_start3A_180 = tpu.memref_slice %arg3[%add3A_179] : memref<320000xi32, #tpu.memory_space<hbm>> -> memref<80xi32, #tpu.memory_space<hbm>>
        %dma_start3A_181 = tpu.memref_slice %arg3[%add3A_179] : memref<320000xi32, #tpu.memory_space<hbm>> -> memref<80xi32, #tpu.memory_space<hbm>>
        tpu.enqueue_dma source(%dma_start3A_181 : memref<80xi32, #tpu.memory_space<hbm>>) target(%arg9 : memref<80xi32, #tpu.memory_space<vmem>>) target_semaphore(%arg22 : memref<!tpu.dma_semaphore, #tpu.memory_space<semaphore_mem>>)
      } else {
      }
      %mul3A_98 = arith.constant 4 : i32
      %mul3A_99 = arith.muli %scan3A_73, %mul3A_98 : i32
      %add3A_100 = arith.constant 1 : i32
      %add3A_101 = arith.addi %mul3A_99, %add3A_100 : i32
      %dma_wait3A_102 = arith.constant 0 : i32
      %dma_wait3A_103 = arith.constant 0 : i32
      %dma_wait3A_104 = tpu.memref_slice %arg2[%dma_wait3A_102, %dma_wait3A_103] : memref<10000x128xf32, #tpu.memory_space<hbm>> -> memref<10000x128xf32, #tpu.memory_space<hbm>>
      tpu.wait_indirect_dma semaphore(%arg24 : memref<!tpu.dma_semaphore, #tpu.memory_space<semaphore_mem>>) src(%dma_wait3A_104 : memref<10000x128xf32, #tpu.memory_space<hbm>>) dst(%arg15 : memref<80x128xf32, #tpu.memory_space<vmem>>)
      %dma_wait3A_105 = tpu.memref_slice %arg4[%mul3A_2] : memref<320000xi32, #tpu.memory_space<hbm>> -> memref<80xi32, #tpu.memory_space<hbm>>
      %dma_wait3A_106 = tpu.memref_slice %arg4[%mul3A_2] : memref<320000xi32, #tpu.memory_space<hbm>> -> memref<80xi32, #tpu.memory_space<hbm>>
      tpu.wait_dma2 semaphore(%arg28 : memref<!tpu.dma_semaphore, #tpu.memory_space<semaphore_mem>>) src(%dma_wait3A_106 : memref<80xi32, #tpu.memory_space<hbm>>) dst(%arg11 : memref<80xi32, #tpu.memory_space<vmem>>)
      %dma_start3A_107 = arith.constant 0 : i32
      %dma_start3A_108 = arith.constant 0 : i32
      %dma_start3A_109 = tpu.memref_slice %arg18[%dma_start3A_107, %dma_start3A_108] : memref<10000x128xf32, #tpu.memory_space<vmem_shared>> -> memref<10000x128xf32, #tpu.memory_space<vmem_shared>>
      tpu.enqueue_indirect_dma source(%arg15 : memref<80x128xf32, #tpu.memory_space<vmem>>) target(%dma_start3A_109 : memref<10000x128xf32, #tpu.memory_space<vmem_shared>>) offsets(%arg11 : memref<80xi32, #tpu.memory_space<vmem>>) semaphore(%arg32 : memref<!tpu.dma_semaphore, #tpu.memory_space<semaphore_mem>>) {add = true}
      %add3A_110 = arith.constant 2 : i32
      %add3A_111 = arith.addi %add3A_101, %add3A_110 : i32
      %lt3A_112 = arith.constant 125 : i32
      %lt3A_113 = arith.cmpi slt, %add3A_111, %lt3A_112 : i32
      %convert_element_type3A_114 = arith.extui %lt3A_113 : i1 to i32
      %cond3A_115 = arith.constant 0 : i32
      %cond3A_116 = arith.cmpi ne, %convert_element_type3A_114, %cond3A_115 : i32
      scf.if %cond3A_116 {
        %ge3A = arith.constant 4 : i32
        %ge3A_177 = arith.cmpi sge, %add3A_111, %ge3A : i32
        %convert_element_type3A_178 = arith.extui %ge3A_177 : i1 to i32
        %cond3A_179 = arith.constant 0 : i32
        %cond3A_180 = arith.cmpi ne, %convert_element_type3A_178, %cond3A_179 : i32
        scf.if %cond3A_180 {
          %dma_wait3A_191 = arith.constant 0 : i32
          %dma_wait3A_192 = arith.constant 0 : i32
          %dma_wait3A_193 = tpu.memref_slice %arg18[%dma_wait3A_191, %dma_wait3A_192] : memref<10000x128xf32, #tpu.memory_space<vmem_shared>> -> memref<10000x128xf32, #tpu.memory_space<vmem_shared>>
          tpu.wait_indirect_dma semaphore(%arg34 : memref<!tpu.dma_semaphore, #tpu.memory_space<semaphore_mem>>) src(%arg17 : memref<80x128xf32, #tpu.memory_space<vmem>>) dst(%dma_wait3A_193 : memref<10000x128xf32, #tpu.memory_space<vmem_shared>>)
        } else {
        }
        %dma_wait3A_181 = tpu.memref_slice %arg3[%mul3A_2] : memref<320000xi32, #tpu.memory_space<hbm>> -> memref<80xi32, #tpu.memory_space<hbm>>
        %dma_wait3A_182 = tpu.memref_slice %arg3[%mul3A_2] : memref<320000xi32, #tpu.memory_space<hbm>> -> memref<80xi32, #tpu.memory_space<hbm>>
        tpu.wait_dma2 semaphore(%arg22 : memref<!tpu.dma_semaphore, #tpu.memory_space<semaphore_mem>>) src(%dma_wait3A_182 : memref<80xi32, #tpu.memory_space<hbm>>) dst(%arg9 : memref<80xi32, #tpu.memory_space<vmem>>)
        %dma_start3A_183 = arith.constant 0 : i32
        %dma_start3A_184 = arith.constant 0 : i32
        %dma_start3A_185 = tpu.memref_slice %arg2[%dma_start3A_183, %dma_start3A_184] : memref<10000x128xf32, #tpu.memory_space<hbm>> -> memref<10000x128xf32, #tpu.memory_space<hbm>>
        tpu.enqueue_indirect_dma source(%dma_start3A_185 : memref<10000x128xf32, #tpu.memory_space<hbm>>) target(%arg17 : memref<80x128xf32, #tpu.memory_space<vmem>>) offsets(%arg9 : memref<80xi32, #tpu.memory_space<vmem>>) semaphore(%arg26 : memref<!tpu.dma_semaphore, #tpu.memory_space<semaphore_mem>>)
        %mul3A_186 = arith.constant 80 : i32
        %mul3A_187 = arith.muli %add3A_111, %mul3A_186 : i32
        %add3A_188 = arith.addi %mul3A_2, %mul3A_187 : i32
        %dma_start3A_189 = tpu.memref_slice %arg4[%add3A_188] : memref<320000xi32, #tpu.memory_space<hbm>> -> memref<80xi32, #tpu.memory_space<hbm>>
        %dma_start3A_190 = tpu.memref_slice %arg4[%add3A_188] : memref<320000xi32, #tpu.memory_space<hbm>> -> memref<80xi32, #tpu.memory_space<hbm>>
        tpu.enqueue_dma source(%dma_start3A_190 : memref<80xi32, #tpu.memory_space<hbm>>) target(%arg13 : memref<80xi32, #tpu.memory_space<vmem>>) target_semaphore(%arg30 : memref<!tpu.dma_semaphore, #tpu.memory_space<semaphore_mem>>)
      } else {
      }
      %add3A_117 = arith.constant 3 : i32
      %add3A_118 = arith.addi %add3A_101, %add3A_117 : i32
      %lt3A_119 = arith.constant 125 : i32
      %lt3A_120 = arith.cmpi slt, %add3A_118, %lt3A_119 : i32
      %convert_element_type3A_121 = arith.extui %lt3A_120 : i1 to i32
      %cond3A_122 = arith.constant 0 : i32
      %cond3A_123 = arith.cmpi ne, %convert_element_type3A_121, %cond3A_122 : i32
      scf.if %cond3A_123 {
        %mul3A_177 = arith.constant 80 : i32
        %mul3A_178 = arith.muli %add3A_118, %mul3A_177 : i32
        %add3A_179 = arith.addi %mul3A_2, %mul3A_178 : i32
        %dma_start3A_180 = tpu.memref_slice %arg3[%add3A_179] : memref<320000xi32, #tpu.memory_space<hbm>> -> memref<80xi32, #tpu.memory_space<hbm>>
        %dma_start3A_181 = tpu.memref_slice %arg3[%add3A_179] : memref<320000xi32, #tpu.memory_space<hbm>> -> memref<80xi32, #tpu.memory_space<hbm>>
        tpu.enqueue_dma source(%dma_start3A_181 : memref<80xi32, #tpu.memory_space<hbm>>) target(%arg6 : memref<80xi32, #tpu.memory_space<vmem>>) target_semaphore(%arg19 : memref<!tpu.dma_semaphore, #tpu.memory_space<semaphore_mem>>)
      } else {
      }
      %mul3A_124 = arith.constant 4 : i32
      %mul3A_125 = arith.muli %scan3A_73, %mul3A_124 : i32
      %add3A_126 = arith.constant 2 : i32
      %add3A_127 = arith.addi %mul3A_125, %add3A_126 : i32
      %dma_wait3A_128 = arith.constant 0 : i32
      %dma_wait3A_129 = arith.constant 0 : i32
      %dma_wait3A_130 = tpu.memref_slice %arg2[%dma_wait3A_128, %dma_wait3A_129] : memref<10000x128xf32, #tpu.memory_space<hbm>> -> memref<10000x128xf32, #tpu.memory_space<hbm>>
      tpu.wait_indirect_dma semaphore(%arg25 : memref<!tpu.dma_semaphore, #tpu.memory_space<semaphore_mem>>) src(%dma_wait3A_130 : memref<10000x128xf32, #tpu.memory_space<hbm>>) dst(%arg16 : memref<80x128xf32, #tpu.memory_space<vmem>>)
      %dma_wait3A_131 = tpu.memref_slice %arg4[%mul3A_2] : memref<320000xi32, #tpu.memory_space<hbm>> -> memref<80xi32, #tpu.memory_space<hbm>>
      %dma_wait3A_132 = tpu.memref_slice %arg4[%mul3A_2] : memref<320000xi32, #tpu.memory_space<hbm>> -> memref<80xi32, #tpu.memory_space<hbm>>
      tpu.wait_dma2 semaphore(%arg29 : memref<!tpu.dma_semaphore, #tpu.memory_space<semaphore_mem>>) src(%dma_wait3A_132 : memref<80xi32, #tpu.memory_space<hbm>>) dst(%arg12 : memref<80xi32, #tpu.memory_space<vmem>>)
      %dma_start3A_133 = arith.constant 0 : i32
      %dma_start3A_134 = arith.constant 0 : i32
      %dma_start3A_135 = tpu.memref_slice %arg18[%dma_start3A_133, %dma_start3A_134] : memref<10000x128xf32, #tpu.memory_space<vmem_shared>> -> memref<10000x128xf32, #tpu.memory_space<vmem_shared>>
      tpu.enqueue_indirect_dma source(%arg16 : memref<80x128xf32, #tpu.memory_space<vmem>>) target(%dma_start3A_135 : memref<10000x128xf32, #tpu.memory_space<vmem_shared>>) offsets(%arg12 : memref<80xi32, #tpu.memory_space<vmem>>) semaphore(%arg33 : memref<!tpu.dma_semaphore, #tpu.memory_space<semaphore_mem>>) {add = true}
      %add3A_136 = arith.constant 2 : i32
      %add3A_137 = arith.addi %add3A_127, %add3A_136 : i32
      %lt3A_138 = arith.constant 125 : i32
      %lt3A_139 = arith.cmpi slt, %add3A_137, %lt3A_138 : i32
      %convert_element_type3A_140 = arith.extui %lt3A_139 : i1 to i32
      %cond3A_141 = arith.constant 0 : i32
      %cond3A_142 = arith.cmpi ne, %convert_element_type3A_140, %cond3A_141 : i32
      scf.if %cond3A_142 {
        %ge3A = arith.constant 4 : i32
        %ge3A_177 = arith.cmpi sge, %add3A_137, %ge3A : i32
        %convert_element_type3A_178 = arith.extui %ge3A_177 : i1 to i32
        %cond3A_179 = arith.constant 0 : i32
        %cond3A_180 = arith.cmpi ne, %convert_element_type3A_178, %cond3A_179 : i32
        scf.if %cond3A_180 {
          %dma_wait3A_191 = arith.constant 0 : i32
          %dma_wait3A_192 = arith.constant 0 : i32
          %dma_wait3A_193 = tpu.memref_slice %arg18[%dma_wait3A_191, %dma_wait3A_192] : memref<10000x128xf32, #tpu.memory_space<vmem_shared>> -> memref<10000x128xf32, #tpu.memory_space<vmem_shared>>
          tpu.wait_indirect_dma semaphore(%arg31 : memref<!tpu.dma_semaphore, #tpu.memory_space<semaphore_mem>>) src(%arg14 : memref<80x128xf32, #tpu.memory_space<vmem>>) dst(%dma_wait3A_193 : memref<10000x128xf32, #tpu.memory_space<vmem_shared>>)
        } else {
        }
        %dma_wait3A_181 = tpu.memref_slice %arg3[%mul3A_2] : memref<320000xi32, #tpu.memory_space<hbm>> -> memref<80xi32, #tpu.memory_space<hbm>>
        %dma_wait3A_182 = tpu.memref_slice %arg3[%mul3A_2] : memref<320000xi32, #tpu.memory_space<hbm>> -> memref<80xi32, #tpu.memory_space<hbm>>
        tpu.wait_dma2 semaphore(%arg19 : memref<!tpu.dma_semaphore, #tpu.memory_space<semaphore_mem>>) src(%dma_wait3A_182 : memref<80xi32, #tpu.memory_space<hbm>>) dst(%arg6 : memref<80xi32, #tpu.memory_space<vmem>>)
        %dma_start3A_183 = arith.constant 0 : i32
        %dma_start3A_184 = arith.constant 0 : i32
        %dma_start3A_185 = tpu.memref_slice %arg2[%dma_start3A_183, %dma_start3A_184] : memref<10000x128xf32, #tpu.memory_space<hbm>> -> memref<10000x128xf32, #tpu.memory_space<hbm>>
        tpu.enqueue_indirect_dma source(%dma_start3A_185 : memref<10000x128xf32, #tpu.memory_space<hbm>>) target(%arg14 : memref<80x128xf32, #tpu.memory_space<vmem>>) offsets(%arg6 : memref<80xi32, #tpu.memory_space<vmem>>) semaphore(%arg23 : memref<!tpu.dma_semaphore, #tpu.memory_space<semaphore_mem>>)
        %mul3A_186 = arith.constant 80 : i32
        %mul3A_187 = arith.muli %add3A_137, %mul3A_186 : i32
        %add3A_188 = arith.addi %mul3A_2, %mul3A_187 : i32
        %dma_start3A_189 = tpu.memref_slice %arg4[%add3A_188] : memref<320000xi32, #tpu.memory_space<hbm>> -> memref<80xi32, #tpu.memory_space<hbm>>
        %dma_start3A_190 = tpu.memref_slice %arg4[%add3A_188] : memref<320000xi32, #tpu.memory_space<hbm>> -> memref<80xi32, #tpu.memory_space<hbm>>
        tpu.enqueue_dma source(%dma_start3A_190 : memref<80xi32, #tpu.memory_space<hbm>>) target(%arg10 : memref<80xi32, #tpu.memory_space<vmem>>) target_semaphore(%arg27 : memref<!tpu.dma_semaphore, #tpu.memory_space<semaphore_mem>>)
      } else {
      }
      %add3A_143 = arith.constant 3 : i32
      %add3A_144 = arith.addi %add3A_127, %add3A_143 : i32
      %lt3A_145 = arith.constant 125 : i32
      %lt3A_146 = arith.cmpi slt, %add3A_144, %lt3A_145 : i32
      %convert_element_type3A_147 = arith.extui %lt3A_146 : i1 to i32
      %cond3A_148 = arith.constant 0 : i32
      %cond3A_149 = arith.cmpi ne, %convert_element_type3A_147, %cond3A_148 : i32
      scf.if %cond3A_149 {
        %mul3A_177 = arith.constant 80 : i32
        %mul3A_178 = arith.muli %add3A_144, %mul3A_177 : i32
        %add3A_179 = arith.addi %mul3A_2, %mul3A_178 : i32
        %dma_start3A_180 = tpu.memref_slice %arg3[%add3A_179] : memref<320000xi32, #tpu.memory_space<hbm>> -> memref<80xi32, #tpu.memory_space<hbm>>
        %dma_start3A_181 = tpu.memref_slice %arg3[%add3A_179] : memref<320000xi32, #tpu.memory_space<hbm>> -> memref<80xi32, #tpu.memory_space<hbm>>
        tpu.enqueue_dma source(%dma_start3A_181 : memref<80xi32, #tpu.memory_space<hbm>>) target(%arg7 : memref<80xi32, #tpu.memory_space<vmem>>) target_semaphore(%arg20 : memref<!tpu.dma_semaphore, #tpu.memory_space<semaphore_mem>>)
      } else {
      }
      %mul3A_150 = arith.constant 4 : i32
      %mul3A_151 = arith.muli %scan3A_73, %mul3A_150 : i32
      %add3A_152 = arith.constant 3 : i32
      %add3A_153 = arith.addi %mul3A_151, %add3A_152 : i32
      %dma_wait3A_154 = arith.constant 0 : i32
      %dma_wait3A_155 = arith.constant 0 : i32
      %dma_wait3A_156 = tpu.memref_slice %arg2[%dma_wait3A_154, %dma_wait3A_155] : memref<10000x128xf32, #tpu.memory_space<hbm>> -> memref<10000x128xf32, #tpu.memory_space<hbm>>
      tpu.wait_indirect_dma semaphore(%arg26 : memref<!tpu.dma_semaphore, #tpu.memory_space<semaphore_mem>>) src(%dma_wait3A_156 : memref<10000x128xf32, #tpu.memory_space<hbm>>) dst(%arg17 : memref<80x128xf32, #tpu.memory_space<vmem>>)
      %dma_wait3A_157 = tpu.memref_slice %arg4[%mul3A_2] : memref<320000xi32, #tpu.memory_space<hbm>> -> memref<80xi32, #tpu.memory_space<hbm>>
      %dma_wait3A_158 = tpu.memref_slice %arg4[%mul3A_2] : memref<320000xi32, #tpu.memory_space<hbm>> -> memref<80xi32, #tpu.memory_space<hbm>>
      tpu.wait_dma2 semaphore(%arg30 : memref<!tpu.dma_semaphore, #tpu.memory_space<semaphore_mem>>) src(%dma_wait3A_158 : memref<80xi32, #tpu.memory_space<hbm>>) dst(%arg13 : memref<80xi32, #tpu.memory_space<vmem>>)
      %dma_start3A_159 = arith.constant 0 : i32
      %dma_start3A_160 = arith.constant 0 : i32
      %dma_start3A_161 = tpu.memref_slice %arg18[%dma_start3A_159, %dma_start3A_160] : memref<10000x128xf32, #tpu.memory_space<vmem_shared>> -> memref<10000x128xf32, #tpu.memory_space<vmem_shared>>
      tpu.enqueue_indirect_dma source(%arg17 : memref<80x128xf32, #tpu.memory_space<vmem>>) target(%dma_start3A_161 : memref<10000x128xf32, #tpu.memory_space<vmem_shared>>) offsets(%arg13 : memref<80xi32, #tpu.memory_space<vmem>>) semaphore(%arg34 : memref<!tpu.dma_semaphore, #tpu.memory_space<semaphore_mem>>) {add = true}
      %add3A_162 = arith.constant 2 : i32
      %add3A_163 = arith.addi %add3A_153, %add3A_162 : i32
      %lt3A_164 = arith.constant 125 : i32
      %lt3A_165 = arith.cmpi slt, %add3A_163, %lt3A_164 : i32
      %convert_element_type3A_166 = arith.extui %lt3A_165 : i1 to i32
      %cond3A_167 = arith.constant 0 : i32
      %cond3A_168 = arith.cmpi ne, %convert_element_type3A_166, %cond3A_167 : i32
      scf.if %cond3A_168 {
        %ge3A = arith.constant 4 : i32
        %ge3A_177 = arith.cmpi sge, %add3A_163, %ge3A : i32
        %convert_element_type3A_178 = arith.extui %ge3A_177 : i1 to i32
        %cond3A_179 = arith.constant 0 : i32
        %cond3A_180 = arith.cmpi ne, %convert_element_type3A_178, %cond3A_179 : i32
        scf.if %cond3A_180 {
          %dma_wait3A_191 = arith.constant 0 : i32
          %dma_wait3A_192 = arith.constant 0 : i32
          %dma_wait3A_193 = tpu.memref_slice %arg18[%dma_wait3A_191, %dma_wait3A_192] : memref<10000x128xf32, #tpu.memory_space<vmem_shared>> -> memref<10000x128xf32, #tpu.memory_space<vmem_shared>>
          tpu.wait_indirect_dma semaphore(%arg32 : memref<!tpu.dma_semaphore, #tpu.memory_space<semaphore_mem>>) src(%arg15 : memref<80x128xf32, #tpu.memory_space<vmem>>) dst(%dma_wait3A_193 : memref<10000x128xf32, #tpu.memory_space<vmem_shared>>)
        } else {
        }
        %dma_wait3A_181 = tpu.memref_slice %arg3[%mul3A_2] : memref<320000xi32, #tpu.memory_space<hbm>> -> memref<80xi32, #tpu.memory_space<hbm>>
        %dma_wait3A_182 = tpu.memref_slice %arg3[%mul3A_2] : memref<320000xi32, #tpu.memory_space<hbm>> -> memref<80xi32, #tpu.memory_space<hbm>>
        tpu.wait_dma2 semaphore(%arg20 : memref<!tpu.dma_semaphore, #tpu.memory_space<semaphore_mem>>) src(%dma_wait3A_182 : memref<80xi32, #tpu.memory_space<hbm>>) dst(%arg7 : memref<80xi32, #tpu.memory_space<vmem>>)
        %dma_start3A_183 = arith.constant 0 : i32
        %dma_start3A_184 = arith.constant 0 : i32
        %dma_start3A_185 = tpu.memref_slice %arg2[%dma_start3A_183, %dma_start3A_184] : memref<10000x128xf32, #tpu.memory_space<hbm>> -> memref<10000x128xf32, #tpu.memory_space<hbm>>
        tpu.enqueue_indirect_dma source(%dma_start3A_185 : memref<10000x128xf32, #tpu.memory_space<hbm>>) target(%arg15 : memref<80x128xf32, #tpu.memory_space<vmem>>) offsets(%arg7 : memref<80xi32, #tpu.memory_space<vmem>>) semaphore(%arg24 : memref<!tpu.dma_semaphore, #tpu.memory_space<semaphore_mem>>)
        %mul3A_186 = arith.constant 80 : i32
        %mul3A_187 = arith.muli %add3A_163, %mul3A_186 : i32
        %add3A_188 = arith.addi %mul3A_2, %mul3A_187 : i32
        %dma_start3A_189 = tpu.memref_slice %arg4[%add3A_188] : memref<320000xi32, #tpu.memory_space<hbm>> -> memref<80xi32, #tpu.memory_space<hbm>>
        %dma_start3A_190 = tpu.memref_slice %arg4[%add3A_188] : memref<320000xi32, #tpu.memory_space<hbm>> -> memref<80xi32, #tpu.memory_space<hbm>>
        tpu.enqueue_dma source(%dma_start3A_190 : memref<80xi32, #tpu.memory_space<hbm>>) target(%arg11 : memref<80xi32, #tpu.memory_space<vmem>>) target_semaphore(%arg28 : memref<!tpu.dma_semaphore, #tpu.memory_space<semaphore_mem>>)
      } else {
      }
      %add3A_169 = arith.constant 3 : i32
      %add3A_170 = arith.addi %add3A_153, %add3A_169 : i32
      %lt3A_171 = arith.constant 125 : i32
      %lt3A_172 = arith.cmpi slt, %add3A_170, %lt3A_171 : i32
      %convert_element_type3A_173 = arith.extui %lt3A_172 : i1 to i32
      %cond3A_174 = arith.constant 0 : i32
      %cond3A_175 = arith.cmpi ne, %convert_element_type3A_173, %cond3A_174 : i32
      scf.if %cond3A_175 {
        %mul3A_177 = arith.constant 80 : i32
        %mul3A_178 = arith.muli %add3A_170, %mul3A_177 : i32
        %add3A_179 = arith.addi %mul3A_2, %mul3A_178 : i32
        %dma_start3A_180 = tpu.memref_slice %arg3[%add3A_179] : memref<320000xi32, #tpu.memory_space<hbm>> -> memref<80xi32, #tpu.memory_space<hbm>>
        %dma_start3A_181 = tpu.memref_slice %arg3[%add3A_179] : memref<320000xi32, #tpu.memory_space<hbm>> -> memref<80xi32, #tpu.memory_space<hbm>>
        tpu.enqueue_dma source(%dma_start3A_181 : memref<80xi32, #tpu.memory_space<hbm>>) target(%arg8 : memref<80xi32, #tpu.memory_space<vmem>>) target_semaphore(%arg21 : memref<!tpu.dma_semaphore, #tpu.memory_space<semaphore_mem>>)
      } else {
      }
      %scan3A_176 = arith.constant 0 : i32
      scf.yield %scan3A_176 : i32
    }
    %scan3A_50 = arith.constant 31 : i32
    %dma_wait3A_51 = arith.constant 0 : i32
    %dma_wait3A_52 = arith.constant 0 : i32
    %dma_wait3A_53 = tpu.memref_slice %arg18[%dma_wait3A_51, %dma_wait3A_52] : memref<10000x128xf32, #tpu.memory_space<vmem_shared>> -> memref<10000x128xf32, #tpu.memory_space<vmem_shared>>
    tpu.wait_indirect_dma semaphore(%arg32 : memref<!tpu.dma_semaphore, #tpu.memory_space<semaphore_mem>>) src(%arg15 : memref<80x128xf32, #tpu.memory_space<vmem>>) dst(%dma_wait3A_53 : memref<10000x128xf32, #tpu.memory_space<vmem_shared>>)
    %dma_wait3A_54 = arith.constant 0 : i32
    %dma_wait3A_55 = arith.constant 0 : i32
    %dma_wait3A_56 = tpu.memref_slice %arg18[%dma_wait3A_54, %dma_wait3A_55] : memref<10000x128xf32, #tpu.memory_space<vmem_shared>> -> memref<10000x128xf32, #tpu.memory_space<vmem_shared>>
    tpu.wait_indirect_dma semaphore(%arg33 : memref<!tpu.dma_semaphore, #tpu.memory_space<semaphore_mem>>) src(%arg16 : memref<80x128xf32, #tpu.memory_space<vmem>>) dst(%dma_wait3A_56 : memref<10000x128xf32, #tpu.memory_space<vmem_shared>>)
    %dma_wait3A_57 = arith.constant 0 : i32
    %dma_wait3A_58 = arith.constant 0 : i32
    %dma_wait3A_59 = tpu.memref_slice %arg18[%dma_wait3A_57, %dma_wait3A_58] : memref<10000x128xf32, #tpu.memory_space<vmem_shared>> -> memref<10000x128xf32, #tpu.memory_space<vmem_shared>>
    tpu.wait_indirect_dma semaphore(%arg34 : memref<!tpu.dma_semaphore, #tpu.memory_space<semaphore_mem>>) src(%arg17 : memref<80x128xf32, #tpu.memory_space<vmem>>) dst(%dma_wait3A_59 : memref<10000x128xf32, #tpu.memory_space<vmem_shared>>)
    %dma_wait3A_60 = arith.constant 0 : i32
    %dma_wait3A_61 = arith.constant 0 : i32
    %dma_wait3A_62 = tpu.memref_slice %arg2[%dma_wait3A_60, %dma_wait3A_61] : memref<10000x128xf32, #tpu.memory_space<hbm>> -> memref<10000x128xf32, #tpu.memory_space<hbm>>
    tpu.wait_indirect_dma semaphore(%arg23 : memref<!tpu.dma_semaphore, #tpu.memory_space<semaphore_mem>>) src(%dma_wait3A_62 : memref<10000x128xf32, #tpu.memory_space<hbm>>) dst(%arg14 : memref<80x128xf32, #tpu.memory_space<vmem>>)
    %dma_wait3A_63 = tpu.memref_slice %arg4[%mul3A_2] : memref<320000xi32, #tpu.memory_space<hbm>> -> memref<80xi32, #tpu.memory_space<hbm>>
    %dma_wait3A_64 = tpu.memref_slice %arg4[%mul3A_2] : memref<320000xi32, #tpu.memory_space<hbm>> -> memref<80xi32, #tpu.memory_space<hbm>>
    tpu.wait_dma2 semaphore(%arg27 : memref<!tpu.dma_semaphore, #tpu.memory_space<semaphore_mem>>) src(%dma_wait3A_64 : memref<80xi32, #tpu.memory_space<hbm>>) dst(%arg10 : memref<80xi32, #tpu.memory_space<vmem>>)
    "tpu.region"() ({
      %run_scoped3A = tpu.sem_alloc : memref<!tpu.dma_semaphore, #tpu.memory_space<semaphore_mem>>
      %dma_start3A_73 = arith.constant 0 : i32
      %dma_start3A_74 = arith.constant 0 : i32
      %dma_start3A_75 = tpu.memref_slice %arg18[%dma_start3A_73, %dma_start3A_74] : memref<10000x128xf32, #tpu.memory_space<vmem_shared>> -> memref<10000x128xf32, #tpu.memory_space<vmem_shared>>
      tpu.enqueue_indirect_dma source(%arg14 : memref<80x128xf32, #tpu.memory_space<vmem>>) target(%dma_start3A_75 : memref<10000x128xf32, #tpu.memory_space<vmem_shared>>) offsets(%arg10 : memref<80xi32, #tpu.memory_space<vmem>>) semaphore(%run_scoped3A : memref<!tpu.dma_semaphore, #tpu.memory_space<semaphore_mem>>) {add = true}
      %dma_wait3A_76 = arith.constant 0 : i32
      %dma_wait3A_77 = arith.constant 0 : i32
      %dma_wait3A_78 = tpu.memref_slice %arg18[%dma_wait3A_76, %dma_wait3A_77] : memref<10000x128xf32, #tpu.memory_space<vmem_shared>> -> memref<10000x128xf32, #tpu.memory_space<vmem_shared>>
      tpu.wait_indirect_dma semaphore(%run_scoped3A : memref<!tpu.dma_semaphore, #tpu.memory_space<semaphore_mem>>) src(%arg14 : memref<80x128xf32, #tpu.memory_space<vmem>>) dst(%dma_wait3A_78 : memref<10000x128xf32, #tpu.memory_space<vmem_shared>>)
      tpu.yield
    }) : () -> ()
    %barrier3A_65 = arith.constant 0 : index
    tpu.barrier barrier_id(%barrier3A_65)
    %scan3A_66 = arith.constant 0 : i32
    %scan3A_67 = arith.constant 0 : i32
    %scan3A_68 = arith.constant 8 : i32
    %scan3A_69 = arith.addi %scan3A_67, %scan3A_68 : i32
    %scan3A_70 = arith.constant 1 : i32
    %scan3A_71 = scf.for %scan3A_73 = %scan3A_67 to %scan3A_69 step %scan3A_70 iter_args(%scan3A_74 = %scan3A_66) -> (i32)  : i32 {
      %mul3A_75 = arith.constant 16 : i32
      %mul3A_76 = arith.muli %scan3A_73, %mul3A_75 : i32
      %add3A_77 = arith.addi %mul3A_76, %arg1 : i32
      %lt3A = arith.constant 125 : i32
      %lt3A_78 = arith.cmpi slt, %add3A_77, %lt3A : i32
      %convert_element_type3A = arith.extui %lt3A_78 : i1 to i32
      %cond3A = arith.constant 0 : i32
      %cond3A_79 = arith.cmpi ne, %convert_element_type3A, %cond3A : i32
      scf.if %cond3A_79 {
        %mul3A_81 = arith.constant 80 : i32
        %mul3A_82 = arith.muli %add3A_77, %mul3A_81 : i32
        "tpu.region"() ({
          %run_scoped3A = tpu.sem_alloc : memref<!tpu.dma_semaphore, #tpu.memory_space<semaphore_mem>>
          %dma_start3A_88 = arith.constant 0 : i32
          %dma_start3A_89 = tpu.memref_slice %arg18[%mul3A_82, %dma_start3A_88] : memref<10000x128xf32, #tpu.memory_space<vmem_shared>> -> memref<80x128xf32, #tpu.memory_space<vmem_shared>>
          %dma_start3A_90 = arith.constant 0 : i32
          %dma_start3A_91 = tpu.memref_slice %arg18[%mul3A_82, %dma_start3A_90] : memref<10000x128xf32, #tpu.memory_space<vmem_shared>> -> memref<80x128xf32, #tpu.memory_space<vmem_shared>>
          tpu.enqueue_dma source(%dma_start3A_91 : memref<80x128xf32, #tpu.memory_space<vmem_shared>>) target(%arg14 : memref<80x128xf32, #tpu.memory_space<vmem>>) target_semaphore(%run_scoped3A : memref<!tpu.dma_semaphore, #tpu.memory_space<semaphore_mem>>)
          %dma_wait3A_92 = arith.constant 0 : i32
          %dma_wait3A_93 = tpu.memref_slice %arg18[%mul3A_82, %dma_wait3A_92] : memref<10000x128xf32, #tpu.memory_space<vmem_shared>> -> memref<80x128xf32, #tpu.memory_space<vmem_shared>>
          %dma_wait3A_94 = arith.constant 0 : i32
          %dma_wait3A_95 = tpu.memref_slice %arg18[%mul3A_82, %dma_wait3A_94] : memref<10000x128xf32, #tpu.memory_space<vmem_shared>> -> memref<80x128xf32, #tpu.memory_space<vmem_shared>>
          tpu.wait_dma2 semaphore(%run_scoped3A : memref<!tpu.dma_semaphore, #tpu.memory_space<semaphore_mem>>) src(%dma_wait3A_95 : memref<80x128xf32, #tpu.memory_space<vmem_shared>>) dst(%arg14 : memref<80x128xf32, #tpu.memory_space<vmem>>)
          tpu.yield
        }) : () -> ()
        %mul3A_83 = arith.constant 10000 : i32
        %mul3A_84 = arith.muli %arg0, %mul3A_83 : i32
        %mul3A_85 = arith.constant 80 : i32
        %mul3A_86 = arith.muli %add3A_77, %mul3A_85 : i32
        %add3A_87 = arith.addi %mul3A_84, %mul3A_86 : i32
        "tpu.region"() ({
          %run_scoped3A = tpu.sem_alloc : memref<!tpu.dma_semaphore, #tpu.memory_space<semaphore_mem>>
          %dma_start3A_88 = arith.constant 0 : i32
          %dma_start3A_89 = tpu.memref_slice %arg5[%add3A_87, %dma_start3A_88] : memref<20000x128xf32, #tpu.memory_space<hbm>> -> memref<80x128xf32, #tpu.memory_space<hbm>>
          %dma_start3A_90 = arith.constant 0 : i32
          %dma_start3A_91 = tpu.memref_slice %arg5[%add3A_87, %dma_start3A_90] : memref<20000x128xf32, #tpu.memory_space<hbm>> -> memref<80x128xf32, #tpu.memory_space<hbm>>
          tpu.enqueue_dma source(%arg14 : memref<80x128xf32, #tpu.memory_space<vmem>>) target(%dma_start3A_91 : memref<80x128xf32, #tpu.memory_space<hbm>>) target_semaphore(%run_scoped3A : memref<!tpu.dma_semaphore, #tpu.memory_space<semaphore_mem>>)
          %dma_wait3A_92 = arith.constant 0 : i32
          %dma_wait3A_93 = tpu.memref_slice %arg5[%add3A_87, %dma_wait3A_92] : memref<20000x128xf32, #tpu.memory_space<hbm>> -> memref<80x128xf32, #tpu.memory_space<hbm>>
          %dma_wait3A_94 = arith.constant 0 : i32
          %dma_wait3A_95 = tpu.memref_slice %arg5[%add3A_87, %dma_wait3A_94] : memref<20000x128xf32, #tpu.memory_space<hbm>> -> memref<80x128xf32, #tpu.memory_space<hbm>>
          tpu.wait_dma2 semaphore(%run_scoped3A : memref<!tpu.dma_semaphore, #tpu.memory_space<semaphore_mem>>) src(%arg14 : memref<80x128xf32, #tpu.memory_space<vmem>>) dst(%dma_wait3A_95 : memref<80x128xf32, #tpu.memory_space<hbm>>)
          tpu.yield
        }) : () -> ()
      } else {
      }
      %scan3A_80 = arith.constant 0 : i32
      scf.yield %scan3A_80 : i32
    }
    %scan3A_72 = arith.constant 8 : i32
    return
  }
}

#map = affine_map<(d0, d1) -> (0, 0)>
#map1 = affine_map<(d0, d1) -> (0)>
module attributes {stable_mosaic.version = 14 : i64} {
  func.func @_segsum_kernel(%arg0: i32, %arg1: i32, %arg2: memref<10000x128xf32, #tpu.memory_space<hbm>>, %arg3: memref<320000xi32, #tpu.memory_space<hbm>>, %arg4: memref<320000xi32, #tpu.memory_space<hbm>>, %arg5: memref<20000x128xf32, #tpu.memory_space<hbm>>, %arg6: memref<80xi32, #tpu.memory_space<vmem>>, %arg7: memref<80xi32, #tpu.memory_space<vmem>>, %arg8: memref<80xi32, #tpu.memory_space<vmem>>, %arg9: memref<80xi32, #tpu.memory_space<vmem>>, %arg10: memref<80xi32, #tpu.memory_space<vmem>>, %arg11: memref<80xi32, #tpu.memory_space<vmem>>, %arg12: memref<80xi32, #tpu.memory_space<vmem>>, %arg13: memref<80xi32, #tpu.memory_space<vmem>>, %arg14: memref<80x128xf32, #tpu.memory_space<vmem>>, %arg15: memref<80x128xf32, #tpu.memory_space<vmem>>, %arg16: memref<80x128xf32, #tpu.memory_space<vmem>>, %arg17: memref<80x128xf32, #tpu.memory_space<vmem>>, %arg18: memref<10000x128xf32, #tpu.memory_space<vmem_shared>>, %arg19: memref<!tpu.dma_semaphore, #tpu.memory_space<semaphore_mem>>, %arg20: memref<!tpu.dma_semaphore, #tpu.memory_space<semaphore_mem>>, %arg21: memref<!tpu.dma_semaphore, #tpu.memory_space<semaphore_mem>>, %arg22: memref<!tpu.dma_semaphore, #tpu.memory_space<semaphore_mem>>, %arg23: memref<!tpu.dma_semaphore, #tpu.memory_space<semaphore_mem>>, %arg24: memref<!tpu.dma_semaphore, #tpu.memory_space<semaphore_mem>>, %arg25: memref<!tpu.dma_semaphore, #tpu.memory_space<semaphore_mem>>, %arg26: memref<!tpu.dma_semaphore, #tpu.memory_space<semaphore_mem>>, %arg27: memref<!tpu.dma_semaphore, #tpu.memory_space<semaphore_mem>>, %arg28: memref<!tpu.dma_semaphore, #tpu.memory_space<semaphore_mem>>, %arg29: memref<!tpu.dma_semaphore, #tpu.memory_space<semaphore_mem>>, %arg30: memref<!tpu.dma_semaphore, #tpu.memory_space<semaphore_mem>>, %arg31: memref<!tpu.dma_semaphore, #tpu.memory_space<semaphore_mem>>, %arg32: memref<!tpu.dma_semaphore, #tpu.memory_space<semaphore_mem>>, %arg33: memref<!tpu.dma_semaphore, #tpu.memory_space<semaphore_mem>>, %arg34: memref<!tpu.dma_semaphore, #tpu.memory_space<semaphore_mem>>) attributes {dimension_semantics = [#tpu.dimension_semantics<core_parallel>, #tpu.dimension_semantics<subcore_parallel>], iteration_bounds = array<i64: 2, 16>, scalar_prefetch = 0 : i64, scratch_operands = 29 : i64, tpu.core_type = #tpu.core_type<sc_vector_subcore>, window_params = [{transform_indices = #map}, {transform_indices = #map1}, {transform_indices = #map1}, {transform_indices = #map}]} {
    %mul3A = arith.constant 16 : i32
    %mul3A_0 = arith.muli %arg0, %mul3A : i32
    %add3A = arith.addi %mul3A_0, %arg1 : i32
    %mul3A_1 = arith.constant 10000 : i32
    %mul3A_2 = arith.muli %add3A, %mul3A_1 : i32
    %scan3A = arith.constant 0 : i32
    %scan3A_3 = arith.constant 0 : i32
    %scan3A_4 = arith.constant 80 : i32
    %scan3A_5 = arith.addi %scan3A_3, %scan3A_4 : i32
    %scan3A_6 = arith.constant 1 : i32
    %scan3A_7 = scf.for %scan3A_73 = %scan3A_3 to %scan3A_5 step %scan3A_6 iter_args(%scan3A_74 = %scan3A) -> (i32)  : i32 {
      %scan3A_75 = arith.constant 0 : i32
      %scan3A_76 = arith.constant 0 : i32
      %scan3A_77 = arith.constant 8 : i32
      %scan3A_78 = arith.addi %scan3A_76, %scan3A_77 : i32
      %scan3A_79 = arith.constant 1 : i32
      %scan3A_80 = scf.for %scan3A_82 = %scan3A_76 to %scan3A_78 step %scan3A_79 iter_args(%scan3A_83 = %scan3A_75) -> (i32)  : i32 {
        %broadcast_in_dim3A = arith.constant 0.000000e+00 : f32
        %broadcast_in_dim3A_84 = vector.broadcast %broadcast_in_dim3A : f32 to vector<16xf32>
        %mul3A_85 = arith.constant 16 : i32
        %mul3A_86 = arith.muli %scan3A_82, %mul3A_85 : i32
        %swap3A = arith.index_cast %scan3A_73 : i32 to index
        %swap3A_87 = arith.index_cast %mul3A_86 : i32 to index
        %swap3A_88 = tpu.vector_load %arg14[%swap3A, %swap3A_87] {strides = array<i32>} : memref<80x128xf32, #tpu.memory_space<vmem>>, vector<1x16xf32>,
        %swap3A_89 = vector.shape_cast %swap3A_88 : vector<1x16xf32> to vector<16xf32>
        %swap3A_90 = vector.shape_cast %broadcast_in_dim3A_84 : vector<16xf32> to vector<1x16xf32>
        tpu.vector_store %arg14[%swap3A, %swap3A_87], %swap3A_90 {strides = array<i32>} : memref<80x128xf32, #tpu.memory_space<vmem>>, vector<1x16xf32>,
        %scan3A_91 = arith.constant 0 : i32
        scf.yield %scan3A_91 : i32
      }
      %scan3A_81 = arith.constant 8 : i32
      scf.yield %scan3A_80 : i32
    }
    %scan3A_8 = arith.constant 80 : i32
    %scan3A_9 = arith.constant 0 : i32
    %scan3A_10 = arith.constant 0 : i32
    %scan3A_11 = arith.constant 8 : i32
    %scan3A_12 = arith.addi %scan3A_10, %scan3A_11 : i32
    %scan3A_13 = arith.constant 1 : i32
    %scan3A_14 = scf.for %scan3A_73 = %scan3A_10 to %scan3A_12 step %scan3A_13 iter_args(%scan3A_74 = %scan3A_9) -> (i32)  : i32 {
      %mul3A_75 = arith.constant 16 : i32
      %mul3A_76 = arith.muli %scan3A_73, %mul3A_75 : i32
      %add3A_77 = arith.addi %mul3A_76, %arg1 : i32
      %lt3A = arith.constant 125 : i32
      %lt3A_78 = arith.cmpi slt, %add3A_77, %lt3A : i32
      %convert_element_type3A = arith.extui %lt3A_78 : i1 to i32
      %cond3A = arith.constant 0 : i32
      %cond3A_79 = arith.cmpi ne, %convert_element_type3A, %cond3A : i32
      scf.if %cond3A_79 {
        %mul3A_81 = arith.constant 80 : i32
        %mul3A_82 = arith.muli %add3A_77, %mul3A_81 : i32
        "tpu.region"() ({
          %run_scoped3A = tpu.sem_alloc : memref<!tpu.dma_semaphore, #tpu.memory_space<semaphore_mem>>
          %dma_start3A_83 = arith.constant 0 : i32
          %dma_start3A_84 = tpu.memref_slice %arg18[%mul3A_82, %dma_start3A_83] : memref<10000x128xf32, #tpu.memory_space<vmem_shared>> -> memref<80x128xf32, #tpu.memory_space<vmem_shared>>
          %dma_start3A_85 = arith.constant 0 : i32
          %dma_start3A_86 = tpu.memref_slice %arg18[%mul3A_82, %dma_start3A_85] : memref<10000x128xf32, #tpu.memory_space<vmem_shared>> -> memref<80x128xf32, #tpu.memory_space<vmem_shared>>
          tpu.enqueue_dma source(%arg14 : memref<80x128xf32, #tpu.memory_space<vmem>>) target(%dma_start3A_86 : memref<80x128xf32, #tpu.memory_space<vmem_shared>>) target_semaphore(%run_scoped3A : memref<!tpu.dma_semaphore, #tpu.memory_space<semaphore_mem>>)
          %dma_wait3A_87 = arith.constant 0 : i32
          %dma_wait3A_88 = tpu.memref_slice %arg18[%mul3A_82, %dma_wait3A_87] : memref<10000x128xf32, #tpu.memory_space<vmem_shared>> -> memref<80x128xf32, #tpu.memory_space<vmem_shared>>
          %dma_wait3A_89 = arith.constant 0 : i32
          %dma_wait3A_90 = tpu.memref_slice %arg18[%mul3A_82, %dma_wait3A_89] : memref<10000x128xf32, #tpu.memory_space<vmem_shared>> -> memref<80x128xf32, #tpu.memory_space<vmem_shared>>
          tpu.wait_dma2 semaphore(%run_scoped3A : memref<!tpu.dma_semaphore, #tpu.memory_space<semaphore_mem>>) src(%arg14 : memref<80x128xf32, #tpu.memory_space<vmem>>) dst(%dma_wait3A_90 : memref<80x128xf32, #tpu.memory_space<vmem_shared>>)
          tpu.yield
        }) : () -> ()
      } else {
      }
      %scan3A_80 = arith.constant 0 : i32
      scf.yield %scan3A_80 : i32
    }
    %scan3A_15 = arith.constant 8 : i32
    %add3A_16 = arith.constant 0 : i32
    %add3A_17 = arith.addi %mul3A_2, %add3A_16 : i32
    %dma_start3A = tpu.memref_slice %arg3[%add3A_17] : memref<320000xi32, #tpu.memory_space<hbm>> -> memref<80xi32, #tpu.memory_space<hbm>>
    %dma_start3A_18 = tpu.memref_slice %arg3[%add3A_17] : memref<320000xi32, #tpu.memory_space<hbm>> -> memref<80xi32, #tpu.memory_space<hbm>>
    tpu.enqueue_dma source(%dma_start3A_18 : memref<80xi32, #tpu.memory_space<hbm>>) target(%arg6 : memref<80xi32, #tpu.memory_space<vmem>>) target_semaphore(%arg19 : memref<!tpu.dma_semaphore, #tpu.memory_space<semaphore_mem>>)
    %add3A_19 = arith.constant 80 : i32
    %add3A_20 = arith.addi %mul3A_2, %add3A_19 : i32
    %dma_start3A_21 = tpu.memref_slice %arg3[%add3A_20] : memref<320000xi32, #tpu.memory_space<hbm>> -> memref<80xi32, #tpu.memory_space<hbm>>
    %dma_start3A_22 = tpu.memref_slice %arg3[%add3A_20] : memref<320000xi32, #tpu.memory_space<hbm>> -> memref<80xi32, #tpu.memory_space<hbm>>
    tpu.enqueue_dma source(%dma_start3A_22 : memref<80xi32, #tpu.memory_space<hbm>>) target(%arg7 : memref<80xi32, #tpu.memory_space<vmem>>) target_semaphore(%arg20 : memref<!tpu.dma_semaphore, #tpu.memory_space<semaphore_mem>>)
    %add3A_23 = arith.constant 160 : i32
    %add3A_24 = arith.addi %mul3A_2, %add3A_23 : i32
    %dma_start3A_25 = tpu.memref_slice %arg3[%add3A_24] : memref<320000xi32, #tpu.memory_space<hbm>> -> memref<80xi32, #tpu.memory_space<hbm>>
    %dma_start3A_26 = tpu.memref_slice %arg3[%add3A_24] : memref<320000xi32, #tpu.memory_space<hbm>> -> memref<80xi32, #tpu.memory_space<hbm>>
    tpu.enqueue_dma source(%dma_start3A_26 : memref<80xi32, #tpu.memory_space<hbm>>) target(%arg8 : memref<80xi32, #tpu.memory_space<vmem>>) target_semaphore(%arg21 : memref<!tpu.dma_semaphore, #tpu.memory_space<semaphore_mem>>)
    %dma_wait3A = tpu.memref_slice %arg3[%mul3A_2] : memref<320000xi32, #tpu.memory_space<hbm>> -> memref<80xi32, #tpu.memory_space<hbm>>
    %dma_wait3A_27 = tpu.memref_slice %arg3[%mul3A_2] : memref<320000xi32, #tpu.memory_space<hbm>> -> memref<80xi32, #tpu.memory_space<hbm>>
    tpu.wait_dma2 semaphore(%arg19 : memref<!tpu.dma_semaphore, #tpu.memory_space<semaphore_mem>>) src(%dma_wait3A_27 : memref<80xi32, #tpu.memory_space<hbm>>) dst(%arg6 : memref<80xi32, #tpu.memory_space<vmem>>)
    %dma_start3A_28 = arith.constant 0 : i32
    %dma_start3A_29 = arith.constant 0 : i32
    %dma_start3A_30 = tpu.memref_slice %arg2[%dma_start3A_28, %dma_start3A_29] : memref<10000x128xf32, #tpu.memory_space<hbm>> -> memref<10000x128xf32, #tpu.memory_space<hbm>>
    tpu.enqueue_indirect_dma source(%dma_start3A_30 : memref<10000x128xf32, #tpu.memory_space<hbm>>) target(%arg14 : memref<80x128xf32, #tpu.memory_space<vmem>>) offsets(%arg6 : memref<80xi32, #tpu.memory_space<vmem>>) semaphore(%arg23 : memref<!tpu.dma_semaphore, #tpu.memory_space<semaphore_mem>>)
    %add3A_31 = arith.constant 0 : i32
    %add3A_32 = arith.addi %mul3A_2, %add3A_31 : i32
    %dma_start3A_33 = tpu.memref_slice %arg4[%add3A_32] : memref<320000xi32, #tpu.memory_space<hbm>> -> memref<80xi32, #tpu.memory_space<hbm>>
    %dma_start3A_34 = tpu.memref_slice %arg4[%add3A_32] : memref<320000xi32, #tpu.memory_space<hbm>> -> memref<80xi32, #tpu.memory_space<hbm>>
    tpu.enqueue_dma source(%dma_start3A_34 : memref<80xi32, #tpu.memory_space<hbm>>) target(%arg10 : memref<80xi32, #tpu.memory_space<vmem>>) target_semaphore(%arg27 : memref<!tpu.dma_semaphore, #tpu.memory_space<semaphore_mem>>)
    %dma_wait3A_35 = tpu.memref_slice %arg3[%mul3A_2] : memref<320000xi32, #tpu.memory_space<hbm>> -> memref<80xi32, #tpu.memory_space<hbm>>
    %dma_wait3A_36 = tpu.memref_slice %arg3[%mul3A_2] : memref<320000xi32, #tpu.memory_space<hbm>> -> memref<80xi32, #tpu.memory_space<hbm>>
    tpu.wait_dma2 semaphore(%arg20 : memref<!tpu.dma_semaphore, #tpu.memory_space<semaphore_mem>>) src(%dma_wait3A_36 : memref<80xi32, #tpu.memory_space<hbm>>) dst(%arg7 : memref<80xi32, #tpu.memory_space<vmem>>)
    %dma_start3A_37 = arith.constant 0 : i32
    %dma_start3A_38 = arith.constant 0 : i32
    %dma_start3A_39 = tpu.memref_slice %arg2[%dma_start3A_37, %dma_start3A_38] : memref<10000x128xf32, #tpu.memory_space<hbm>> -> memref<10000x128xf32, #tpu.memory_space<hbm>>
    tpu.enqueue_indirect_dma source(%dma_start3A_39 : memref<10000x128xf32, #tpu.memory_space<hbm>>) target(%arg15 : memref<80x128xf32, #tpu.memory_space<vmem>>) offsets(%arg7 : memref<80xi32, #tpu.memory_space<vmem>>) semaphore(%arg24 : memref<!tpu.dma_semaphore, #tpu.memory_space<semaphore_mem>>)
    %add3A_40 = arith.constant 80 : i32
    %add3A_41 = arith.addi %mul3A_2, %add3A_40 : i32
    %dma_start3A_42 = tpu.memref_slice %arg4[%add3A_41] : memref<320000xi32, #tpu.memory_space<hbm>> -> memref<80xi32, #tpu.memory_space<hbm>>
    %dma_start3A_43 = tpu.memref_slice %arg4[%add3A_41] : memref<320000xi32, #tpu.memory_space<hbm>> -> memref<80xi32, #tpu.memory_space<hbm>>
    tpu.enqueue_dma source(%dma_start3A_43 : memref<80xi32, #tpu.memory_space<hbm>>) target(%arg11 : memref<80xi32, #tpu.memory_space<vmem>>) target_semaphore(%arg28 : memref<!tpu.dma_semaphore, #tpu.memory_space<semaphore_mem>>)
    %barrier3A = arith.constant 0 : index
    tpu.barrier barrier_id(%barrier3A)
    %scan3A_44 = arith.constant 0 : i32
    %scan3A_45 = arith.constant 0 : i32
    %scan3A_46 = arith.constant 31 : i32
    %scan3A_47 = arith.addi %scan3A_45, %scan3A_46 : i32
    %scan3A_48 = arith.constant 1 : i32
    %scan3A_49 = scf.for %scan3A_73 = %scan3A_45 to %scan3A_47 step %scan3A_48 iter_args(%scan3A_74 = %scan3A_44) -> (i32)  : i32 {
      %mul3A_75 = arith.constant 4 : i32
      %mul3A_76 = arith.muli %scan3A_73, %mul3A_75 : i32
      %add3A_77 = arith.constant 0 : i32
      %add3A_78 = arith.addi %mul3A_76, %add3A_77 : i32
      %dma_wait3A_79 = arith.constant 0 : i32
      %dma_wait3A_80 = arith.constant 0 : i32
      %dma_wait3A_81 = tpu.memref_slice %arg2[%dma_wait3A_79, %dma_wait3A_80] : memref<10000x128xf32, #tpu.memory_space<hbm>> -> memref<10000x128xf32, #tpu.memory_space<hbm>>
      tpu.wait_indirect_dma semaphore(%arg23 : memref<!tpu.dma_semaphore, #tpu.memory_space<semaphore_mem>>) src(%dma_wait3A_81 : memref<10000x128xf32, #tpu.memory_space<hbm>>) dst(%arg14 : memref<80x128xf32, #tpu.memory_space<vmem>>)
      %dma_wait3A_82 = tpu.memref_slice %arg4[%mul3A_2] : memref<320000xi32, #tpu.memory_space<hbm>> -> memref<80xi32, #tpu.memory_space<hbm>>
      %dma_wait3A_83 = tpu.memref_slice %arg4[%mul3A_2] : memref<320000xi32, #tpu.memory_space<hbm>> -> memref<80xi32, #tpu.memory_space<hbm>>
      tpu.wait_dma2 semaphore(%arg27 : memref<!tpu.dma_semaphore, #tpu.memory_space<semaphore_mem>>) src(%dma_wait3A_83 : memref<80xi32, #tpu.memory_space<hbm>>) dst(%arg10 : memref<80xi32, #tpu.memory_space<vmem>>)
      %dma_start3A_84 = arith.constant 0 : i32
      %dma_start3A_85 = arith.constant 0 : i32
      %dma_start3A_86 = tpu.memref_slice %arg18[%dma_start3A_84, %dma_start3A_85] : memref<10000x128xf32, #tpu.memory_space<vmem_shared>> -> memref<10000x128xf32, #tpu.memory_space<vmem_shared>>
      tpu.enqueue_indirect_dma source(%arg14 : memref<80x128xf32, #tpu.memory_space<vmem>>) target(%dma_start3A_86 : memref<10000x128xf32, #tpu.memory_space<vmem_shared>>) offsets(%arg10 : memref<80xi32, #tpu.memory_space<vmem>>) semaphore(%arg31 : memref<!tpu.dma_semaphore, #tpu.memory_space<semaphore_mem>>) {add = true}
      %add3A_87 = arith.constant 2 : i32
      %add3A_88 = arith.addi %add3A_78, %add3A_87 : i32
      %lt3A = arith.constant 125 : i32
      %lt3A_89 = arith.cmpi slt, %add3A_88, %lt3A : i32
      %convert_element_type3A = arith.extui %lt3A_89 : i1 to i32
      %cond3A = arith.constant 0 : i32
      %cond3A_90 = arith.cmpi ne, %convert_element_type3A, %cond3A : i32
      scf.if %cond3A_90 {
        %ge3A = arith.constant 4 : i32
        %ge3A_177 = arith.cmpi sge, %add3A_88, %ge3A : i32
        %convert_element_type3A_178 = arith.extui %ge3A_177 : i1 to i32
        %cond3A_179 = arith.constant 0 : i32
        %cond3A_180 = arith.cmpi ne, %convert_element_type3A_178, %cond3A_179 : i32
        scf.if %cond3A_180 {
          %dma_wait3A_191 = arith.constant 0 : i32
          %dma_wait3A_192 = arith.constant 0 : i32
          %dma_wait3A_193 = tpu.memref_slice %arg18[%dma_wait3A_191, %dma_wait3A_192] : memref<10000x128xf32, #tpu.memory_space<vmem_shared>> -> memref<10000x128xf32, #tpu.memory_space<vmem_shared>>
          tpu.wait_indirect_dma semaphore(%arg33 : memref<!tpu.dma_semaphore, #tpu.memory_space<semaphore_mem>>) src(%arg16 : memref<80x128xf32, #tpu.memory_space<vmem>>) dst(%dma_wait3A_193 : memref<10000x128xf32, #tpu.memory_space<vmem_shared>>)
        } else {
        }
        %dma_wait3A_181 = tpu.memref_slice %arg3[%mul3A_2] : memref<320000xi32, #tpu.memory_space<hbm>> -> memref<80xi32, #tpu.memory_space<hbm>>
        %dma_wait3A_182 = tpu.memref_slice %arg3[%mul3A_2] : memref<320000xi32, #tpu.memory_space<hbm>> -> memref<80xi32, #tpu.memory_space<hbm>>
        tpu.wait_dma2 semaphore(%arg21 : memref<!tpu.dma_semaphore, #tpu.memory_space<semaphore_mem>>) src(%dma_wait3A_182 : memref<80xi32, #tpu.memory_space<hbm>>) dst(%arg8 : memref<80xi32, #tpu.memory_space<vmem>>)
        %dma_start3A_183 = arith.constant 0 : i32
        %dma_start3A_184 = arith.constant 0 : i32
        %dma_start3A_185 = tpu.memref_slice %arg2[%dma_start3A_183, %dma_start3A_184] : memref<10000x128xf32, #tpu.memory_space<hbm>> -> memref<10000x128xf32, #tpu.memory_space<hbm>>
        tpu.enqueue_indirect_dma source(%dma_start3A_185 : memref<10000x128xf32, #tpu.memory_space<hbm>>) target(%arg16 : memref<80x128xf32, #tpu.memory_space<vmem>>) offsets(%arg8 : memref<80xi32, #tpu.memory_space<vmem>>) semaphore(%arg25 : memref<!tpu.dma_semaphore, #tpu.memory_space<semaphore_mem>>)
        %mul3A_186 = arith.constant 80 : i32
        %mul3A_187 = arith.muli %add3A_88, %mul3A_186 : i32
        %add3A_188 = arith.addi %mul3A_2, %mul3A_187 : i32
        %dma_start3A_189 = tpu.memref_slice %arg4[%add3A_188] : memref<320000xi32, #tpu.memory_space<hbm>> -> memref<80xi32, #tpu.memory_space<hbm>>
        %dma_start3A_190 = tpu.memref_slice %arg4[%add3A_188] : memref<320000xi32, #tpu.memory_space<hbm>> -> memref<80xi32, #tpu.memory_space<hbm>>
        tpu.enqueue_dma source(%dma_start3A_190 : memref<80xi32, #tpu.memory_space<hbm>>) target(%arg12 : memref<80xi32, #tpu.memory_space<vmem>>) target_semaphore(%arg29 : memref<!tpu.dma_semaphore, #tpu.memory_space<semaphore_mem>>)
      } else {
      }
      %add3A_91 = arith.constant 3 : i32
      %add3A_92 = arith.addi %add3A_78, %add3A_91 : i32
      %lt3A_93 = arith.constant 125 : i32
      %lt3A_94 = arith.cmpi slt, %add3A_92, %lt3A_93 : i32
      %convert_element_type3A_95 = arith.extui %lt3A_94 : i1 to i32
      %cond3A_96 = arith.constant 0 : i32
      %cond3A_97 = arith.cmpi ne, %convert_element_type3A_95, %cond3A_96 : i32
      scf.if %cond3A_97 {
        %mul3A_177 = arith.constant 80 : i32
        %mul3A_178 = arith.muli %add3A_92, %mul3A_177 : i32
        %add3A_179 = arith.addi %mul3A_2, %mul3A_178 : i32
        %dma_start3A_180 = tpu.memref_slice %arg3[%add3A_179] : memref<320000xi32, #tpu.memory_space<hbm>> -> memref<80xi32, #tpu.memory_space<hbm>>
        %dma_start3A_181 = tpu.memref_slice %arg3[%add3A_179] : memref<320000xi32, #tpu.memory_space<hbm>> -> memref<80xi32, #tpu.memory_space<hbm>>
        tpu.enqueue_dma source(%dma_start3A_181 : memref<80xi32, #tpu.memory_space<hbm>>) target(%arg9 : memref<80xi32, #tpu.memory_space<vmem>>) target_semaphore(%arg22 : memref<!tpu.dma_semaphore, #tpu.memory_space<semaphore_mem>>)
      } else {
      }
      %mul3A_98 = arith.constant 4 : i32
      %mul3A_99 = arith.muli %scan3A_73, %mul3A_98 : i32
      %add3A_100 = arith.constant 1 : i32
      %add3A_101 = arith.addi %mul3A_99, %add3A_100 : i32
      %dma_wait3A_102 = arith.constant 0 : i32
      %dma_wait3A_103 = arith.constant 0 : i32
      %dma_wait3A_104 = tpu.memref_slice %arg2[%dma_wait3A_102, %dma_wait3A_103] : memref<10000x128xf32, #tpu.memory_space<hbm>> -> memref<10000x128xf32, #tpu.memory_space<hbm>>
      tpu.wait_indirect_dma semaphore(%arg24 : memref<!tpu.dma_semaphore, #tpu.memory_space<semaphore_mem>>) src(%dma_wait3A_104 : memref<10000x128xf32, #tpu.memory_space<hbm>>) dst(%arg15 : memref<80x128xf32, #tpu.memory_space<vmem>>)
      %dma_wait3A_105 = tpu.memref_slice %arg4[%mul3A_2] : memref<320000xi32, #tpu.memory_space<hbm>> -> memref<80xi32, #tpu.memory_space<hbm>>
      %dma_wait3A_106 = tpu.memref_slice %arg4[%mul3A_2] : memref<320000xi32, #tpu.memory_space<hbm>> -> memref<80xi32, #tpu.memory_space<hbm>>
      tpu.wait_dma2 semaphore(%arg28 : memref<!tpu.dma_semaphore, #tpu.memory_space<semaphore_mem>>) src(%dma_wait3A_106 : memref<80xi32, #tpu.memory_space<hbm>>) dst(%arg11 : memref<80xi32, #tpu.memory_space<vmem>>)
      %dma_start3A_107 = arith.constant 0 : i32
      %dma_start3A_108 = arith.constant 0 : i32
      %dma_start3A_109 = tpu.memref_slice %arg18[%dma_start3A_107, %dma_start3A_108] : memref<10000x128xf32, #tpu.memory_space<vmem_shared>> -> memref<10000x128xf32, #tpu.memory_space<vmem_shared>>
      tpu.enqueue_indirect_dma source(%arg15 : memref<80x128xf32, #tpu.memory_space<vmem>>) target(%dma_start3A_109 : memref<10000x128xf32, #tpu.memory_space<vmem_shared>>) offsets(%arg11 : memref<80xi32, #tpu.memory_space<vmem>>) semaphore(%arg32 : memref<!tpu.dma_semaphore, #tpu.memory_space<semaphore_mem>>) {add = true}
      %add3A_110 = arith.constant 2 : i32
      %add3A_111 = arith.addi %add3A_101, %add3A_110 : i32
      %lt3A_112 = arith.constant 125 : i32
      %lt3A_113 = arith.cmpi slt, %add3A_111, %lt3A_112 : i32
      %convert_element_type3A_114 = arith.extui %lt3A_113 : i1 to i32
      %cond3A_115 = arith.constant 0 : i32
      %cond3A_116 = arith.cmpi ne, %convert_element_type3A_114, %cond3A_115 : i32
      scf.if %cond3A_116 {
        %ge3A = arith.constant 4 : i32
        %ge3A_177 = arith.cmpi sge, %add3A_111, %ge3A : i32
        %convert_element_type3A_178 = arith.extui %ge3A_177 : i1 to i32
        %cond3A_179 = arith.constant 0 : i32
        %cond3A_180 = arith.cmpi ne, %convert_element_type3A_178, %cond3A_179 : i32
        scf.if %cond3A_180 {
          %dma_wait3A_191 = arith.constant 0 : i32
          %dma_wait3A_192 = arith.constant 0 : i32
          %dma_wait3A_193 = tpu.memref_slice %arg18[%dma_wait3A_191, %dma_wait3A_192] : memref<10000x128xf32, #tpu.memory_space<vmem_shared>> -> memref<10000x128xf32, #tpu.memory_space<vmem_shared>>
          tpu.wait_indirect_dma semaphore(%arg34 : memref<!tpu.dma_semaphore, #tpu.memory_space<semaphore_mem>>) src(%arg17 : memref<80x128xf32, #tpu.memory_space<vmem>>) dst(%dma_wait3A_193 : memref<10000x128xf32, #tpu.memory_space<vmem_shared>>)
        } else {
        }
        %dma_wait3A_181 = tpu.memref_slice %arg3[%mul3A_2] : memref<320000xi32, #tpu.memory_space<hbm>> -> memref<80xi32, #tpu.memory_space<hbm>>
        %dma_wait3A_182 = tpu.memref_slice %arg3[%mul3A_2] : memref<320000xi32, #tpu.memory_space<hbm>> -> memref<80xi32, #tpu.memory_space<hbm>>
        tpu.wait_dma2 semaphore(%arg22 : memref<!tpu.dma_semaphore, #tpu.memory_space<semaphore_mem>>) src(%dma_wait3A_182 : memref<80xi32, #tpu.memory_space<hbm>>) dst(%arg9 : memref<80xi32, #tpu.memory_space<vmem>>)
        %dma_start3A_183 = arith.constant 0 : i32
        %dma_start3A_184 = arith.constant 0 : i32
        %dma_start3A_185 = tpu.memref_slice %arg2[%dma_start3A_183, %dma_start3A_184] : memref<10000x128xf32, #tpu.memory_space<hbm>> -> memref<10000x128xf32, #tpu.memory_space<hbm>>
        tpu.enqueue_indirect_dma source(%dma_start3A_185 : memref<10000x128xf32, #tpu.memory_space<hbm>>) target(%arg17 : memref<80x128xf32, #tpu.memory_space<vmem>>) offsets(%arg9 : memref<80xi32, #tpu.memory_space<vmem>>) semaphore(%arg26 : memref<!tpu.dma_semaphore, #tpu.memory_space<semaphore_mem>>)
        %mul3A_186 = arith.constant 80 : i32
        %mul3A_187 = arith.muli %add3A_111, %mul3A_186 : i32
        %add3A_188 = arith.addi %mul3A_2, %mul3A_187 : i32
        %dma_start3A_189 = tpu.memref_slice %arg4[%add3A_188] : memref<320000xi32, #tpu.memory_space<hbm>> -> memref<80xi32, #tpu.memory_space<hbm>>
        %dma_start3A_190 = tpu.memref_slice %arg4[%add3A_188] : memref<320000xi32, #tpu.memory_space<hbm>> -> memref<80xi32, #tpu.memory_space<hbm>>
        tpu.enqueue_dma source(%dma_start3A_190 : memref<80xi32, #tpu.memory_space<hbm>>) target(%arg13 : memref<80xi32, #tpu.memory_space<vmem>>) target_semaphore(%arg30 : memref<!tpu.dma_semaphore, #tpu.memory_space<semaphore_mem>>)
      } else {
      }
      %add3A_117 = arith.constant 3 : i32
      %add3A_118 = arith.addi %add3A_101, %add3A_117 : i32
      %lt3A_119 = arith.constant 125 : i32
      %lt3A_120 = arith.cmpi slt, %add3A_118, %lt3A_119 : i32
      %convert_element_type3A_121 = arith.extui %lt3A_120 : i1 to i32
      %cond3A_122 = arith.constant 0 : i32
      %cond3A_123 = arith.cmpi ne, %convert_element_type3A_121, %cond3A_122 : i32
      scf.if %cond3A_123 {
        %mul3A_177 = arith.constant 80 : i32
        %mul3A_178 = arith.muli %add3A_118, %mul3A_177 : i32
        %add3A_179 = arith.addi %mul3A_2, %mul3A_178 : i32
        %dma_start3A_180 = tpu.memref_slice %arg3[%add3A_179] : memref<320000xi32, #tpu.memory_space<hbm>> -> memref<80xi32, #tpu.memory_space<hbm>>
        %dma_start3A_181 = tpu.memref_slice %arg3[%add3A_179] : memref<320000xi32, #tpu.memory_space<hbm>> -> memref<80xi32, #tpu.memory_space<hbm>>
        tpu.enqueue_dma source(%dma_start3A_181 : memref<80xi32, #tpu.memory_space<hbm>>) target(%arg6 : memref<80xi32, #tpu.memory_space<vmem>>) target_semaphore(%arg19 : memref<!tpu.dma_semaphore, #tpu.memory_space<semaphore_mem>>)
      } else {
      }
      %mul3A_124 = arith.constant 4 : i32
      %mul3A_125 = arith.muli %scan3A_73, %mul3A_124 : i32
      %add3A_126 = arith.constant 2 : i32
      %add3A_127 = arith.addi %mul3A_125, %add3A_126 : i32
      %dma_wait3A_128 = arith.constant 0 : i32
      %dma_wait3A_129 = arith.constant 0 : i32
      %dma_wait3A_130 = tpu.memref_slice %arg2[%dma_wait3A_128, %dma_wait3A_129] : memref<10000x128xf32, #tpu.memory_space<hbm>> -> memref<10000x128xf32, #tpu.memory_space<hbm>>
      tpu.wait_indirect_dma semaphore(%arg25 : memref<!tpu.dma_semaphore, #tpu.memory_space<semaphore_mem>>) src(%dma_wait3A_130 : memref<10000x128xf32, #tpu.memory_space<hbm>>) dst(%arg16 : memref<80x128xf32, #tpu.memory_space<vmem>>)
      %dma_wait3A_131 = tpu.memref_slice %arg4[%mul3A_2] : memref<320000xi32, #tpu.memory_space<hbm>> -> memref<80xi32, #tpu.memory_space<hbm>>
      %dma_wait3A_132 = tpu.memref_slice %arg4[%mul3A_2] : memref<320000xi32, #tpu.memory_space<hbm>> -> memref<80xi32, #tpu.memory_space<hbm>>
      tpu.wait_dma2 semaphore(%arg29 : memref<!tpu.dma_semaphore, #tpu.memory_space<semaphore_mem>>) src(%dma_wait3A_132 : memref<80xi32, #tpu.memory_space<hbm>>) dst(%arg12 : memref<80xi32, #tpu.memory_space<vmem>>)
      %dma_start3A_133 = arith.constant 0 : i32
      %dma_start3A_134 = arith.constant 0 : i32
      %dma_start3A_135 = tpu.memref_slice %arg18[%dma_start3A_133, %dma_start3A_134] : memref<10000x128xf32, #tpu.memory_space<vmem_shared>> -> memref<10000x128xf32, #tpu.memory_space<vmem_shared>>
      tpu.enqueue_indirect_dma source(%arg16 : memref<80x128xf32, #tpu.memory_space<vmem>>) target(%dma_start3A_135 : memref<10000x128xf32, #tpu.memory_space<vmem_shared>>) offsets(%arg12 : memref<80xi32, #tpu.memory_space<vmem>>) semaphore(%arg33 : memref<!tpu.dma_semaphore, #tpu.memory_space<semaphore_mem>>) {add = true}
      %add3A_136 = arith.constant 2 : i32
      %add3A_137 = arith.addi %add3A_127, %add3A_136 : i32
      %lt3A_138 = arith.constant 125 : i32
      %lt3A_139 = arith.cmpi slt, %add3A_137, %lt3A_138 : i32
      %convert_element_type3A_140 = arith.extui %lt3A_139 : i1 to i32
      %cond3A_141 = arith.constant 0 : i32
      %cond3A_142 = arith.cmpi ne, %convert_element_type3A_140, %cond3A_141 : i32
      scf.if %cond3A_142 {
        %ge3A = arith.constant 4 : i32
        %ge3A_177 = arith.cmpi sge, %add3A_137, %ge3A : i32
        %convert_element_type3A_178 = arith.extui %ge3A_177 : i1 to i32
        %cond3A_179 = arith.constant 0 : i32
        %cond3A_180 = arith.cmpi ne, %convert_element_type3A_178, %cond3A_179 : i32
        scf.if %cond3A_180 {
          %dma_wait3A_191 = arith.constant 0 : i32
          %dma_wait3A_192 = arith.constant 0 : i32
          %dma_wait3A_193 = tpu.memref_slice %arg18[%dma_wait3A_191, %dma_wait3A_192] : memref<10000x128xf32, #tpu.memory_space<vmem_shared>> -> memref<10000x128xf32, #tpu.memory_space<vmem_shared>>
          tpu.wait_indirect_dma semaphore(%arg31 : memref<!tpu.dma_semaphore, #tpu.memory_space<semaphore_mem>>) src(%arg14 : memref<80x128xf32, #tpu.memory_space<vmem>>) dst(%dma_wait3A_193 : memref<10000x128xf32, #tpu.memory_space<vmem_shared>>)
        } else {
        }
        %dma_wait3A_181 = tpu.memref_slice %arg3[%mul3A_2] : memref<320000xi32, #tpu.memory_space<hbm>> -> memref<80xi32, #tpu.memory_space<hbm>>
        %dma_wait3A_182 = tpu.memref_slice %arg3[%mul3A_2] : memref<320000xi32, #tpu.memory_space<hbm>> -> memref<80xi32, #tpu.memory_space<hbm>>
        tpu.wait_dma2 semaphore(%arg19 : memref<!tpu.dma_semaphore, #tpu.memory_space<semaphore_mem>>) src(%dma_wait3A_182 : memref<80xi32, #tpu.memory_space<hbm>>) dst(%arg6 : memref<80xi32, #tpu.memory_space<vmem>>)
        %dma_start3A_183 = arith.constant 0 : i32
        %dma_start3A_184 = arith.constant 0 : i32
        %dma_start3A_185 = tpu.memref_slice %arg2[%dma_start3A_183, %dma_start3A_184] : memref<10000x128xf32, #tpu.memory_space<hbm>> -> memref<10000x128xf32, #tpu.memory_space<hbm>>
        tpu.enqueue_indirect_dma source(%dma_start3A_185 : memref<10000x128xf32, #tpu.memory_space<hbm>>) target(%arg14 : memref<80x128xf32, #tpu.memory_space<vmem>>) offsets(%arg6 : memref<80xi32, #tpu.memory_space<vmem>>) semaphore(%arg23 : memref<!tpu.dma_semaphore, #tpu.memory_space<semaphore_mem>>)
        %mul3A_186 = arith.constant 80 : i32
        %mul3A_187 = arith.muli %add3A_137, %mul3A_186 : i32
        %add3A_188 = arith.addi %mul3A_2, %mul3A_187 : i32
        %dma_start3A_189 = tpu.memref_slice %arg4[%add3A_188] : memref<320000xi32, #tpu.memory_space<hbm>> -> memref<80xi32, #tpu.memory_space<hbm>>
        %dma_start3A_190 = tpu.memref_slice %arg4[%add3A_188] : memref<320000xi32, #tpu.memory_space<hbm>> -> memref<80xi32, #tpu.memory_space<hbm>>
        tpu.enqueue_dma source(%dma_start3A_190 : memref<80xi32, #tpu.memory_space<hbm>>) target(%arg10 : memref<80xi32, #tpu.memory_space<vmem>>) target_semaphore(%arg27 : memref<!tpu.dma_semaphore, #tpu.memory_space<semaphore_mem>>)
      } else {
      }
      %add3A_143 = arith.constant 3 : i32
      %add3A_144 = arith.addi %add3A_127, %add3A_143 : i32
      %lt3A_145 = arith.constant 125 : i32
      %lt3A_146 = arith.cmpi slt, %add3A_144, %lt3A_145 : i32
      %convert_element_type3A_147 = arith.extui %lt3A_146 : i1 to i32
      %cond3A_148 = arith.constant 0 : i32
      %cond3A_149 = arith.cmpi ne, %convert_element_type3A_147, %cond3A_148 : i32
      scf.if %cond3A_149 {
        %mul3A_177 = arith.constant 80 : i32
        %mul3A_178 = arith.muli %add3A_144, %mul3A_177 : i32
        %add3A_179 = arith.addi %mul3A_2, %mul3A_178 : i32
        %dma_start3A_180 = tpu.memref_slice %arg3[%add3A_179] : memref<320000xi32, #tpu.memory_space<hbm>> -> memref<80xi32, #tpu.memory_space<hbm>>
        %dma_start3A_181 = tpu.memref_slice %arg3[%add3A_179] : memref<320000xi32, #tpu.memory_space<hbm>> -> memref<80xi32, #tpu.memory_space<hbm>>
        tpu.enqueue_dma source(%dma_start3A_181 : memref<80xi32, #tpu.memory_space<hbm>>) target(%arg7 : memref<80xi32, #tpu.memory_space<vmem>>) target_semaphore(%arg20 : memref<!tpu.dma_semaphore, #tpu.memory_space<semaphore_mem>>)
      } else {
      }
      %mul3A_150 = arith.constant 4 : i32
      %mul3A_151 = arith.muli %scan3A_73, %mul3A_150 : i32
      %add3A_152 = arith.constant 3 : i32
      %add3A_153 = arith.addi %mul3A_151, %add3A_152 : i32
      %dma_wait3A_154 = arith.constant 0 : i32
      %dma_wait3A_155 = arith.constant 0 : i32
      %dma_wait3A_156 = tpu.memref_slice %arg2[%dma_wait3A_154, %dma_wait3A_155] : memref<10000x128xf32, #tpu.memory_space<hbm>> -> memref<10000x128xf32, #tpu.memory_space<hbm>>
      tpu.wait_indirect_dma semaphore(%arg26 : memref<!tpu.dma_semaphore, #tpu.memory_space<semaphore_mem>>) src(%dma_wait3A_156 : memref<10000x128xf32, #tpu.memory_space<hbm>>) dst(%arg17 : memref<80x128xf32, #tpu.memory_space<vmem>>)
      %dma_wait3A_157 = tpu.memref_slice %arg4[%mul3A_2] : memref<320000xi32, #tpu.memory_space<hbm>> -> memref<80xi32, #tpu.memory_space<hbm>>
      %dma_wait3A_158 = tpu.memref_slice %arg4[%mul3A_2] : memref<320000xi32, #tpu.memory_space<hbm>> -> memref<80xi32, #tpu.memory_space<hbm>>
      tpu.wait_dma2 semaphore(%arg30 : memref<!tpu.dma_semaphore, #tpu.memory_space<semaphore_mem>>) src(%dma_wait3A_158 : memref<80xi32, #tpu.memory_space<hbm>>) dst(%arg13 : memref<80xi32, #tpu.memory_space<vmem>>)
      %dma_start3A_159 = arith.constant 0 : i32
      %dma_start3A_160 = arith.constant 0 : i32
      %dma_start3A_161 = tpu.memref_slice %arg18[%dma_start3A_159, %dma_start3A_160] : memref<10000x128xf32, #tpu.memory_space<vmem_shared>> -> memref<10000x128xf32, #tpu.memory_space<vmem_shared>>
      tpu.enqueue_indirect_dma source(%arg17 : memref<80x128xf32, #tpu.memory_space<vmem>>) target(%dma_start3A_161 : memref<10000x128xf32, #tpu.memory_space<vmem_shared>>) offsets(%arg13 : memref<80xi32, #tpu.memory_space<vmem>>) semaphore(%arg34 : memref<!tpu.dma_semaphore, #tpu.memory_space<semaphore_mem>>) {add = true}
      %add3A_162 = arith.constant 2 : i32
      %add3A_163 = arith.addi %add3A_153, %add3A_162 : i32
      %lt3A_164 = arith.constant 125 : i32
      %lt3A_165 = arith.cmpi slt, %add3A_163, %lt3A_164 : i32
      %convert_element_type3A_166 = arith.extui %lt3A_165 : i1 to i32
      %cond3A_167 = arith.constant 0 : i32
      %cond3A_168 = arith.cmpi ne, %convert_element_type3A_166, %cond3A_167 : i32
      scf.if %cond3A_168 {
        %ge3A = arith.constant 4 : i32
        %ge3A_177 = arith.cmpi sge, %add3A_163, %ge3A : i32
        %convert_element_type3A_178 = arith.extui %ge3A_177 : i1 to i32
        %cond3A_179 = arith.constant 0 : i32
        %cond3A_180 = arith.cmpi ne, %convert_element_type3A_178, %cond3A_179 : i32
        scf.if %cond3A_180 {
          %dma_wait3A_191 = arith.constant 0 : i32
          %dma_wait3A_192 = arith.constant 0 : i32
          %dma_wait3A_193 = tpu.memref_slice %arg18[%dma_wait3A_191, %dma_wait3A_192] : memref<10000x128xf32, #tpu.memory_space<vmem_shared>> -> memref<10000x128xf32, #tpu.memory_space<vmem_shared>>
          tpu.wait_indirect_dma semaphore(%arg32 : memref<!tpu.dma_semaphore, #tpu.memory_space<semaphore_mem>>) src(%arg15 : memref<80x128xf32, #tpu.memory_space<vmem>>) dst(%dma_wait3A_193 : memref<10000x128xf32, #tpu.memory_space<vmem_shared>>)
        } else {
        }
        %dma_wait3A_181 = tpu.memref_slice %arg3[%mul3A_2] : memref<320000xi32, #tpu.memory_space<hbm>> -> memref<80xi32, #tpu.memory_space<hbm>>
        %dma_wait3A_182 = tpu.memref_slice %arg3[%mul3A_2] : memref<320000xi32, #tpu.memory_space<hbm>> -> memref<80xi32, #tpu.memory_space<hbm>>
        tpu.wait_dma2 semaphore(%arg20 : memref<!tpu.dma_semaphore, #tpu.memory_space<semaphore_mem>>) src(%dma_wait3A_182 : memref<80xi32, #tpu.memory_space<hbm>>) dst(%arg7 : memref<80xi32, #tpu.memory_space<vmem>>)
        %dma_start3A_183 = arith.constant 0 : i32
        %dma_start3A_184 = arith.constant 0 : i32
        %dma_start3A_185 = tpu.memref_slice %arg2[%dma_start3A_183, %dma_start3A_184] : memref<10000x128xf32, #tpu.memory_space<hbm>> -> memref<10000x128xf32, #tpu.memory_space<hbm>>
        tpu.enqueue_indirect_dma source(%dma_start3A_185 : memref<10000x128xf32, #tpu.memory_space<hbm>>) target(%arg15 : memref<80x128xf32, #tpu.memory_space<vmem>>) offsets(%arg7 : memref<80xi32, #tpu.memory_space<vmem>>) semaphore(%arg24 : memref<!tpu.dma_semaphore, #tpu.memory_space<semaphore_mem>>)
        %mul3A_186 = arith.constant 80 : i32
        %mul3A_187 = arith.muli %add3A_163, %mul3A_186 : i32
        %add3A_188 = arith.addi %mul3A_2, %mul3A_187 : i32
        %dma_start3A_189 = tpu.memref_slice %arg4[%add3A_188] : memref<320000xi32, #tpu.memory_space<hbm>> -> memref<80xi32, #tpu.memory_space<hbm>>
        %dma_start3A_190 = tpu.memref_slice %arg4[%add3A_188] : memref<320000xi32, #tpu.memory_space<hbm>> -> memref<80xi32, #tpu.memory_space<hbm>>
        tpu.enqueue_dma source(%dma_start3A_190 : memref<80xi32, #tpu.memory_space<hbm>>) target(%arg11 : memref<80xi32, #tpu.memory_space<vmem>>) target_semaphore(%arg28 : memref<!tpu.dma_semaphore, #tpu.memory_space<semaphore_mem>>)
      } else {
      }
      %add3A_169 = arith.constant 3 : i32
      %add3A_170 = arith.addi %add3A_153, %add3A_169 : i32
      %lt3A_171 = arith.constant 125 : i32
      %lt3A_172 = arith.cmpi slt, %add3A_170, %lt3A_171 : i32
      %convert_element_type3A_173 = arith.extui %lt3A_172 : i1 to i32
      %cond3A_174 = arith.constant 0 : i32
      %cond3A_175 = arith.cmpi ne, %convert_element_type3A_173, %cond3A_174 : i32
      scf.if %cond3A_175 {
        %mul3A_177 = arith.constant 80 : i32
        %mul3A_178 = arith.muli %add3A_170, %mul3A_177 : i32
        %add3A_179 = arith.addi %mul3A_2, %mul3A_178 : i32
        %dma_start3A_180 = tpu.memref_slice %arg3[%add3A_179] : memref<320000xi32, #tpu.memory_space<hbm>> -> memref<80xi32, #tpu.memory_space<hbm>>
        %dma_start3A_181 = tpu.memref_slice %arg3[%add3A_179] : memref<320000xi32, #tpu.memory_space<hbm>> -> memref<80xi32, #tpu.memory_space<hbm>>
        tpu.enqueue_dma source(%dma_start3A_181 : memref<80xi32, #tpu.memory_space<hbm>>) target(%arg8 : memref<80xi32, #tpu.memory_space<vmem>>) target_semaphore(%arg21 : memref<!tpu.dma_semaphore, #tpu.memory_space<semaphore_mem>>)
      } else {
      }
      %scan3A_176 = arith.constant 0 : i32
      scf.yield %scan3A_176 : i32
    }
    %scan3A_50 = arith.constant 31 : i32
    %dma_wait3A_51 = arith.constant 0 : i32
    %dma_wait3A_52 = arith.constant 0 : i32
    %dma_wait3A_53 = tpu.memref_slice %arg18[%dma_wait3A_51, %dma_wait3A_52] : memref<10000x128xf32, #tpu.memory_space<vmem_shared>> -> memref<10000x128xf32, #tpu.memory_space<vmem_shared>>
    tpu.wait_indirect_dma semaphore(%arg32 : memref<!tpu.dma_semaphore, #tpu.memory_space<semaphore_mem>>) src(%arg15 : memref<80x128xf32, #tpu.memory_space<vmem>>) dst(%dma_wait3A_53 : memref<10000x128xf32, #tpu.memory_space<vmem_shared>>)
    %dma_wait3A_54 = arith.constant 0 : i32
    %dma_wait3A_55 = arith.constant 0 : i32
    %dma_wait3A_56 = tpu.memref_slice %arg18[%dma_wait3A_54, %dma_wait3A_55] : memref<10000x128xf32, #tpu.memory_space<vmem_shared>> -> memref<10000x128xf32, #tpu.memory_space<vmem_shared>>
    tpu.wait_indirect_dma semaphore(%arg33 : memref<!tpu.dma_semaphore, #tpu.memory_space<semaphore_mem>>) src(%arg16 : memref<80x128xf32, #tpu.memory_space<vmem>>) dst(%dma_wait3A_56 : memref<10000x128xf32, #tpu.memory_space<vmem_shared>>)
    %dma_wait3A_57 = arith.constant 0 : i32
    %dma_wait3A_58 = arith.constant 0 : i32
    %dma_wait3A_59 = tpu.memref_slice %arg18[%dma_wait3A_57, %dma_wait3A_58] : memref<10000x128xf32, #tpu.memory_space<vmem_shared>> -> memref<10000x128xf32, #tpu.memory_space<vmem_shared>>
    tpu.wait_indirect_dma semaphore(%arg34 : memref<!tpu.dma_semaphore, #tpu.memory_space<semaphore_mem>>) src(%arg17 : memref<80x128xf32, #tpu.memory_space<vmem>>) dst(%dma_wait3A_59 : memref<10000x128xf32, #tpu.memory_space<vmem_shared>>)
    %dma_wait3A_60 = arith.constant 0 : i32
    %dma_wait3A_61 = arith.constant 0 : i32
    %dma_wait3A_62 = tpu.memref_slice %arg2[%dma_wait3A_60, %dma_wait3A_61] : memref<10000x128xf32, #tpu.memory_space<hbm>> -> memref<10000x128xf32, #tpu.memory_space<hbm>>
    tpu.wait_indirect_dma semaphore(%arg23 : memref<!tpu.dma_semaphore, #tpu.memory_space<semaphore_mem>>) src(%dma_wait3A_62 : memref<10000x128xf32, #tpu.memory_space<hbm>>) dst(%arg14 : memref<80x128xf32, #tpu.memory_space<vmem>>)
    %dma_wait3A_63 = tpu.memref_slice %arg4[%mul3A_2] : memref<320000xi32, #tpu.memory_space<hbm>> -> memref<80xi32, #tpu.memory_space<hbm>>
    %dma_wait3A_64 = tpu.memref_slice %arg4[%mul3A_2] : memref<320000xi32, #tpu.memory_space<hbm>> -> memref<80xi32, #tpu.memory_space<hbm>>
    tpu.wait_dma2 semaphore(%arg27 : memref<!tpu.dma_semaphore, #tpu.memory_space<semaphore_mem>>) src(%dma_wait3A_64 : memref<80xi32, #tpu.memory_space<hbm>>) dst(%arg10 : memref<80xi32, #tpu.memory_space<vmem>>)
    "tpu.region"() ({
      %run_scoped3A = tpu.sem_alloc : memref<!tpu.dma_semaphore, #tpu.memory_space<semaphore_mem>>
      %dma_start3A_73 = arith.constant 0 : i32
      %dma_start3A_74 = arith.constant 0 : i32
      %dma_start3A_75 = tpu.memref_slice %arg18[%dma_start3A_73, %dma_start3A_74] : memref<10000x128xf32, #tpu.memory_space<vmem_shared>> -> memref<10000x128xf32, #tpu.memory_space<vmem_shared>>
      tpu.enqueue_indirect_dma source(%arg14 : memref<80x128xf32, #tpu.memory_space<vmem>>) target(%dma_start3A_75 : memref<10000x128xf32, #tpu.memory_space<vmem_shared>>) offsets(%arg10 : memref<80xi32, #tpu.memory_space<vmem>>) semaphore(%run_scoped3A : memref<!tpu.dma_semaphore, #tpu.memory_space<semaphore_mem>>) {add = true}
      %dma_wait3A_76 = arith.constant 0 : i32
      %dma_wait3A_77 = arith.constant 0 : i32
      %dma_wait3A_78 = tpu.memref_slice %arg18[%dma_wait3A_76, %dma_wait3A_77] : memref<10000x128xf32, #tpu.memory_space<vmem_shared>> -> memref<10000x128xf32, #tpu.memory_space<vmem_shared>>
      tpu.wait_indirect_dma semaphore(%run_scoped3A : memref<!tpu.dma_semaphore, #tpu.memory_space<semaphore_mem>>) src(%arg14 : memref<80x128xf32, #tpu.memory_space<vmem>>) dst(%dma_wait3A_78 : memref<10000x128xf32, #tpu.memory_space<vmem_shared>>)
      tpu.yield
    }) : () -> ()
    %barrier3A_65 = arith.constant 0 : index
    tpu.barrier barrier_id(%barrier3A_65)
    %scan3A_66 = arith.constant 0 : i32
    %scan3A_67 = arith.constant 0 : i32
    %scan3A_68 = arith.constant 8 : i32
    %scan3A_69 = arith.addi %scan3A_67, %scan3A_68 : i32
    %scan3A_70 = arith.constant 1 : i32
    %scan3A_71 = scf.for %scan3A_73 = %scan3A_67 to %scan3A_69 step %scan3A_70 iter_args(%scan3A_74 = %scan3A_66) -> (i32)  : i32 {
      %mul3A_75 = arith.constant 16 : i32
      %mul3A_76 = arith.muli %scan3A_73, %mul3A_75 : i32
      %add3A_77 = arith.addi %mul3A_76, %arg1 : i32
      %lt3A = arith.constant 125 : i32
      %lt3A_78 = arith.cmpi slt, %add3A_77, %lt3A : i32
      %convert_element_type3A = arith.extui %lt3A_78 : i1 to i32
      %cond3A = arith.constant 0 : i32
      %cond3A_79 = arith.cmpi ne, %convert_element_type3A, %cond3A : i32
      scf.if %cond3A_79 {
        %mul3A_81 = arith.constant 80 : i32
        %mul3A_82 = arith.muli %add3A_77, %mul3A_81 : i32
        "tpu.region"() ({
          %run_scoped3A = tpu.sem_alloc : memref<!tpu.dma_semaphore, #tpu.memory_space<semaphore_mem>>
          %dma_start3A_88 = arith.constant 0 : i32
          %dma_start3A_89 = tpu.memref_slice %arg18[%mul3A_82, %dma_start3A_88] : memref<10000x128xf32, #tpu.memory_space<vmem_shared>> -> memref<80x128xf32, #tpu.memory_space<vmem_shared>>
          %dma_start3A_90 = arith.constant 0 : i32
          %dma_start3A_91 = tpu.memref_slice %arg18[%mul3A_82, %dma_start3A_90] : memref<10000x128xf32, #tpu.memory_space<vmem_shared>> -> memref<80x128xf32, #tpu.memory_space<vmem_shared>>
          tpu.enqueue_dma source(%dma_start3A_91 : memref<80x128xf32, #tpu.memory_space<vmem_shared>>) target(%arg14 : memref<80x128xf32, #tpu.memory_space<vmem>>) target_semaphore(%run_scoped3A : memref<!tpu.dma_semaphore, #tpu.memory_space<semaphore_mem>>)
          %dma_wait3A_92 = arith.constant 0 : i32
          %dma_wait3A_93 = tpu.memref_slice %arg18[%mul3A_82, %dma_wait3A_92] : memref<10000x128xf32, #tpu.memory_space<vmem_shared>> -> memref<80x128xf32, #tpu.memory_space<vmem_shared>>
          %dma_wait3A_94 = arith.constant 0 : i32
          %dma_wait3A_95 = tpu.memref_slice %arg18[%mul3A_82, %dma_wait3A_94] : memref<10000x128xf32, #tpu.memory_space<vmem_shared>> -> memref<80x128xf32, #tpu.memory_space<vmem_shared>>
          tpu.wait_dma2 semaphore(%run_scoped3A : memref<!tpu.dma_semaphore, #tpu.memory_space<semaphore_mem>>) src(%dma_wait3A_95 : memref<80x128xf32, #tpu.memory_space<vmem_shared>>) dst(%arg14 : memref<80x128xf32, #tpu.memory_space<vmem>>)
          tpu.yield
        }) : () -> ()
        %mul3A_83 = arith.constant 10000 : i32
        %mul3A_84 = arith.muli %arg0, %mul3A_83 : i32
        %mul3A_85 = arith.constant 80 : i32
        %mul3A_86 = arith.muli %add3A_77, %mul3A_85 : i32
        %add3A_87 = arith.addi %mul3A_84, %mul3A_86 : i32
        "tpu.region"() ({
          %run_scoped3A = tpu.sem_alloc : memref<!tpu.dma_semaphore, #tpu.memory_space<semaphore_mem>>
          %dma_start3A_88 = arith.constant 0 : i32
          %dma_start3A_89 = tpu.memref_slice %arg5[%add3A_87, %dma_start3A_88] : memref<20000x128xf32, #tpu.memory_space<hbm>> -> memref<80x128xf32, #tpu.memory_space<hbm>>
          %dma_start3A_90 = arith.constant 0 : i32
          %dma_start3A_91 = tpu.memref_slice %arg5[%add3A_87, %dma_start3A_90] : memref<20000x128xf32, #tpu.memory_space<hbm>> -> memref<80x128xf32, #tpu.memory_space<hbm>>
          tpu.enqueue_dma source(%arg14 : memref<80x128xf32, #tpu.memory_space<vmem>>) target(%dma_start3A_91 : memref<80x128xf32, #tpu.memory_space<hbm>>) target_semaphore(%run_scoped3A : memref<!tpu.dma_semaphore, #tpu.memory_space<semaphore_mem>>)
          %dma_wait3A_92 = arith.constant 0 : i32
          %dma_wait3A_93 = tpu.memref_slice %arg5[%add3A_87, %dma_wait3A_92] : memref<20000x128xf32, #tpu.memory_space<hbm>> -> memref<80x128xf32, #tpu.memory_space<hbm>>
          %dma_wait3A_94 = arith.constant 0 : i32
          %dma_wait3A_95 = tpu.memref_slice %arg5[%add3A_87, %dma_wait3A_94] : memref<20000x128xf32, #tpu.memory_space<hbm>> -> memref<80x128xf32, #tpu.memory_space<hbm>>
          tpu.wait_dma2 semaphore(%run_scoped3A : memref<!tpu.dma_semaphore, #tpu.memory_space<semaphore_mem>>) src(%arg14 : memref<80x128xf32, #tpu.memory_space<vmem>>) dst(%dma_wait3A_95 : memref<80x128xf32, #tpu.memory_space<hbm>>)
          tpu.yield
        }) : () -> ()
      } else {
      }
      %scan3A_80 = arith.constant 0 : i32
      scf.yield %scan3A_80 : i32
    }
    %scan3A_72 = arith.constant 8 : i32
    return
  }
}

module attributes {stable_mosaic.version = 14 : i64} {
  func.func @_bn_mm_body(%arg0: memref<10000x128xf32, #tpu.memory_space<vmem>>, %arg1: memref<1x128xf32, #tpu.memory_space<vmem>>, %arg2: memref<1x128xf32, #tpu.memory_space<vmem>>, %arg3: memref<128x128xf32, #tpu.memory_space<vmem>>, %arg4: memref<10000x128xf32, #tpu.memory_space<vmem>>) attributes {dimension_semantics = [], scalar_prefetch = 0 : i64, scratch_operands = 0 : i64, tpu.core_type = #tpu.core_type<tc>} {
    %get3A = arith.constant 0 : index
    %get3A_0 = arith.constant 0 : index
    %get3A_1 = vector.load %arg0[%get3A, %get3A_0] : memref<10000x128xf32, #tpu.memory_space<vmem>>, vector<10000x128xf32>
    %reduce_sum3A = arith.constant dense<0.000000e+00> : vector<128xf32>
    %reduce_sum3A_2 = vector.multi_reduction <add>, %get3A_1, %reduce_sum3A [0] : vector<10000x128xf32> to vector<128xf32>
    %broadcast_in_dim3A = vector.shape_cast %reduce_sum3A_2 : vector<128xf32> to vector<1x128xf32>
    %div3A = arith.constant 1.000000e+04 : f32
    %div3A_3 = vector.broadcast %div3A : f32 to vector<1x128xf32>
    %div3A_4 = arith.divf %broadcast_in_dim3A, %div3A_3 : vector<1x128xf32>
    %sub3A = vector.broadcast %div3A_4 : vector<1x128xf32> to vector<10000x128xf32>
    %sub3A_5 = arith.subf %get3A_1, %sub3A : vector<10000x128xf32>
    %integer_pow3A = arith.mulf %sub3A_5, %sub3A_5 : vector<10000x128xf32>
    %reduce_sum3A_6 = arith.constant dense<0.000000e+00> : vector<128xf32>
    %reduce_sum3A_7 = vector.multi_reduction <add>, %integer_pow3A, %reduce_sum3A_6 [0] : vector<10000x128xf32> to vector<128xf32>
    %broadcast_in_dim3A_8 = vector.shape_cast %reduce_sum3A_7 : vector<128xf32> to vector<1x128xf32>
    %div3A_9 = arith.constant 1.000000e+04 : f32
    %div3A_10 = vector.broadcast %div3A_9 : f32 to vector<1x128xf32>
    %div3A_11 = arith.divf %broadcast_in_dim3A_8, %div3A_10 : vector<1x128xf32>
    %sub3A_12 = vector.broadcast %div3A_4 : vector<1x128xf32> to vector<10000x128xf32>
    %sub3A_13 = arith.subf %get3A_1, %sub3A_12 : vector<10000x128xf32>
    %add3A = arith.constant 9.99999974E-6 : f32
    %add3A_14 = vector.broadcast %add3A : f32 to vector<1x128xf32>
    %add3A_15 = arith.addf %div3A_11, %add3A_14 : vector<1x128xf32>
    %rsqrt3A = math.rsqrt %add3A_15 : vector<1x128xf32>
    %mul3A = vector.broadcast %rsqrt3A : vector<1x128xf32> to vector<10000x128xf32>
    %mul3A_16 = arith.mulf %sub3A_13, %mul3A : vector<10000x128xf32>
    %get3A_17 = arith.constant 0 : index
    %get3A_18 = arith.constant 0 : index
    %get3A_19 = vector.load %arg1[%get3A_17, %get3A_18] : memref<1x128xf32, #tpu.memory_space<vmem>>, vector<1x128xf32>
    %mul3A_20 = vector.broadcast %get3A_19 : vector<1x128xf32> to vector<10000x128xf32>
    %mul3A_21 = arith.mulf %mul3A_16, %mul3A_20 : vector<10000x128xf32>
    %get3A_22 = arith.constant 0 : index
    %get3A_23 = arith.constant 0 : index
    %get3A_24 = vector.load %arg2[%get3A_22, %get3A_23] : memref<1x128xf32, #tpu.memory_space<vmem>>, vector<1x128xf32>
    %add3A_25 = vector.broadcast %get3A_24 : vector<1x128xf32> to vector<10000x128xf32>
    %add3A_26 = arith.addf %mul3A_21, %add3A_25 : vector<10000x128xf32>
    %get3A_27 = arith.constant 0 : index
    %get3A_28 = arith.constant 0 : index
    %get3A_29 = vector.load %arg3[%get3A_27, %get3A_28] : memref<128x128xf32, #tpu.memory_space<vmem>>, vector<128x128xf32>
    %dot_general3A = arith.constant dense<0.000000e+00> : vector<10000x128xf32>
    %dot_general3A_30 = tpu.matmul %add3A_26, %get3A_29, %dot_general3A {dimension_numbers = #tpu.dot_dimension_numbers<[1], [0], [0], [1], [0, 0, 1, 1], [], []>, transpose_lhs_hint = false} : vector<10000x128xf32>, vector<128x128xf32>, vector<10000x128xf32> -> vector<10000x128xf32>
    %swap3A = arith.constant 0 : index
    %swap3A_31 = arith.constant 0 : index
    %swap3A_32 = vector.load %arg4[%swap3A, %swap3A_31] : memref<10000x128xf32, #tpu.memory_space<vmem>>, vector<10000x128xf32>
    tpu.vector_store %arg4[%swap3A, %swap3A_31], %dot_general3A_30 {strides = array<i32>} : memref<10000x128xf32, #tpu.memory_space<vmem>>, vector<10000x128xf32>,
    return
  }
}

module attributes {stable_mosaic.version = 14 : i64} {
  func.func @_scale_body(%arg0: memref<10000x128xf32, #tpu.memory_space<vmem>>, %arg1: memref<10000x2xf32, #tpu.memory_space<vmem>>, %arg2: memref<10000x128xf32, #tpu.memory_space<vmem>>, %arg3: memref<10000x1xf32, #tpu.memory_space<vmem>>) attributes {dimension_semantics = [], scalar_prefetch = 0 : i64, scratch_operands = 0 : i64, tpu.core_type = #tpu.core_type<tc>} {
    %get3A = arith.constant 0 : index
    %get3A_0 = arith.constant 0 : index
    %get3A_1 = vector.load %arg1[%get3A, %get3A_0] : memref<10000x2xf32, #tpu.memory_space<vmem>>, vector<10000x1xf32>
    %get3A_2 = arith.constant 0 : index
    %get3A_3 = arith.constant 1 : index
    %get3A_4 = vector.load %arg1[%get3A_2, %get3A_3] : memref<10000x2xf32, #tpu.memory_space<vmem>>, vector<10000x1xf32>
    %add3A = arith.addf %get3A_1, %get3A_4 : vector<10000x1xf32>
    %add3A_5 = arith.constant 1.000000e+00 : f32
    %add3A_6 = vector.broadcast %add3A_5 : f32 to vector<10000x1xf32>
    %add3A_7 = arith.addf %add3A, %add3A_6 : vector<10000x1xf32>
    %rsqrt3A = math.rsqrt %add3A_7 : vector<10000x1xf32>
    %get3A_8 = arith.constant 0 : index
    %get3A_9 = arith.constant 0 : index
    %get3A_10 = vector.load %arg0[%get3A_8, %get3A_9] : memref<10000x128xf32, #tpu.memory_space<vmem>>, vector<10000x128xf32>
    %mul3A = vector.broadcast %rsqrt3A : vector<10000x1xf32> to vector<10000x128xf32>
    %mul3A_11 = arith.mulf %get3A_10, %mul3A : vector<10000x128xf32>
    %swap3A = arith.constant 0 : index
    %swap3A_12 = arith.constant 0 : index
    %swap3A_13 = vector.load %arg2[%swap3A, %swap3A_12] : memref<10000x128xf32, #tpu.memory_space<vmem>>, vector<10000x128xf32>
    tpu.vector_store %arg2[%swap3A, %swap3A_12], %mul3A_11 {strides = array<i32>} : memref<10000x128xf32, #tpu.memory_space<vmem>>, vector<10000x128xf32>,
    %swap3A_14 = arith.constant 0 : index
    %swap3A_15 = arith.constant 0 : index
    %swap3A_16 = vector.load %arg3[%swap3A_14, %swap3A_15] : memref<10000x1xf32, #tpu.memory_space<vmem>>, vector<10000x1xf32>
    tpu.vector_store %arg3[%swap3A_14, %swap3A_15], %rsqrt3A {strides = array<i32>} : memref<10000x1xf32, #tpu.memory_space<vmem>>, vector<10000x1xf32>,
    return
  }
}

module attributes {stable_mosaic.version = 14 : i64} {
  func.func @_update_mm_body(%arg0: memref<20000x128xf32, #tpu.memory_space<vmem>>, %arg1: memref<10000x128xf32, #tpu.memory_space<vmem>>, %arg2: memref<10000x1xf32, #tpu.memory_space<vmem>>, %arg3: memref<1x128xf32, #tpu.memory_space<vmem>>, %arg4: memref<128x128xf32, #tpu.memory_space<vmem>>, %arg5: memref<10000x128xf32, #tpu.memory_space<vmem>>) attributes {dimension_semantics = [], scalar_prefetch = 0 : i64, scratch_operands = 0 : i64, tpu.core_type = #tpu.core_type<tc>} {
    %get3A = arith.constant 0 : index
    %get3A_0 = arith.constant 0 : index
    %get3A_1 = vector.load %arg2[%get3A, %get3A_0] : memref<10000x1xf32, #tpu.memory_space<vmem>>, vector<10000x1xf32>
    %get3A_2 = arith.constant 0 : index
    %get3A_3 = arith.constant 0 : index
    %get3A_4 = vector.load %arg0[%get3A_2, %get3A_3] : memref<20000x128xf32, #tpu.memory_space<vmem>>, vector<10000x128xf32>
    %get3A_5 = arith.constant 10000 : index
    %get3A_6 = arith.constant 0 : index
    %get3A_7 = vector.load %arg0[%get3A_5, %get3A_6] : memref<20000x128xf32, #tpu.memory_space<vmem>>, vector<10000x128xf32>
    %add3A = arith.addf %get3A_4, %get3A_7 : vector<10000x128xf32>
    %get3A_8 = arith.constant 0 : index
    %get3A_9 = arith.constant 0 : index
    %get3A_10 = vector.load %arg1[%get3A_8, %get3A_9] : memref<10000x128xf32, #tpu.memory_space<vmem>>, vector<10000x128xf32>
    %add3A_11 = arith.addf %add3A, %get3A_10 : vector<10000x128xf32>
    %mul3A = vector.broadcast %get3A_1 : vector<10000x1xf32> to vector<10000x128xf32>
    %mul3A_12 = arith.mulf %mul3A, %add3A_11 : vector<10000x128xf32>
    %get3A_13 = arith.constant 0 : index
    %get3A_14 = arith.constant 0 : index
    %get3A_15 = vector.load %arg3[%get3A_13, %get3A_14] : memref<1x128xf32, #tpu.memory_space<vmem>>, vector<1x128xf32>
    %add3A_16 = vector.broadcast %get3A_15 : vector<1x128xf32> to vector<10000x128xf32>
    %add3A_17 = arith.addf %mul3A_12, %add3A_16 : vector<10000x128xf32>
    %max3A = arith.constant 0.000000e+00 : f32
    %max3A_18 = vector.broadcast %max3A : f32 to vector<10000x128xf32>
    %max3A_19 = arith.maximumf %add3A_17, %max3A_18 : vector<10000x128xf32>
    %get3A_20 = arith.constant 0 : index
    %get3A_21 = arith.constant 0 : index
    %get3A_22 = vector.load %arg4[%get3A_20, %get3A_21] : memref<128x128xf32, #tpu.memory_space<vmem>>, vector<128x128xf32>
    %dot_general3A = arith.constant dense<0.000000e+00> : vector<10000x128xf32>
    %dot_general3A_23 = tpu.matmul %max3A_19, %get3A_22, %dot_general3A {dimension_numbers = #tpu.dot_dimension_numbers<[1], [0], [0], [1], [0, 0, 1, 1], [], []>, transpose_lhs_hint = false} : vector<10000x128xf32>, vector<128x128xf32>, vector<10000x128xf32> -> vector<10000x128xf32>
    %mul3A_24 = vector.broadcast %get3A_1 : vector<10000x1xf32> to vector<10000x128xf32>
    %mul3A_25 = arith.mulf %dot_general3A_23, %mul3A_24 : vector<10000x128xf32>
    %swap3A = arith.constant 0 : index
    %swap3A_26 = arith.constant 0 : index
    %swap3A_27 = vector.load %arg5[%swap3A, %swap3A_26] : memref<10000x128xf32, #tpu.memory_space<vmem>>, vector<10000x128xf32>
    tpu.vector_store %arg5[%swap3A, %swap3A_26], %mul3A_25 {strides = array<i32>} : memref<10000x128xf32, #tpu.memory_space<vmem>>, vector<10000x128xf32>,
    return
  }
}

module attributes {stable_mosaic.version = 14 : i64} {
  func.func @_final_body(%arg0: memref<20000x128xf32, #tpu.memory_space<vmem>>, %arg1: memref<10000x128xf32, #tpu.memory_space<vmem>>, %arg2: memref<10000x1xf32, #tpu.memory_space<vmem>>, %arg3: memref<1x128xf32, #tpu.memory_space<vmem>>, %arg4: memref<128x128xf32, #tpu.memory_space<vmem>>, %arg5: memref<1x128xf32, #tpu.memory_space<vmem>>, %arg6: memref<128x128xf32, #tpu.memory_space<vmem>>, %arg7: memref<1x128xf32, #tpu.memory_space<vmem>>, %arg8: memref<128x40xf32, #tpu.memory_space<vmem>>, %arg9: memref<1x40xf32, #tpu.memory_space<vmem>>, %arg10: memref<10000x40xf32, #tpu.memory_space<vmem>>) attributes {dimension_semantics = [], scalar_prefetch = 0 : i64, scratch_operands = 0 : i64, tpu.core_type = #tpu.core_type<tc>} {
    %get3A = arith.constant 0 : index
    %get3A_0 = arith.constant 0 : index
    %get3A_1 = vector.load %arg2[%get3A, %get3A_0] : memref<10000x1xf32, #tpu.memory_space<vmem>>, vector<10000x1xf32>
    %get3A_2 = arith.constant 0 : index
    %get3A_3 = arith.constant 0 : index
    %get3A_4 = vector.load %arg0[%get3A_2, %get3A_3] : memref<20000x128xf32, #tpu.memory_space<vmem>>, vector<10000x128xf32>
    %get3A_5 = arith.constant 10000 : index
    %get3A_6 = arith.constant 0 : index
    %get3A_7 = vector.load %arg0[%get3A_5, %get3A_6] : memref<20000x128xf32, #tpu.memory_space<vmem>>, vector<10000x128xf32>
    %add3A = arith.addf %get3A_4, %get3A_7 : vector<10000x128xf32>
    %get3A_8 = arith.constant 0 : index
    %get3A_9 = arith.constant 0 : index
    %get3A_10 = vector.load %arg1[%get3A_8, %get3A_9] : memref<10000x128xf32, #tpu.memory_space<vmem>>, vector<10000x128xf32>
    %add3A_11 = arith.addf %add3A, %get3A_10 : vector<10000x128xf32>
    %mul3A = vector.broadcast %get3A_1 : vector<10000x1xf32> to vector<10000x128xf32>
    %mul3A_12 = arith.mulf %mul3A, %add3A_11 : vector<10000x128xf32>
    %get3A_13 = arith.constant 0 : index
    %get3A_14 = arith.constant 0 : index
    %get3A_15 = vector.load %arg3[%get3A_13, %get3A_14] : memref<1x128xf32, #tpu.memory_space<vmem>>, vector<1x128xf32>
    %add3A_16 = vector.broadcast %get3A_15 : vector<1x128xf32> to vector<10000x128xf32>
    %add3A_17 = arith.addf %mul3A_12, %add3A_16 : vector<10000x128xf32>
    %max3A = arith.constant 0.000000e+00 : f32
    %max3A_18 = vector.broadcast %max3A : f32 to vector<10000x128xf32>
    %max3A_19 = arith.maximumf %add3A_17, %max3A_18 : vector<10000x128xf32>
    %get3A_20 = arith.constant 0 : index
    %get3A_21 = arith.constant 0 : index
    %get3A_22 = vector.load %arg4[%get3A_20, %get3A_21] : memref<128x128xf32, #tpu.memory_space<vmem>>, vector<128x128xf32>
    %dot_general3A = arith.constant dense<0.000000e+00> : vector<10000x128xf32>
    %dot_general3A_23 = tpu.matmul %max3A_19, %get3A_22, %dot_general3A {dimension_numbers = #tpu.dot_dimension_numbers<[1], [0], [0], [1], [0, 0, 1, 1], [], []>, transpose_lhs_hint = false} : vector<10000x128xf32>, vector<128x128xf32>, vector<10000x128xf32> -> vector<10000x128xf32>
    %get3A_24 = arith.constant 0 : index
    %get3A_25 = arith.constant 0 : index
    %get3A_26 = vector.load %arg5[%get3A_24, %get3A_25] : memref<1x128xf32, #tpu.memory_space<vmem>>, vector<1x128xf32>
    %add3A_27 = vector.broadcast %get3A_26 : vector<1x128xf32> to vector<10000x128xf32>
    %add3A_28 = arith.addf %dot_general3A_23, %add3A_27 : vector<10000x128xf32>
    %get3A_29 = arith.constant 0 : index
    %get3A_30 = arith.constant 0 : index
    %get3A_31 = vector.load %arg6[%get3A_29, %get3A_30] : memref<128x128xf32, #tpu.memory_space<vmem>>, vector<128x128xf32>
    %dot_general3A_32 = arith.constant dense<0.000000e+00> : vector<10000x128xf32>
    %dot_general3A_33 = tpu.matmul %add3A_28, %get3A_31, %dot_general3A_32 {dimension_numbers = #tpu.dot_dimension_numbers<[1], [0], [0], [1], [0, 0, 1, 1], [], []>, transpose_lhs_hint = false} : vector<10000x128xf32>, vector<128x128xf32>, vector<10000x128xf32> -> vector<10000x128xf32>
    %get3A_34 = arith.constant 0 : index
    %get3A_35 = arith.constant 0 : index
    %get3A_36 = vector.load %arg7[%get3A_34, %get3A_35] : memref<1x128xf32, #tpu.memory_space<vmem>>, vector<1x128xf32>
    %add3A_37 = vector.broadcast %get3A_36 : vector<1x128xf32> to vector<10000x128xf32>
    %add3A_38 = arith.addf %dot_general3A_33, %add3A_37 : vector<10000x128xf32>
    %get3A_39 = arith.constant 0 : index
    %get3A_40 = arith.constant 0 : index
    %get3A_41 = vector.load %arg8[%get3A_39, %get3A_40] : memref<128x40xf32, #tpu.memory_space<vmem>>, vector<128x40xf32>
    %dot_general3A_42 = arith.constant dense<0.000000e+00> : vector<10000x40xf32>
    %dot_general3A_43 = tpu.matmul %add3A_38, %get3A_41, %dot_general3A_42 {dimension_numbers = #tpu.dot_dimension_numbers<[1], [0], [0], [1], [0, 0, 1, 1], [], []>, transpose_lhs_hint = false} : vector<10000x128xf32>, vector<128x40xf32>, vector<10000x40xf32> -> vector<10000x40xf32>
    %get3A_44 = arith.constant 0 : index
    %get3A_45 = arith.constant 0 : index
    %get3A_46 = vector.load %arg9[%get3A_44, %get3A_45] : memref<1x40xf32, #tpu.memory_space<vmem>>, vector<1x40xf32>
    %add3A_47 = vector.broadcast %get3A_46 : vector<1x40xf32> to vector<10000x40xf32>
    %add3A_48 = arith.addf %dot_general3A_43, %add3A_47 : vector<10000x40xf32>
    %reduce_max3A = arith.constant dense<0xFF800000> : vector<10000xf32>
    %reduce_max3A_49 = vector.multi_reduction <maximumf>, %add3A_48, %reduce_max3A [1] : vector<10000x40xf32> to vector<10000xf32>
    %broadcast_in_dim3A = vector.shape_cast %reduce_max3A_49 : vector<10000xf32> to vector<10000x1xf32>
    %sub3A = vector.broadcast %broadcast_in_dim3A : vector<10000x1xf32> to vector<10000x40xf32>
    %sub3A_50 = arith.subf %add3A_48, %sub3A : vector<10000x40xf32>
    %exp3A = math.exp %sub3A_50 : vector<10000x40xf32>
    %reduce_sum3A = arith.constant dense<0.000000e+00> : vector<10000xf32>
    %reduce_sum3A_51 = vector.multi_reduction <add>, %exp3A, %reduce_sum3A [1] : vector<10000x40xf32> to vector<10000xf32>
    %broadcast_in_dim3A_52 = vector.shape_cast %reduce_sum3A_51 : vector<10000xf32> to vector<10000x1xf32>
    %log3A = math.log %broadcast_in_dim3A_52 : vector<10000x1xf32>
    %sub3A_53 = vector.broadcast %log3A : vector<10000x1xf32> to vector<10000x40xf32>
    %sub3A_54 = arith.subf %sub3A_50, %sub3A_53 : vector<10000x40xf32>
    %swap3A = arith.constant 0 : index
    %swap3A_55 = arith.constant 0 : index
    %swap3A_56 = vector.load %arg10[%swap3A, %swap3A_55] : memref<10000x40xf32, #tpu.memory_space<vmem>>, vector<10000x40xf32>
    tpu.vector_store %arg10[%swap3A, %swap3A_55], %sub3A_54 {strides = array<i32>} : memref<10000x40xf32, #tpu.memory_space<vmem>>, vector<10000x40xf32>,
    return
  }
}

</mosaic_0001>

<sc_bundles>
// kernel: kernel.12.cloned.1.call-start
scs
__scs_entry_jumppad:
0x0: {  	(pc) =	sbr.rel $0x88, $3  }
0x1: {  	(tag) =	ssettag $0x0;
	lr =	simm.s32 $0x1  }
0x2: {  	[smem:$0x3F93] =	sst lr;
	_ =	strace $0xD0000000  }
0x3: {  	_ = 	snop  }
0x4: {  	_ = 	snop  }
0x5: {  	_ = 	snop  }
0x6: {  	_ = 	snop  }
0x7: {  	_ = 	snop  }
__scs_overlays_trampoline_lowered:
0x8: {  	[smem:$0x3FA2] =	sst s0  }
0x9: {  	[smem:$0x3FA3] =	sst s1  }
0xa: {  	[smem:$0x3FA4] =	sst s2  }
0xb: {  	[smem:$0x3FA5] =	sst s3  }
0xc: {  	[smem:$0x3FA6] =	sst s4  }
0xd: {  	[smem:$0x3FA7] =	sst s5  }
0xe: {  	[smem:$0x3FA8] =	sst s6  }
0xf: {  	[smem:$0x3FA9] =	sst s7  }
0x10: {  	[smem:$0x3FAA] =	sst s8  }
0x11: {  	[smem:$0x3FAB] =	sst s9;
	s0 =	simm.s32 @!p0 $0x0  }
0x12: {  	s1 =	sld [smem:$0x3F91];
	s0 =	simm.s32 @p0 $0x1  }
0x13: {  	[smem:$0x3FAC] =	sst s0;
	s0 =	simm.s32 @!p1 $0x0  }
0x14: {  	s2 =	sld [smem:$0x3F90];
	s0 =	simm.s32 @p1 $0x1  }
0x15: {  	[smem:$0x3FAD] =	sst s0;
	s0 =	simm.s32 @!p2 $0x0  }
0x16: {  	s3 =	sld [smem:$0x3FDB];
	s0 =	simm.s32 @p2 $0x1  }
0x17: {  	s4 =	simm.s32 $0x1BF5;
	[smem:$0x3FAF] =	sst s0  }
0x18: {  	s0 =	sld [smem:$0x3F92];
	_ =	swait.ge [sflag:s4], $0x0  }
0x19: {  	s7 =	sld [smem:$0x3F93]  }
0x1a: {  	s8 =	sadd.s32 $0xFFFFE003, lr  }
0x1b: {  	s9 =	sadd.s32 $0xFFFFFEF7, lr;
	s5 =	simm.s32 $0xFFFFFFFF;
	p2 =	slt.u32 s8, $0xFFFFF086  }
0x1c: {  	p1 =	slt.u32 s9, $0xF7A;
	s5 =	simm.s32 @!p2 $0x0  }
0x1d: {  	s5 =	simm.s32 @p1 $0x1;
	p0 =	seq.s32 s7, s2  }
0x1e: {  	s7 =	smul.u32 @!p0 $0xF7A, s2;
	p2 =	seq.s32 @!p0 s5, $0x0  }
0x1f: {  	s9 =	smul.u32 $0xF7A, s1;
	s8 =	simm.s32 @!p0 $0x1BF5;
	p2 =	por !p2, p0  }
0x20: {  	[sflag:s8] =	ssyncset.s32 @!p0 $0xFFFFF086;
	s6 =	sadd.s32 @!p0 s3, s7;
	s7 =	simm.s32 @!p0 $0x108  }
0x21: {  	s3 =	sadd.s32 s3, s9;
	s6 =	sadd.s32 @!p0 $0x88, s6;
	s7 =	simm.s32 @p2 $0x1082  }
0x22: {  	[simem:s7], [sflag:s8] =	dma.local @!p0 [hbm:s6], $0xF7A  }
0x23: {  	s9 =	sor.u32 $0xD0000000, s2;
	s6 =	simm.s32 $0x108;
	_ =	swait.ge @!p0 [sflag:s8], $0x0  }
0x24: {  	s3 =	sadd.s32 $0x88, s3;
	s6 =	simm.s32 @!p1 $0x1082;
	[sflag:s4] =	ssyncset.s32 $0xFFFFF086  }
0x25: {  	[simem:s6], [sflag:s4] =	dma.local [hbm:s3], $0xF7A  }
0x26: {  	[smem:$0x3F93] =	sst s1;
	(tag) =	ssettag s2;
	_ =	strace s9  }
0x27: {  	s1 =	sld [smem:$0x3FA3]  }
0x28: {  	s2 =	sld [smem:$0x3FA4]  }
0x29: {  	s4 =	sld [smem:$0x3FA6]  }
0x2a: {  	p0 =	seq.s32 s5, $0x0;
	s5 =	sld [smem:$0x3FA7]  }
0x2b: {  	s6 =	sld [smem:$0x3FA8]  }
0x2c: {  	s7 =	sld [smem:$0x3FA9]  }
0x2d: {  	s3 =	simm.s32 $0x108;
	s8 =	sld [smem:$0x3FAA]  }
0x2e: {  	s3 =	simm.s32 @!p0 $0x1082;
	s9 =	sld [smem:$0x3FAB]  }
0x2f: {  	lr =	sadd.s32 s0, s3;
	s0 =	sld [smem:$0x3FA2]  }
0x30: {  	s3 =	sld [smem:$0x3FA5]  }
0x31: {  	[smem:$0x3FAE] =	sst s10  }
0x32: {  	s10 =	sld [smem:$0x3FAC];
	_ =	sdelay $0x3  }
0x33: {  	p0 =	seq.s32 s10, $0x1;
	s10 =	sld [smem:$0x3FAE];
	_ =	sdelay $0x3  }
0x34: {  	[smem:$0x3FAE] =	sst s10  }
0x35: {  	s10 =	sld [smem:$0x3FAD];
	_ =	sdelay $0x3  }
0x36: {  	p1 =	seq.s32 s10, $0x1;
	s10 =	sld [smem:$0x3FAE];
	_ =	sdelay $0x3  }
0x37: {  	[smem:$0x3FAE] =	sst s10  }
0x38: {  	s10 =	sld [smem:$0x3FAF]  }
0x39: {  	_ = 	snop;
	(pc) =	sbr.ind lr, $3  }
0x3a: {  	_ = 	snop  }
0x3b: {  	_ = 	snop  }
0x3c: {  	p2 =	seq.s32 s10, $0x1;
	s10 =	sld [smem:$0x3FAE]  }
0x3d: {  	_ =	shalt  }
0x3e: {  	_ =	shalt  }
0x3f: {  	_ =	shalt  }
0x40: {  	_ =	shalt  }
0x41: {  	_ =	shalt  }
0x42: {  	_ =	shalt  }
0x43: {  	_ =	shalt  }
0x44: {  	_ =	shalt  }
0x45: {  	_ =	shalt  }
0x46: {  	_ =	shalt  }
0x47: {  	_ =	shalt  }
0x48: {  	_ =	shalt  }
0x49: {  	_ =	shalt  }
0x4a: {  	_ =	shalt  }
0x4b: {  	_ =	shalt  }
0x4c: {  	_ =	shalt  }
0x4d: {  	_ =	shalt  }
0x4e: {  	_ =	shalt  }
0x4f: {  	_ =	shalt  }
0x50: {  	_ =	shalt  }
0x51: {  	_ =	shalt  }
0x52: {  	_ =	shalt  }
0x53: {  	_ =	shalt  }
0x54: {  	_ =	shalt  }
0x55: {  	_ =	shalt  }
0x56: {  	_ =	shalt  }
0x57: {  	_ =	shalt  }
0x58: {  	_ =	shalt  }
0x59: {  	_ =	shalt  }
0x5a: {  	_ =	shalt  }
0x5b: {  	_ =	shalt  }
0x5c: {  	_ =	shalt  }
0x5d: {  	_ =	shalt  }
0x5e: {  	_ =	shalt  }
0x5f: {  	_ =	shalt  }
0x60: {  	_ =	shalt  }
0x61: {  	_ =	shalt  }
0x62: {  	_ =	shalt  }
0x63: {  	_ =	shalt  }
0x64: {  	_ =	shalt  }
0x65: {  	_ =	shalt  }
0x66: {  	_ =	shalt  }
0x67: {  	_ =	shalt  }
0x68: {  	_ =	shalt  }
0x69: {  	_ =	shalt  }
0x6a: {  	_ =	shalt  }
0x6b: {  	_ =	shalt  }
0x6c: {  	_ =	shalt  }
0x6d: {  	_ =	shalt  }
0x6e: {  	_ =	shalt  }
0x6f: {  	_ =	shalt  }
0x70: {  	_ =	shalt  }
0x71: {  	_ =	shalt  }
0x72: {  	_ =	shalt  }
0x73: {  	_ =	shalt  }
0x74: {  	_ =	shalt  }
0x75: {  	_ =	shalt  }
0x76: {  	_ =	shalt  }
0x77: {  	_ =	shalt  }
0x78: {  	_ =	shalt  }
0x79: {  	_ =	shalt  }
0x7a: {  	_ =	shalt  }
0x7b: {  	_ =	shalt  }
0x7c: {  	_ =	shalt  }
0x7d: {  	_ =	shalt  }
0x7e: {  	_ =	shalt  }
0x7f: {  	_ =	shalt  }
0x80: {  	_ =	shalt  }
0x81: {  	_ =	shalt  }
0x82: {  	_ =	shalt  }
0x83: {  	_ =	shalt  }
0x84: {  	_ =	shalt  }
0x85: {  	_ =	shalt  }
0x86: {  	_ =	shalt  }
0x87: {  	_ =	shalt  }
.Lfunc_end0:
.L_simem_size_0:
called_computation.1_lowered:
.L_overlay_start_0:
0x88: {  	s2 =	sld [smem:$0x3FD9]  }
0x89: {  	s3 =	sld [smem:$0x3FFE];
	_ =	sdelay $0x1  }
0x8a: {  	s1 =	srdreg.scid  }
0x8b: {  	s0 =	sand.u32 $0x1, s1  }
0x8c: {  	s17 =	sshll.u32 s0, $0xA;
	s2 =	sadd.s32 s3, s2  }
0x8d: {  	s2 =	sadd.s32 s2, s17  }
0x8e: {  	[smem:$0x3FBA] =	sst s2  }
0x8f: {  	_ = 	snop  }
0x90: {  	s2 =	sld [smem:$0x3FD0];
	(tm) =	ssettm $0x1  }
0x91: {  	s18 =	sld [smem:$0x3FFB];
	_ =	sdelay $0x3  }
0x92: {  	_ =	strace s18  }
0x93: {  	s3 =	sld [smem:$0x3FFC];
	_ =	sdelay $0x3  }
0x94: {  	_ =	strace s3  }
0x95: {  	s3 =	sld [smem:$0x3FFD];
	_ =	sdelay $0x3  }
0x96: {  	_ =	strace s3  }
0x97: {  	_ =	strace $0x8FFFFFFF  }
0x98: {  	s19 =	sld [smem:$0x3FDB];
	_ =	sdelay $0x1  }
0x99: {  	s4 =	simm.s32 $_scs_section_size  }
0x9a: {  	s5 =	simm.s32 $_size__tile_overlayer_lowered;
	s6 =	simm.s32 $_tile_overlayer_lowered  }
0x9b: {  	s22 =	simm.s32 $0x1BFF;
	s21 =	sshll.u32 s6, $0x1;
	s3 =	sadd.s32 s4, s19  }
0x9c: {  	s7 =	simm.s32 $0x0;
	s20 =	sshll.u32 s5, $0x1;
	s5 =	sadd.s32 s21, s3  }
0x9d: {  	[timem:s7], [sflag:s22] =	dma.local [hbm:s5], s20  }
0x9e: {  	_ =	swait.ge [sflag:s22], s20  }
0x9f: {  	s4 =	ssub.s32 $0x0, s20;
	[sflag:s22] =	ssyncset.done $0x0  }
0xa0: {  	[sflag:s22] =	ssyncadd.s32 s4;
	_ =	sdelay $0x1  }
0xa1: {  	s23 =	simm.s32 $0x1B8B  }
0xa2: {  	_ =	swait.ge [sflag:s23], $0x1  }
0xa3: {  	[sflag:s23] =	ssyncset.done $0x0  }
0xa4: {  	s25 =	simm.s32 $0x1B8E;
	s24 =	sld [smem:$0x3FFE];
	[sflag:s23] =	ssyncadd.s32 $0xFFFFFFFF  }
0xa5: {  	s26 =	simm.s32 $execute0_lowered;
	[smem:$0x3FD2] =	sst s25  }
0xa6: {  	s5 =	sshll.u32 s26, $0x1;
	_ =	strace $0x80000049;
	[dreg:$0x1] =	wrdreg $0xFFFFFFFF  }
0xa7: {  	s28 =	simm.s32 $_size_execute0_lowered;
	s3 =	sadd.s32 s3, s5;
	[dreg:$0x0] =	wrdreg $0x0  }
0xa8: {  	s5 =	sshll.u32 s28, $0x1;
	[dreg:$0x2] =	wrdreg s3  }
0xa9: {  	[dreg:$0x3] =	wrdreg s5  }
0xaa: {  	[dreg:$0x4] =	wrdreg $0xC0  }
0xab: {  	_ =	task [dreg:s7], $0x5FFFF  }
0xac: {  	[dreg:$0x1] =	wrdreg $0xFFFFFFFF  }
0xad: {  	[dreg:$0x0] =	wrdreg $0x60  }
0xae: {  	[dreg:$0x2] =	wrdreg s24  }
0xaf: {  	[dreg:$0x3] =	wrdreg s2  }
0xb0: {  	[dreg:$0x4] =	wrdreg $0xA4000  }
0xb1: {  	[dreg:$0x5] =	wrdreg $0x9  }
0xb2: {  	_ =	task.clear_ibuf [dreg:s7], $0x6FFFF;
	_ =	strace $0x90000049  }
0xb3: {  	s29 =	simm.s32 $0x9;
	_ =	strace $0x8000004B  }
0xb4: {  	_ =	swait.ge [sflag:s29], $0x1  }
0xb5: {  	[sflag:s29] =	ssyncadd.s32 $0xFFFFFFFF  }
0xb6: {  	_ =	strace $0x9000004B  }
0xb7: {  	_ =	sfence  }
0xb8: {  	s30 =	sld [smem:$0x0];
	_ =	sdelay $0x2  }
0xb9: {  	s31 =	sshll.u32 s1, $0xD;
	s1 =	sshrl.u32 s1, $0x2  }
0xba: {  	s3 =	sand.u32 $0x4000, s31;
	s1 =	sadd.s32 s1, s30  }
0xbb: {  	s0 =	sor.u32 s3, s0;
	s1 =	sshll.u32 s1, $0x11  }
0xbc: {  	s0 =	sor.u32 s1, s0  }
0xbd: {  	s0 =	sadd.s32 $0x8F2B, s0  }
0xbe: {  	[sflag:s0] =	ssyncadd.remote.s32 $0x1  }
0xbf: {  	_ =	sfence.sel $0xFFFF  }
0xc0: {  	[dreg:$0x0] =	wrdreg $0xFFFFFFFF;
	(pc) =	sbr.abs _section_cstart, $3  }
0xc1: {  	[dreg:$0x1] =	wrdreg $0xFFFFFFFF  }
0xc2: {  	_ =	task.clear_ibuf [dreg:s7], $0x2FFFF;
	_ =	strace $0x9FFFFFFF  }
0xc3: {  	(tm) =	ssettm $0x7FFFFFFF  }
tec
execute0_lowered:
.L_overlay_start_1:
0x0: {  	(tag) =	ssettag $0x1  }
0x1: {  	s0 =	rddreg [dreg:$0x0]  }
0x2: {  	s20 =	rddreg [dreg:$0x1]  }
0x3: {  	s2 =	rddreg [dreg:$0x2];
	s1 =	srdreg.scid;
	s4 =	simm.s32 $0x0  }
0x4: {  	s21 =	stileid.u32;
	s28 =	simm.s32 $0x7C00;
	s29 =	simm.s32 $0xD  }
0x5: {  	s30 =	simm.s32 $0x8;
	s1 =	sand.u32 $0x1, s1;
	s8 =	smul.u32 $0x500, s21  }
0x6: {  	s31 =	simm.s32 $0xC;
	s7 =	sor.u32 $0x10, s21;
	s5 =	smul.u32 $0x27100, s1  }
0x7: {  	[smem:$0x7FF] =	sst s4;
	s9 =	sor.u32 $0x20, s21;
	s10 =	smul.u32 $0x500, s7  }
0x8: {  	s12 =	sor.u32 $0x30, s21;
	s15 =	sor.u32 $0x50, s21;
	s13 =	smul.u32 $0x500, s9  }
0x9: {  	s17 =	sor.u32 $0x60, s21;
	s18 =	sor.u32 $0x70, s21;
	s14 =	smul.u32 $0x500, s12  }
0xa: {  	s3 =	sshll.u32 s1, $0x4;
	s1 =	ssub.s32 $0x2, s1;
	s19 =	smul.u32 $0x500, s15  }
0xb: {  	_ =	strace $0x8000004A;
	s23 =	smul.u32 $0x500, s17;
	s11 =	sshrl.u32 s1, $0x1  }
0xc: {  	s26 =	smul.u32 $0x500, s18;
	s6 =	sadd.s32 s5, s0;
	s1 =	ssub.s32 s1, s11  }
0xd: {  	p0 =	sgt.u32 s18, $0x7C;
	s6 =	sadd.s32 $0x33E00, s6;
	s1 =	smax.u32 s1, $0x1  }
0xe: {  	s3 =	sor.u32 s21, s3;
	s8 =	sadd.s32 s6, s8;
	[dreg:$0x11] =	wrdreg s1  }
0xf: {  	s11 =	sor.u32 $0x40, s21;
	s22 =	sadd.s32 s6, s10;
	[dreg:$0x4] =	wrdreg s8  }
0x10: {  	s16 =	smul.u32 $0x500, s11;
	s24 =	sadd.s32 s6, s13;
	[dreg:$0x5] =	wrdreg s22  }
0x11: {  	s3 =	smul.u32 $0x2710, s3;
	s25 =	sadd.s32 s6, s14;
	[dreg:$0x6] =	wrdreg s24  }
0x12: {  	s13 =	sadd.s32 $0xCC00, s0;
	[dreg:$0x7] =	wrdreg s25;
	s14 =	sadd.s32 s6, s16  }
0x13: {  	s16 =	sadd.s32 s6, s19;
	s19 =	smul.u32 $0x2710, s21;
	[dreg:$0x8] =	wrdreg s14  }
0x14: {  	s8 =	sadd.s32 s6, s23;
	s6 =	sadd.s32 s6, s26;
	[dreg:$0x9] =	wrdreg s16  }
0x15: {  	s22 =	sshrl.u32 s3, $0x3;
	s24 =	smul.u32 $0xA000, s21;
	[dreg:$0xa] =	wrdreg s8  }
0x16: {  	s25 =	smul.u32 $0xA000, s7;
	[dreg:$0xb] =	wrdreg s6;
	s8 =	sadd.s32 $0x2E00, s0  }
0x17: {  	s10 =	sadd.s32 s20, s22;
	s23 =	sadd.s32 $0xA, s22;
	s14 =	smul.u32 $0xA000, s9  }
0x18: {  	s3 =	sadd.s32 s19, s5;
	s0 =	sadd.s32 s8, s22;
	[dreg:$0xc] =	wrdreg s8  }
0x19: {  	s26 =	sadd.s32 s20, s23;
	s19 =	smul.u32 $0xA000, s12;
	[dreg:$0xd] =	wrdreg s10  }
0x1a: {  	s5 =	sadd.s32 s8, s23;
	s22 =	smul.u32 $0xA000, s11;
	[dreg:$0xe] =	wrdreg s0  }
0x1b: {  	s7 =	sshrl.u32 s24, $0x2;
	s24 =	smul.u32 $0xA000, s15;
	[dreg:$0xf] =	wrdreg s26  }
0x1c: {  	s12 =	smul.u32 $0xA000, s18;
	[dreg:$0x10] =	wrdreg s5;
	s16 =	sadd.s32 s7, s2  }
0x1d: {  	s0 =	sshrl.u32 s25, $0x2;
	s21 =	sshrl.u32 s14, $0x2;
	s26 =	smul.u32 $0xA000, s17  }
0x1e: {  	s15 =	sadd.s32 $0x1E0, s3;
	s17 =	sadd.s32 $0x190, s3;
	[dreg:$0x12] =	wrdreg s16  }
0x1f: {  	s11 =	sadd.s32 s0, s2;
	s23 =	sadd.s32 s21, s2;
	s1 =	sshrl.u32 s19, $0x2  }
0x20: {  	s25 =	sshrl.u32 s22, $0x2;
	s0 =	sshrl.u32 s24, $0x2;
	s16 =	sshrl.u32 s12, $0x2  }
0x21: {  	s18 =	sshrl.u32 s17, $0x3;
	s21 =	sadd.s32 $0xF0, s3;
	s22 =	sadd.s32 $0x140, s3  }
0x22: {  	s12 =	simm.s32 $0x1;
	s17 =	simm.s32 $0x200;
	[dreg:$0x14] =	wrdreg s23  }
0x23: {  	s1 =	sadd.s32 s1, s2;
	s7 =	sadd.s32 s25, s2;
	[dreg:$0x1d] =	wrdreg s22  }
0x24: {  	s9 =	sshrl.u32 s26, $0x2;
	s0 =	sadd.s32 s0, s2;
	[dreg:$0x13] =	wrdreg s11  }
0x25: {  	s19 =	sadd.s32 s18, s8;
	s23 =	sadd.s32 $0xA0, s3;
	[dreg:$0x15] =	wrdreg s1  }
0x26: {  	s26 =	sadd.s32 $0x14, s10;
	s3 =	simm.s32 $0xE;
	[dreg:$0x16] =	wrdreg s7  }
0x27: {  	s10 =	simm.s32 $0x0;
	s22 =	simm.s32 $0x5400;
	[dreg:$0x17] =	wrdreg s0  }
0x28: {  	s14 =	sadd.s32 s9, s2;
	s0 =	sshrl.u32 s15, $0x3;
	[dreg:$0x1b] =	wrdreg s19  }
0x29: {  	s1 =	sadd.s32 s16, s2;
	s25 =	sshrl.u32 s23, $0x3;
	[smem:$0x7FD] =	sst s26  }
0x2a: {  	s16 =	simm.s32 $0x50;
	s19 =	simm.s32 $0x2C00;
	s15 =	simm.s32 $0x280  }
0x2b: {  	s7 =	simm.s32 $0x9;
	s26 =	simm.s32 $0x4;
	[dreg:$0x18] =	wrdreg s14  }
0x2c: {  	s9 =	simm.s32 $0x7;
	[dreg:$0x19] =	wrdreg s1;
	s0 =	sadd.s32 s0, s20  }
0x2d: {  	s23 =	simm.s32 $0x300;
	[dreg:$0x1a] =	wrdreg s0;
	s0 =	sadd.s32 s18, s20  }
0x2e: {  	s1 =	simm.s32 $0x380;
	[dreg:$0x1c] =	wrdreg s0;
	s0 =	sshrl.u32 s21, $0x3  }
.Ltmp0:
0x2f: {  	s14 =	simm.s32 $0xB;
	s24 =	sadd.s32 s0, s8;
	(pc) =	sbr.rel .LBB2_1-.Ltmp0, $4  }
0x30: {  	s18 =	simm.s32 $0x2;
	s0 =	sadd.s32 s0, s20;
	[dreg:$0x1e] =	wrdreg s24  }
0x31: {  	s21 =	simm.s32 $0x280;
	s20 =	simm.s32 $0x3;
	[dreg:$0x1f] =	wrdreg s0  }
0x32: {  	s0 =	sadd.s32 s25, s8;
	s8 =	simm.s32 $0x400;
	s24 =	simm.s32 $0x6  }
0x33: {  	v0 =	vimm.f32 $0.0e+00;
	s25 =	simm.s32 $0xA;
	[smem:$0x7FC] =	sst s0;
	s0 =	simm.s32 $0x5  }
.LBB2_6:
0x34: {  	_ =	swait.ge [sflag:s30], $0x2800  }
0x35: {  	[sflag:s30] =	ssyncset.done $0x0  }
0x36: {  	[sflag:s30] =	ssyncadd.s32 $0xFFFFD800  }
0x37: {  	_ =	swait.ge [sflag:s31], $0x50  }
0x38: {  	[sflag:s31] =	ssyncset.done $0x0  }
0x39: {  	[sflag:s31] =	ssyncadd.s32 $0xFFFFFFB0  }
0x3a: {  	[spmem:s2] =	stream.indirect.scatter.add.f32 [tilespmem:s28], [sflag:$0x10], $0x80, s1, s16, $0xb8;
	[tilespmem:$0x1DC80] =	vst v63  }
0x3b: {  	_ =	swait.ge [sflag:s3], $0x2800  }
0x3c: {  	[sflag:s3] =	ssyncset.done $0x0  }
0x3d: {  	s5 =	simm.s32 $0xF;
	[sflag:s3] =	ssyncadd.s32 $0xFFFFD800  }
0x3e: {  	_ =	swait.ge [sflag:s5], $0x2800  }
0x3f: {  	[sflag:s5] =	ssyncset.done $0x0  }
0x40: {  	s6 =	simm.s32 $0x10;
	[sflag:s5] =	ssyncadd.s32 $0xFFFFD800  }
0x41: {  	_ =	swait.ge [sflag:s6], $0x2800  }
0x42: {  	[sflag:s6] =	ssyncset.done $0x0  }
0x43: {  	[sflag:s6] =	ssyncadd.s32 $0xFFFFD800  }
0x44: {  	_ =	swait.ge [sflag:s0], $0x2800  }
0x45: {  	[sflag:s0] =	ssyncset.done $0x0  }
0x46: {  	[sflag:s0] =	ssyncadd.s32 $0xFFFFD800  }
0x47: {  	_ =	swait.ge [sflag:s7], $0x50  }
0x48: {  	[sflag:s7] =	ssyncset.done $0x0  }
0x49: {  	s6 =	simm.s32 $0x11;
	[sflag:s7] =	ssyncadd.s32 $0xFFFFFFB0  }
0x4a: {  	[spmem:s2] =	stream.indirect.scatter.add.f32 [tilespmem:s8], [sflag:$0x11], $0x80, s17, s16, $0xb8;
	[tilespmem:$0x1DC80] =	vst v63  }
0x4b: {  	_ =	swait.ge [sflag:s6], $0x2800  }
0x4c: {  	[sflag:s6] =	ssyncset.done $0x0  }
0x4d: {  	[sflag:s6] =	ssyncadd.s32 $0xFFFFD800  }
0x4e: {  	[bflag:$0x0] =	sbarrier.arrive $0xFFFF  }
0x4f: {  	s10 =	rddreg [dreg:$0x12]  }
0x50: {  	[tilespmem:s8], [sflag:$0x12] =	stream.linear.gather [spmem:s10], $0x2800, $0x38;
	[tilespmem:$0x1DC80] =	vst v63  }
0x51: {  	s10 =	simm.s32 $0x12  }
0x52: {  	_ =	swait.ge [sflag:s10], $0x2800  }
0x53: {  	[sflag:s10] =	ssyncset.done $0x0  }
0x54: {  	s11 =	rddreg [dreg:$0x4];
	[sflag:s10] =	ssyncadd.s32 $0xFFFFD800  }
0x55: {  	[hbm4b:s11+s4] =	stream.linear.scatter [tilespmem:s8], [sflag:$0x11], $0x2800, $0x38;
	[tilespmem:$0x1DC80] =	vst v63  }
0x56: {  	_ =	swait.ge [sflag:s6], $0x2800  }
0x57: {  	[sflag:s6] =	ssyncset.done $0x0  }
0x58: {  	s11 =	rddreg [dreg:$0x13];
	[sflag:s6] =	ssyncadd.s32 $0xFFFFD800  }
0x59: {  	[tilespmem:s8], [sflag:$0x12] =	stream.linear.gather [spmem:s11], $0x2800, $0x38;
	[tilespmem:$0x1DC80] =	vst v63  }
0x5a: {  	_ =	swait.ge [sflag:s10], $0x2800  }
0x5b: {  	[sflag:s10] =	ssyncset.done $0x0  }
0x5c: {  	s15 =	rddreg [dreg:$0x5];
	[sflag:s10] =	ssyncadd.s32 $0xFFFFD800  }
0x5d: {  	[hbm4b:s15+s4] =	stream.linear.scatter [tilespmem:s8], [sflag:$0x11], $0x2800, $0x38;
	[tilespmem:$0x1DC80] =	vst v63  }
0x5e: {  	_ =	swait.ge [sflag:s6], $0x2800  }
0x5f: {  	[sflag:s6] =	ssyncset.done $0x0  }
0x60: {  	s19 =	rddreg [dreg:$0x14];
	[sflag:s6] =	ssyncadd.s32 $0xFFFFD800  }
0x61: {  	[tilespmem:s8], [sflag:$0x12] =	stream.linear.gather [spmem:s19], $0x2800, $0x38;
	[tilespmem:$0x1DC80] =	vst v63  }
0x62: {  	_ =	swait.ge [sflag:s10], $0x2800  }
0x63: {  	[sflag:s10] =	ssyncset.done $0x0  }
0x64: {  	s15 =	rddreg [dreg:$0x6];
	[sflag:s10] =	ssyncadd.s32 $0xFFFFD800  }
0x65: {  	[hbm4b:s15+s4] =	stream.linear.scatter [tilespmem:s8], [sflag:$0x11], $0x2800, $0x38;
	[tilespmem:$0x1DC80] =	vst v63  }
0x66: {  	_ =	swait.ge [sflag:s6], $0x2800  }
0x67: {  	[sflag:s6] =	ssyncset.done $0x0  }
0x68: {  	s19 =	rddreg [dreg:$0x15];
	[sflag:s6] =	ssyncadd.s32 $0xFFFFD800  }
0x69: {  	[tilespmem:s8], [sflag:$0x12] =	stream.linear.gather [spmem:s19], $0x2800, $0x38;
	[tilespmem:$0x1DC80] =	vst v63  }
0x6a: {  	_ =	swait.ge [sflag:s10], $0x2800  }
0x6b: {  	[sflag:s10] =	ssyncset.done $0x0  }
0x6c: {  	s15 =	rddreg [dreg:$0x7];
	[sflag:s10] =	ssyncadd.s32 $0xFFFFD800  }
0x6d: {  	[hbm4b:s15+s4] =	stream.linear.scatter [tilespmem:s8], [sflag:$0x11], $0x2800, $0x38;
	[tilespmem:$0x1DC80] =	vst v63  }
0x6e: {  	_ =	swait.ge [sflag:s6], $0x2800  }
0x6f: {  	[sflag:s6] =	ssyncset.done $0x0  }
0x70: {  	s19 =	rddreg [dreg:$0x16];
	[sflag:s6] =	ssyncadd.s32 $0xFFFFD800  }
0x71: {  	[tilespmem:s8], [sflag:$0x12] =	stream.linear.gather [spmem:s19], $0x2800, $0x38;
	[tilespmem:$0x1DC80] =	vst v63  }
0x72: {  	_ =	swait.ge [sflag:s10], $0x2800  }
0x73: {  	[sflag:s10] =	ssyncset.done $0x0  }
0x74: {  	s15 =	rddreg [dreg:$0x8];
	[sflag:s10] =	ssyncadd.s32 $0xFFFFD800  }
0x75: {  	[hbm4b:s15+s4] =	stream.linear.scatter [tilespmem:s8], [sflag:$0x11], $0x2800, $0x38;
	[tilespmem:$0x1DC80] =	vst v63  }
0x76: {  	_ =	swait.ge [sflag:s6], $0x2800  }
0x77: {  	[sflag:s6] =	ssyncset.done $0x0  }
0x78: {  	s19 =	rddreg [dreg:$0x17];
	[sflag:s6] =	ssyncadd.s32 $0xFFFFD800  }
0x79: {  	[tilespmem:s8], [sflag:$0x12] =	stream.linear.gather [spmem:s19], $0x2800, $0x38;
	[tilespmem:$0x1DC80] =	vst v63  }
0x7a: {  	_ =	swait.ge [sflag:s10], $0x2800  }
0x7b: {  	[sflag:s10] =	ssyncset.done $0x0  }
0x7c: {  	s15 =	rddreg [dreg:$0x9];
	[sflag:s10] =	ssyncadd.s32 $0xFFFFD800  }
0x7d: {  	[hbm4b:s15+s4] =	stream.linear.scatter [tilespmem:s8], [sflag:$0x11], $0x2800, $0x38;
	[tilespmem:$0x1DC80] =	vst v63  }
0x7e: {  	_ =	swait.ge [sflag:s6], $0x2800  }
0x7f: {  	[sflag:s6] =	ssyncset.done $0x0  }
0x80: {  	s19 =	rddreg [dreg:$0x18];
	[sflag:s6] =	ssyncadd.s32 $0xFFFFD800  }
0x81: {  	[tilespmem:s8], [sflag:$0x12] =	stream.linear.gather [spmem:s19], $0x2800, $0x38;
	[tilespmem:$0x1DC80] =	vst v63  }
0x82: {  	_ =	swait.ge [sflag:s10], $0x2800  }
0x83: {  	[sflag:s10] =	ssyncset.done $0x0  }
0x84: {  	[sflag:s10] =	ssyncadd.s32 $0xFFFFD800;
	s10 =	rddreg [dreg:$0xa]  }
0x85: {  	[hbm4b:s10+s4] =	stream.linear.scatter [tilespmem:s8], [sflag:$0x11], $0x2800, $0x38;
	[tilespmem:$0x1DC80] =	vst v63  }
0x86: {  	_ =	swait.ge [sflag:s6], $0x2800  }
0x87: {  	[sflag:s6] =	ssyncset.done $0x0  }
0x88: {  	s5 =	simm.s32 @!p0 $0x400;
	[sflag:s6] =	ssyncadd.s32 $0xFFFFD800;
	s6 =	rddreg [dreg:$0x19]  }
0x89: {  	[tilespmem:s5], [sflag:$0x12] =	stream.linear.gather @!p0 [spmem:s6], $0x2800, $0x38;
	[tilespmem:$0x1DC80] =	vst v63  }
0x8a: {  	s6 =	simm.s32 @!p0 $0x12  }
0x8b: {  	_ =	swait.ge @!p0 [sflag:s6], $0x2800  }
0x8c: {  	[sflag:s6] =	ssyncset.done @!p0 $0x0  }
0x8d: {  	s10 =	rddreg [dreg:$0xb];
	[sflag:s6] =	ssyncadd.s32 @!p0 $0xFFFFD800;
	s6 =	simm.s32 @!p0 $0x0  }
0x8e: {  	[hbm4b:s10+s6] =	stream.linear.scatter @!p0 [tilespmem:s5], [sflag:$0x11], $0x2800, $0x38;
	[tilespmem:$0x1DC80] =	vst v63  }
0x8f: {  	s5 =	simm.s32 @!p0 $0x11  }
0x90: {  	_ =	swait.ge @!p0 [sflag:s5], $0x2800  }
0x91: {  	s15 =	sld [smem:$0x7FB];
	_ =	sdelay $0x2  }
0x92: {  	s19 =	rddreg [dreg:$0x11];
	s10 =	sadd.s32 $0x1, s15  }
0x93: {  	p1 =	sne.s32 s10, s19  }
.Ltmp1:
0x94: {  	_ = 	snop;
	(pc) =	sbr.rel @!p1 .LBB2_7-.Ltmp1, $3  }
0x95: {  	_ =	sdelay $0x1  }
0x96: {  	[sflag:s5] =	ssyncset.done @!p0 $0x0  }
0x97: {  	[sflag:s5] =	ssyncadd.s32 @!p0 $0xFFFFD800;
	s15 =	simm.s32 $0x280;
	s19 =	simm.s32 $0x2C00  }
.LBB2_1:
0x98: {  	[smem:$0x7FB] =	sst s10;
	s5 =	simm.s32 $0x70;
	s6 =	simm.s32 $0x3C0  }
.LBB2_2:
0x99: {  	p1 =	sne.s32 s6, $0x9FC0;
	[tilespmem:s5+$0x400] =	vst v0  }
0x9a: {  	[tilespmem:s5+$0x390] =	vst v0  }
0x9b: {  	[tilespmem:s5+$0x3A0] =	vst v0  }
.Ltmp2:
0x9c: {  	[tilespmem:s5+$0x3B0] =	vst v0;
	(pc) =	sbr.rel @p1 .LBB2_2-.Ltmp2, $4  }
0x9d: {  	[tilespmem:s5+$0x3C0] =	vst v0  }
0x9e: {  	[tilespmem:s5+$0x3D0] =	vst v0  }
0x9f: {  	[tilespmem:s5+$0x3E0] =	vst v0  }
0xa0: {  	[tilespmem:s5+$0x3F0] =	vst v0;
	s5 =	sshra.s32 s6, $0x2;
	s6 =	sadd.s32 $0x200, s6  }
0xa1: {  	[tilespmem:s5+$0x400] =	vst v0  }
0xa2: {  	[tilespmem:s5+$0x390] =	vst v0  }
0xa3: {  	[tilespmem:s5+$0x3A0] =	vst v0  }
0xa4: {  	[tilespmem:s5+$0x3B0] =	vst v0  }
0xa5: {  	[tilespmem:s5+$0x3C0] =	vst v0  }
0xa6: {  	[tilespmem:s5+$0x3D0] =	vst v0  }
0xa7: {  	[tilespmem:s5+$0x3E0] =	vst v0  }
0xa8: {  	[tilespmem:s5+$0x3F0] =	vst v0;
	s10 =	rddreg [dreg:$0x12];
	s6 =	simm.s32 $0x11  }
0xa9: {  	[spmem:s10] =	stream.linear.scatter [tilespmem:s8], [sflag:$0x11], $0x2800, $0x38;
	[tilespmem:$0x1DC80] =	vst v63  }
0xaa: {  	_ =	swait.ge [sflag:s6], $0x2800  }
0xab: {  	[sflag:s6] =	ssyncset.done $0x0  }
0xac: {  	[sflag:s6] =	ssyncadd.s32 $0xFFFFD800  }
0xad: {  	[spmem:s11] =	stream.linear.scatter [tilespmem:s8], [sflag:$0x11], $0x2800, $0x38;
	[tilespmem:$0x1DC80] =	vst v63  }
0xae: {  	_ =	swait.ge [sflag:s6], $0x2800  }
0xaf: {  	[sflag:s6] =	ssyncset.done $0x0  }
0xb0: {  	s11 =	rddreg [dreg:$0x14];
	[sflag:s6] =	ssyncadd.s32 $0xFFFFD800  }
0xb1: {  	[spmem:s11] =	stream.linear.scatter [tilespmem:s8], [sflag:$0x11], $0x2800, $0x38;
	[tilespmem:$0x1DC80] =	vst v63  }
0xb2: {  	_ =	swait.ge [sflag:s6], $0x2800  }
0xb3: {  	[sflag:s6] =	ssyncset.done $0x0  }
0xb4: {  	s10 =	rddreg [dreg:$0x15];
	[sflag:s6] =	ssyncadd.s32 $0xFFFFD800  }
0xb5: {  	[spmem:s10] =	stream.linear.scatter [tilespmem:s8], [sflag:$0x11], $0x2800, $0x38;
	[tilespmem:$0x1DC80] =	vst v63  }
0xb6: {  	_ =	swait.ge [sflag:s6], $0x2800  }
0xb7: {  	[sflag:s6] =	ssyncset.done $0x0  }
0xb8: {  	s11 =	rddreg [dreg:$0x16];
	[sflag:s6] =	ssyncadd.s32 $0xFFFFD800  }
0xb9: {  	[spmem:s11] =	stream.linear.scatter [tilespmem:s8], [sflag:$0x11], $0x2800, $0x38;
	[tilespmem:$0x1DC80] =	vst v63  }
0xba: {  	_ =	swait.ge [sflag:s6], $0x2800  }
0xbb: {  	[sflag:s6] =	ssyncset.done $0x0  }
0xbc: {  	s10 =	rddreg [dreg:$0x17];
	[sflag:s6] =	ssyncadd.s32 $0xFFFFD800  }
0xbd: {  	[spmem:s10] =	stream.linear.scatter [tilespmem:s8], [sflag:$0x11], $0x2800, $0x38;
	[tilespmem:$0x1DC80] =	vst v63  }
0xbe: {  	_ =	swait.ge [sflag:s6], $0x2800  }
0xbf: {  	[sflag:s6] =	ssyncset.done $0x0  }
0xc0: {  	s11 =	rddreg [dreg:$0x18];
	[sflag:s6] =	ssyncadd.s32 $0xFFFFD800  }
0xc1: {  	[spmem:s11] =	stream.linear.scatter [tilespmem:s8], [sflag:$0x11], $0x2800, $0x38;
	[tilespmem:$0x1DC80] =	vst v63  }
0xc2: {  	_ =	swait.ge [sflag:s6], $0x2800  }
0xc3: {  	[sflag:s6] =	ssyncset.done $0x0  }
0xc4: {  	s5 =	simm.s32 @!p0 $0x400;
	[sflag:s6] =	ssyncadd.s32 $0xFFFFD800;
	s6 =	rddreg [dreg:$0x19]  }
0xc5: {  	[spmem:s6] =	stream.linear.scatter @!p0 [tilespmem:s5], [sflag:$0x11], $0x2800, $0x38;
	[tilespmem:$0x1DC80] =	vst v63  }
0xc6: {  	s5 =	simm.s32 @!p0 $0x11  }
0xc7: {  	_ =	swait.ge @!p0 [sflag:s5], $0x2800  }
0xc8: {  	[sflag:s5] =	ssyncset.done @!p0 $0x0;
	s10 =	rddreg [dreg:$0xd]  }
0xc9: {  	s11 =	rddreg [dreg:$0xf];
	[sflag:s5] =	ssyncadd.s32 @!p0 $0xFFFFD800;
	s5 =	simm.s32 $0x0  }
0xca: {  	[tilespmem:s5], [sflag:$0x1] =	stream.linear.gather [hbm4b:s10+s5], $0x50, $0x38;
	[tilespmem:$0x1DC80] =	vst v63  }
0xcb: {  	s6 =	sld [smem:$0x7FD];
	s10 =	simm.s32 $0x80  }
0xcc: {  	[tilespmem:s10], [sflag:$0x2] =	stream.linear.gather [hbm4b:s11+s5], $0x50, $0x38;
	[tilespmem:$0x1DC80] =	vst v63  }
0xcd: {  	s11 =	simm.s32 $0x100  }
0xce: {  	[tilespmem:s11], [sflag:$0x3] =	stream.linear.gather [hbm4b:s6+s5], $0x50, $0x38;
	[tilespmem:$0x1DC80] =	vst v63  }
0xcf: {  	_ =	swait.ge [sflag:s12], $0x50  }
0xd0: {  	[sflag:s12] =	ssyncset.done $0x0  }
0xd1: {  	[sflag:s12] =	ssyncadd.s32 $0xFFFFFFB0  }
0xd2: {  	[tilespmem:s8], [sflag:$0x5] =	stream.indirect.gather [hbm4b:s13+s16], $0x80, s5, s16, $0xb8;
	[tilespmem:$0x1DC80] =	vst v63  }
0xd3: {  	s6 =	rddreg [dreg:$0xe]  }
0xd4: {  	[tilespmem:s17], [sflag:$0x9] =	stream.linear.gather [hbm4b:s6+s5], $0x50, $0x38;
	[tilespmem:$0x1DC80] =	vst v63  }
0xd5: {  	_ =	swait.ge [sflag:s18], $0x50  }
0xd6: {  	[sflag:s18] =	ssyncset.done $0x0  }
0xd7: {  	[sflag:s18] =	ssyncadd.s32 $0xFFFFFFB0  }
0xd8: {  	[tilespmem:s19], [sflag:$0x6] =	stream.indirect.gather [hbm4b:s13+s16], $0x80, s10, s16, $0xb8;
	[tilespmem:$0x1DC80] =	vst v63  }
0xd9: {  	s10 =	rddreg [dreg:$0x10]  }
0xda: {  	[tilespmem:s15], [sflag:$0xA] =	stream.linear.gather [hbm4b:s10+s5], $0x50, $0x38;
	[tilespmem:$0x1DC80] =	vst v63  }
0xdb: {  	[bflag:$0x0] =	sbarrier.arrive $0xFFFF  }
0xdc: {  	s6 =	rddreg [dreg:$0x1d]  }
.LBB2_4:
0xdd: {  	_ =	swait.ge [sflag:s0], $0x2800  }
0xde: {  	[sflag:s0] =	ssyncset.done $0x0  }
0xdf: {  	[sflag:s0] =	ssyncadd.s32 $0xFFFFD800  }
0xe0: {  	_ =	swait.ge [sflag:s7], $0x50  }
0xe1: {  	p1 =	seq.s32 s5, $0x0;
	[sflag:s7] =	ssyncset.done $0x0  }
0xe2: {  	s10 =	simm.s32 @!p1 $0xF;
	[sflag:s7] =	ssyncadd.s32 $0xFFFFFFB0  }
0xe3: {  	[spmem:s2] =	stream.indirect.scatter.add.f32 [tilespmem:s8], [sflag:$0xD], $0x80, s17, s16, $0xb8;
	[tilespmem:$0x1DC80] =	vst v63  }
0xe4: {  	_ =	swait.ge @!p1 [sflag:s10], $0x2800  }
0xe5: {  	[sflag:s10] =	ssyncset.done @!p1 $0x0  }
0xe6: {  	[sflag:s10] =	ssyncadd.s32 @!p1 $0xFFFFD800  }
0xe7: {  	_ =	swait.ge [sflag:s20], $0x50  }
0xe8: {  	[sflag:s20] =	ssyncset.done $0x0  }
0xe9: {  	[sflag:s20] =	ssyncadd.s32 $0xFFFFFFB0  }
0xea: {  	[tilespmem:s22], [sflag:$0x7] =	stream.indirect.gather [hbm4b:s13+s16], $0x80, s11, s16, $0xb8;
	[tilespmem:$0x1DC80] =	vst v63  }
0xeb: {  	s11 =	sld [smem:$0x7FC];
	_ =	sdelay $0x2  }
0xec: {  	s10 =	sadd.s32 s5, s11;
	s11 =	rddreg [dreg:$0x1f]  }
0xed: {  	[tilespmem:s23], [sflag:$0xB] =	stream.linear.gather [hbm4b:s10+s4], $0x50, $0x38;
	[tilespmem:$0x1DC80] =	vst v63  }
0xee: {  	s10 =	sadd.s32 s5, s11;
	s11 =	simm.s32 $0x180  }
0xef: {  	[tilespmem:s11], [sflag:$0x4] =	stream.linear.gather [hbm4b:s10+s4], $0x50, $0x38;
	[tilespmem:$0x1DC80] =	vst v63  }
0xf0: {  	_ =	swait.ge [sflag:s24], $0x2800  }
0xf1: {  	[sflag:s24] =	ssyncset.done $0x0  }
0xf2: {  	[sflag:s24] =	ssyncadd.s32 $0xFFFFD800  }
0xf3: {  	_ =	swait.ge [sflag:s25], $0x50  }
0xf4: {  	[sflag:s25] =	ssyncset.done $0x0  }
0xf5: {  	s10 =	simm.s32 @!p1 $0x10;
	[sflag:s25] =	ssyncadd.s32 $0xFFFFFFB0  }
0xf6: {  	[spmem:s2] =	stream.indirect.scatter.add.f32 [tilespmem:s19], [sflag:$0xE], $0x80, s15, s16, $0xb8;
	[tilespmem:$0x1DC80] =	vst v63  }
0xf7: {  	_ =	swait.ge @!p1 [sflag:s10], $0x2800  }
0xf8: {  	[sflag:s10] =	ssyncset.done @!p1 $0x0  }
0xf9: {  	[sflag:s10] =	ssyncadd.s32 @!p1 $0xFFFFD800  }
0xfa: {  	_ =	swait.ge [sflag:s26], $0x50  }
0xfb: {  	[sflag:s26] =	ssyncset.done $0x0  }
0xfc: {  	s19 =	rddreg [dreg:$0x1e];
	[sflag:s26] =	ssyncadd.s32 $0xFFFFFFB0  }
0xfd: {  	[tilespmem:s28], [sflag:$0x8] =	stream.indirect.gather [hbm4b:s13+s16], $0x80, s11, s16, $0xb8;
	[tilespmem:$0x1DC80] =	vst v63  }
0xfe: {  	s10 =	sadd.s32 s5, s19  }
0xff: {  	[tilespmem:s1], [sflag:$0xC] =	stream.linear.gather [hbm4b:s10+s4], $0x50, $0x38;
	[tilespmem:$0x1DC80] =	vst v63  }
0x100: {  	s11 =	rddreg [dreg:$0x1];
	s10 =	sshrl.u32 s6, $0x3  }
0x101: {  	s11 =	sadd.s32 s11, s10  }
0x102: {  	[tilespmem:s4], [sflag:$0x1] =	stream.linear.gather [hbm4b:s11+s4], $0x50, $0x38;
	[tilespmem:$0x1DC80] =	vst v63  }
0x103: {  	_ =	swait.ge [sflag:s9], $0x2800  }
0x104: {  	[sflag:s9] =	ssyncset.done $0x0  }
0x105: {  	[sflag:s9] =	ssyncadd.s32 $0xFFFFD800  }
0x106: {  	_ =	swait.ge [sflag:s14], $0x50  }
0x107: {  	[sflag:s14] =	ssyncset.done $0x0  }
0x108: {  	[sflag:s14] =	ssyncadd.s32 $0xFFFFFFB0  }
0x109: {  	[spmem:s2] =	stream.indirect.scatter.add.f32 [tilespmem:s22], [sflag:$0xF], $0x80, s23, s16, $0xb8;
	[tilespmem:$0x1DC80] =	vst v63  }
0x10a: {  	_ =	swait.ge [sflag:s29], $0x2800  }
0x10b: {  	[sflag:s29] =	ssyncset.done $0x0  }
0x10c: {  	[sflag:s29] =	ssyncadd.s32 $0xFFFFD800  }
0x10d: {  	p1 =	seq.s32 s5, $0x4B0;
	_ =	swait.ge [sflag:s12], $0x50  }
.Ltmp3:
0x10e: {  	[sflag:s12] =	ssyncset.done $0x0;
	(pc) =	sbr.rel @p1 .LBB2_6-.Ltmp3, $4  }
0x10f: {  	s11 =	rddreg [dreg:$0xc];
	[sflag:s12] =	ssyncadd.s32 $0xFFFFFFB0  }
0x110: {  	[tilespmem:s8], [sflag:$0x5] =	stream.indirect.gather [hbm4b:s13+s16], $0x80, s4, s16, $0xb8;
	[tilespmem:$0x1DC80] =	vst v63  }
0x111: {  	s15 =	simm.s32 $0x2C00;
	s19 =	simm.s32 $0x100;
	s10 =	sadd.s32 s11, s10  }
0x112: {  	[tilespmem:s17], [sflag:$0x9] =	stream.linear.gather [hbm4b:s10+s4], $0x50, $0x38;
	[tilespmem:$0x1DC80] =	vst v63  }
0x113: {  	s10 =	rddreg [dreg:$0x1c]  }
0x114: {  	s11 =	simm.s32 $0x80;
	s10 =	sadd.s32 s5, s10  }
0x115: {  	[tilespmem:s11], [sflag:$0x2] =	stream.linear.gather [hbm4b:s10+s4], $0x50, $0x38;
	[tilespmem:$0x1DC80] =	vst v63  }
0x116: {  	_ =	swait.ge [sflag:s30], $0x2800  }
0x117: {  	[sflag:s30] =	ssyncset.done $0x0  }
0x118: {  	[sflag:s30] =	ssyncadd.s32 $0xFFFFD800  }
0x119: {  	_ =	swait.ge [sflag:s31], $0x50  }
0x11a: {  	[sflag:s31] =	ssyncset.done $0x0  }
0x11b: {  	[sflag:s31] =	ssyncadd.s32 $0xFFFFFFB0  }
0x11c: {  	[spmem:s2] =	stream.indirect.scatter.add.f32 [tilespmem:s28], [sflag:$0x10], $0x80, s1, s16, $0xb8;
	[tilespmem:$0x1DC80] =	vst v63  }
0x11d: {  	_ =	swait.ge [sflag:s3], $0x2800  }
0x11e: {  	[sflag:s3] =	ssyncset.done $0x0  }
0x11f: {  	[sflag:s3] =	ssyncadd.s32 $0xFFFFD800  }
0x120: {  	_ =	swait.ge [sflag:s18], $0x50  }
0x121: {  	[sflag:s18] =	ssyncset.done $0x0  }
0x122: {  	[sflag:s18] =	ssyncadd.s32 $0xFFFFFFB0  }
0x123: {  	[tilespmem:s15], [sflag:$0x6] =	stream.indirect.gather [hbm4b:s13+s16], $0x80, s11, s16, $0xb8;
	[tilespmem:$0x1DC80] =	vst v63  }
0x124: {  	s11 =	rddreg [dreg:$0x1b]  }
.Ltmp4:
0x125: {  	s15 =	rddreg [dreg:$0x1a];
	s10 =	sadd.s32 s5, s11;
	(pc) =	sbr.rel .LBB2_4-.Ltmp4, $4  }
0x126: {  	[tilespmem:s21], [sflag:$0xA] =	stream.linear.gather [hbm4b:s10+s4], $0x50, $0x38;
	[tilespmem:$0x1DC80] =	vst v63  }
0x127: {  	s6 =	sadd.s32 $0x140, s6;
	s11 =	simm.s32 $0x100;
	s10 =	sadd.s32 s5, s15  }
0x128: {  	[tilespmem:s19], [sflag:$0x3] =	stream.linear.gather [hbm4b:s10+s4], $0x50, $0x38;
	[tilespmem:$0x1DC80] =	vst v63  }
0x129: {  	s5 =	sadd.s32 $0x28, s5;
	s15 =	simm.s32 $0x280;
	s19 =	simm.s32 $0x2C00  }
.LBB2_7:
0x12a: {  	_ =	sfence.sel $0x180000  }
0x12b: {  	[bflag:$0x0] =	sbarrier.arrive $0xFFFF  }
0x12c: {  	_ =	strace $0x9000004A  }
0x12d: {  	s0 =	stileid.u32;
	[bflag:$0x2] =	sbarrier.arrive $0xFFFF  }
0x12e: {  	p0 =	sne.s32 s0, $0x0;
	s0 =	rddreg [dreg:$0x3]  }
0x12f: {  	s0 =	sadd.s32 @!p0 $0x100000, s0  }
0x130: {  	[sflag:s0] =	ssyncadd.tile.s32 @!p0 $0x1;
	_ =	shalt  }
.Lfunc_end2:
_tile_overlayer_lowered:
.L_overlay_start_2:
0x131: {  	(tag) =	ssettag $0x2  }
0x132: {  	s0 =	rddreg [dreg:$0x0];
	s2 =	stileid.u32  }
0x133: {  	s1 =	rddreg [dreg:$0x1];
	p0 =	sne.s32 s2, $0x0  }
0x134: {  	s3 =	rddreg [dreg:$0x2];
	[bflag:$0x3] =	sbarrier.arrive $0xFFFF;
	s2 =	simm.s32 @!p0 $0x1C11  }
0x135: {  	[timem:s3], [sflag:s2] =	dma.local @!p0 [hbm:s0], s1  }
0x136: {  	s0 =	simm.s32 @!p0 $0x11  }
0x137: {  	_ =	swait.ge @!p0 [sflag:s0], s1  }
0x138: {  	s1 =	ssub.s32 @!p0 $0x0, s1;
	[sflag:s0] =	ssyncset.done @!p0 $0x0  }
0x139: {  	[sflag:s0] =	ssyncadd.s32 @!p0 s1  }
0x13a: {  	[bflag:$0x3] =	sbarrier.arrive $0xFFFF  }
0x13b: {  	_ =	shalt  }

// kernel: kernel.15.cloned.1.call-start
scs
__scs_entry_jumppad:
0x0: {  	(pc) =	sbr.rel $0x88, $3  }
0x1: {  	(tag) =	ssettag $0x0;
	lr =	simm.s32 $0x1  }
0x2: {  	[smem:$0x3F93] =	sst lr;
	_ =	strace $0xD0000000  }
0x3: {  	_ = 	snop  }
0x4: {  	_ = 	snop  }
0x5: {  	_ = 	snop  }
0x6: {  	_ = 	snop  }
0x7: {  	_ = 	snop  }
__scs_overlays_trampoline_lowered:
0x8: {  	[smem:$0x3FA2] =	sst s0  }
0x9: {  	[smem:$0x3FA3] =	sst s1  }
0xa: {  	[smem:$0x3FA4] =	sst s2  }
0xb: {  	[smem:$0x3FA5] =	sst s3  }
0xc: {  	[smem:$0x3FA6] =	sst s4  }
0xd: {  	[smem:$0x3FA7] =	sst s5  }
0xe: {  	[smem:$0x3FA8] =	sst s6  }
0xf: {  	[smem:$0x3FA9] =	sst s7  }
0x10: {  	[smem:$0x3FAA] =	sst s8  }
0x11: {  	[smem:$0x3FAB] =	sst s9;
	s0 =	simm.s32 @!p0 $0x0  }
0x12: {  	s1 =	sld [smem:$0x3F91];
	s0 =	simm.s32 @p0 $0x1  }
0x13: {  	[smem:$0x3FAC] =	sst s0;
	s0 =	simm.s32 @!p1 $0x0  }
0x14: {  	s2 =	sld [smem:$0x3F90];
	s0 =	simm.s32 @p1 $0x1  }
0x15: {  	[smem:$0x3FAD] =	sst s0;
	s0 =	simm.s32 @!p2 $0x0  }
0x16: {  	s3 =	sld [smem:$0x3FDB];
	s0 =	simm.s32 @p2 $0x1  }
0x17: {  	s4 =	simm.s32 $0x1BF5;
	[smem:$0x3FAF] =	sst s0  }
0x18: {  	s0 =	sld [smem:$0x3F92];
	_ =	swait.ge [sflag:s4], $0x0  }
0x19: {  	s7 =	sld [smem:$0x3F93]  }
0x1a: {  	s8 =	sadd.s32 $0xFFFFE003, lr  }
0x1b: {  	s9 =	sadd.s32 $0xFFFFFEF7, lr;
	s5 =	simm.s32 $0xFFFFFFFF;
	p2 =	slt.u32 s8, $0xFFFFF086  }
0x1c: {  	p1 =	slt.u32 s9, $0xF7A;
	s5 =	simm.s32 @!p2 $0x0  }
0x1d: {  	s5 =	simm.s32 @p1 $0x1;
	p0 =	seq.s32 s7, s2  }
0x1e: {  	s7 =	smul.u32 @!p0 $0xF7A, s2;
	p2 =	seq.s32 @!p0 s5, $0x0  }
0x1f: {  	s9 =	smul.u32 $0xF7A, s1;
	s8 =	simm.s32 @!p0 $0x1BF5;
	p2 =	por !p2, p0  }
0x20: {  	[sflag:s8] =	ssyncset.s32 @!p0 $0xFFFFF086;
	s6 =	sadd.s32 @!p0 s3, s7;
	s7 =	simm.s32 @!p0 $0x108  }
0x21: {  	s3 =	sadd.s32 s3, s9;
	s6 =	sadd.s32 @!p0 $0x88, s6;
	s7 =	simm.s32 @p2 $0x1082  }
0x22: {  	[simem:s7], [sflag:s8] =	dma.local @!p0 [hbm:s6], $0xF7A  }
0x23: {  	s9 =	sor.u32 $0xD0000000, s2;
	s6 =	simm.s32 $0x108;
	_ =	swait.ge @!p0 [sflag:s8], $0x0  }
0x24: {  	s3 =	sadd.s32 $0x88, s3;
	s6 =	simm.s32 @!p1 $0x1082;
	[sflag:s4] =	ssyncset.s32 $0xFFFFF086  }
0x25: {  	[simem:s6], [sflag:s4] =	dma.local [hbm:s3], $0xF7A  }
0x26: {  	[smem:$0x3F93] =	sst s1;
	(tag) =	ssettag s2;
	_ =	strace s9  }
0x27: {  	s1 =	sld [smem:$0x3FA3]  }
0x28: {  	s2 =	sld [smem:$0x3FA4]  }
0x29: {  	s4 =	sld [smem:$0x3FA6]  }
0x2a: {  	p0 =	seq.s32 s5, $0x0;
	s5 =	sld [smem:$0x3FA7]  }
0x2b: {  	s6 =	sld [smem:$0x3FA8]  }
0x2c: {  	s7 =	sld [smem:$0x3FA9]  }
0x2d: {  	s3 =	simm.s32 $0x108;
	s8 =	sld [smem:$0x3FAA]  }
0x2e: {  	s3 =	simm.s32 @!p0 $0x1082;
	s9 =	sld [smem:$0x3FAB]  }
0x2f: {  	lr =	sadd.s32 s0, s3;
	s0 =	sld [smem:$0x3FA2]  }
0x30: {  	s3 =	sld [smem:$0x3FA5]  }
0x31: {  	[smem:$0x3FAE] =	sst s10  }
0x32: {  	s10 =	sld [smem:$0x3FAC];
	_ =	sdelay $0x3  }
0x33: {  	p0 =	seq.s32 s10, $0x1;
	s10 =	sld [smem:$0x3FAE];
	_ =	sdelay $0x3  }
0x34: {  	[smem:$0x3FAE] =	sst s10  }
0x35: {  	s10 =	sld [smem:$0x3FAD];
	_ =	sdelay $0x3  }
0x36: {  	p1 =	seq.s32 s10, $0x1;
	s10 =	sld [smem:$0x3FAE];
	_ =	sdelay $0x3  }
0x37: {  	[smem:$0x3FAE] =	sst s10  }
0x38: {  	s10 =	sld [smem:$0x3FAF]  }
0x39: {  	_ = 	snop;
	(pc) =	sbr.ind lr, $3  }
0x3a: {  	_ = 	snop  }
0x3b: {  	_ = 	snop  }
0x3c: {  	p2 =	seq.s32 s10, $0x1;
	s10 =	sld [smem:$0x3FAE]  }
0x3d: {  	_ =	shalt  }
0x3e: {  	_ =	shalt  }
0x3f: {  	_ =	shalt  }
0x40: {  	_ =	shalt  }
0x41: {  	_ =	shalt  }
0x42: {  	_ =	shalt  }
0x43: {  	_ =	shalt  }
0x44: {  	_ =	shalt  }
0x45: {  	_ =	shalt  }
0x46: {  	_ =	shalt  }
0x47: {  	_ =	shalt  }
0x48: {  	_ =	shalt  }
0x49: {  	_ =	shalt  }
0x4a: {  	_ =	shalt  }
0x4b: {  	_ =	shalt  }
0x4c: {  	_ =	shalt  }
0x4d: {  	_ =	shalt  }
0x4e: {  	_ =	shalt  }
0x4f: {  	_ =	shalt  }
0x50: {  	_ =	shalt  }
0x51: {  	_ =	shalt  }
0x52: {  	_ =	shalt  }
0x53: {  	_ =	shalt  }
0x54: {  	_ =	shalt  }
0x55: {  	_ =	shalt  }
0x56: {  	_ =	shalt  }
0x57: {  	_ =	shalt  }
0x58: {  	_ =	shalt  }
0x59: {  	_ =	shalt  }
0x5a: {  	_ =	shalt  }
0x5b: {  	_ =	shalt  }
0x5c: {  	_ =	shalt  }
0x5d: {  	_ =	shalt  }
0x5e: {  	_ =	shalt  }
0x5f: {  	_ =	shalt  }
0x60: {  	_ =	shalt  }
0x61: {  	_ =	shalt  }
0x62: {  	_ =	shalt  }
0x63: {  	_ =	shalt  }
0x64: {  	_ =	shalt  }
0x65: {  	_ =	shalt  }
0x66: {  	_ =	shalt  }
0x67: {  	_ =	shalt  }
0x68: {  	_ =	shalt  }
0x69: {  	_ =	shalt  }
0x6a: {  	_ =	shalt  }
0x6b: {  	_ =	shalt  }
0x6c: {  	_ =	shalt  }
0x6d: {  	_ =	shalt  }
0x6e: {  	_ =	shalt  }
0x6f: {  	_ =	shalt  }
0x70: {  	_ =	shalt  }
0x71: {  	_ =	shalt  }
0x72: {  	_ =	shalt  }
0x73: {  	_ =	shalt  }
0x74: {  	_ =	shalt  }
0x75: {  	_ =	shalt  }
0x76: {  	_ =	shalt  }
0x77: {  	_ =	shalt  }
0x78: {  	_ =	shalt  }
0x79: {  	_ =	shalt  }
0x7a: {  	_ =	shalt  }
0x7b: {  	_ =	shalt  }
0x7c: {  	_ =	shalt  }
0x7d: {  	_ =	shalt  }
0x7e: {  	_ =	shalt  }
0x7f: {  	_ =	shalt  }
0x80: {  	_ =	shalt  }
0x81: {  	_ =	shalt  }
0x82: {  	_ =	shalt  }
0x83: {  	_ =	shalt  }
0x84: {  	_ =	shalt  }
0x85: {  	_ =	shalt  }
0x86: {  	_ =	shalt  }
0x87: {  	_ =	shalt  }
.Lfunc_end0:
.L_simem_size_0:
called_computation.2_lowered:
.L_overlay_start_0:
0x88: {  	s2 =	sld [smem:$0x3FD9]  }
0x89: {  	s3 =	sld [smem:$0x3FFE];
	_ =	sdelay $0x1  }
0x8a: {  	s1 =	srdreg.scid  }
0x8b: {  	s0 =	sand.u32 $0x1, s1  }
0x8c: {  	s17 =	sshll.u32 s0, $0xA;
	s2 =	sadd.s32 s3, s2  }
0x8d: {  	s2 =	sadd.s32 s2, s17  }
0x8e: {  	[smem:$0x3FBA] =	sst s2  }
0x8f: {  	_ = 	snop  }
0x90: {  	s2 =	sld [smem:$0x3FD0];
	(tm) =	ssettm $0x1  }
0x91: {  	s18 =	sld [smem:$0x3FFB];
	_ =	sdelay $0x3  }
0x92: {  	_ =	strace s18  }
0x93: {  	s3 =	sld [smem:$0x3FFC];
	_ =	sdelay $0x3  }
0x94: {  	_ =	strace s3  }
0x95: {  	s3 =	sld [smem:$0x3FFD];
	_ =	sdelay $0x3  }
0x96: {  	_ =	strace s3  }
0x97: {  	_ =	strace $0x8FFFFFFF  }
0x98: {  	s19 =	sld [smem:$0x3FDB];
	_ =	sdelay $0x1  }
0x99: {  	s4 =	simm.s32 $_scs_section_size  }
0x9a: {  	s5 =	simm.s32 $_size__tile_overlayer_lowered;
	s6 =	simm.s32 $_tile_overlayer_lowered  }
0x9b: {  	s22 =	simm.s32 $0x1BFF;
	s21 =	sshll.u32 s6, $0x1;
	s3 =	sadd.s32 s4, s19  }
0x9c: {  	s7 =	simm.s32 $0x0;
	s20 =	sshll.u32 s5, $0x1;
	s5 =	sadd.s32 s21, s3  }
0x9d: {  	[timem:s7], [sflag:s22] =	dma.local [hbm:s5], s20  }
0x9e: {  	_ =	swait.ge [sflag:s22], s20  }
0x9f: {  	s4 =	ssub.s32 $0x0, s20;
	[sflag:s22] =	ssyncset.done $0x0  }
0xa0: {  	[sflag:s22] =	ssyncadd.s32 s4;
	_ =	sdelay $0x1  }
0xa1: {  	s23 =	simm.s32 $0x1B8B  }
0xa2: {  	_ =	swait.ge [sflag:s23], $0x1  }
0xa3: {  	[sflag:s23] =	ssyncset.done $0x0  }
0xa4: {  	s25 =	simm.s32 $0x1B8E;
	s24 =	sld [smem:$0x3FFE];
	[sflag:s23] =	ssyncadd.s32 $0xFFFFFFFF  }
0xa5: {  	s26 =	simm.s32 $execute0_lowered;
	[smem:$0x3FD2] =	sst s25  }
0xa6: {  	s5 =	sshll.u32 s26, $0x1;
	_ =	strace $0x8000004C;
	[dreg:$0x1] =	wrdreg $0xFFFFFFFF  }
0xa7: {  	s28 =	simm.s32 $_size_execute0_lowered;
	s3 =	sadd.s32 s3, s5;
	[dreg:$0x0] =	wrdreg $0x0  }
0xa8: {  	s5 =	sshll.u32 s28, $0x1;
	[dreg:$0x2] =	wrdreg s3  }
0xa9: {  	[dreg:$0x3] =	wrdreg s5  }
0xaa: {  	[dreg:$0x4] =	wrdreg $0xC0  }
0xab: {  	_ =	task [dreg:s7], $0x5FFFF  }
0xac: {  	[dreg:$0x1] =	wrdreg $0xFFFFFFFF  }
0xad: {  	[dreg:$0x0] =	wrdreg $0x60  }
0xae: {  	[dreg:$0x2] =	wrdreg s24  }
0xaf: {  	[dreg:$0x3] =	wrdreg s2  }
0xb0: {  	[dreg:$0x4] =	wrdreg $0xA4000  }
0xb1: {  	[dreg:$0x5] =	wrdreg $0x9  }
0xb2: {  	_ =	task.clear_ibuf [dreg:s7], $0x6FFFF;
	_ =	strace $0x9000004C  }
0xb3: {  	s29 =	simm.s32 $0x9;
	_ =	strace $0x8000004E  }
0xb4: {  	_ =	swait.ge [sflag:s29], $0x1  }
0xb5: {  	[sflag:s29] =	ssyncadd.s32 $0xFFFFFFFF  }
0xb6: {  	_ =	strace $0x9000004E  }
0xb7: {  	_ =	sfence  }
0xb8: {  	s30 =	sld [smem:$0x0];
	_ =	sdelay $0x2  }
0xb9: {  	s31 =	sshll.u32 s1, $0xD;
	s1 =	sshrl.u32 s1, $0x2  }
0xba: {  	s3 =	sand.u32 $0x4000, s31;
	s1 =	sadd.s32 s1, s30  }
0xbb: {  	s0 =	sor.u32 s3, s0;
	s1 =	sshll.u32 s1, $0x11  }
0xbc: {  	s0 =	sor.u32 s1, s0  }
0xbd: {  	s0 =	sadd.s32 $0x8F2B, s0  }
0xbe: {  	[sflag:s0] =	ssyncadd.remote.s32 $0x1  }
0xbf: {  	_ =	sfence.sel $0xFFFF  }
0xc0: {  	[dreg:$0x0] =	wrdreg $0xFFFFFFFF;
	(pc) =	sbr.abs _section_cstart, $3  }
0xc1: {  	[dreg:$0x1] =	wrdreg $0xFFFFFFFF  }
0xc2: {  	_ =	task.clear_ibuf [dreg:s7], $0x2FFFF;
	_ =	strace $0x9FFFFFFF  }
0xc3: {  	(tm) =	ssettm $0x7FFFFFFF  }
tec
execute0_lowered:
.L_overlay_start_1:
0x0: {  	(tag) =	ssettag $0x1  }
0x1: {  	s0 =	rddreg [dreg:$0x0]  }
0x2: {  	s20 =	rddreg [dreg:$0x1]  }
0x3: {  	s2 =	rddreg [dreg:$0x2];
	s1 =	srdreg.scid;
	s4 =	simm.s32 $0x0  }
0x4: {  	s21 =	stileid.u32;
	s28 =	simm.s32 $0x7C00;
	s29 =	simm.s32 $0xD  }
0x5: {  	s30 =	simm.s32 $0x8;
	s1 =	sand.u32 $0x1, s1;
	s8 =	smul.u32 $0x500, s21  }
0x6: {  	s31 =	simm.s32 $0xC;
	s7 =	sor.u32 $0x10, s21;
	s5 =	smul.u32 $0x27100, s1  }
0x7: {  	[smem:$0x7FF] =	sst s4;
	s9 =	sor.u32 $0x20, s21;
	s10 =	smul.u32 $0x500, s7  }
0x8: {  	s12 =	sor.u32 $0x30, s21;
	s15 =	sor.u32 $0x50, s21;
	s13 =	smul.u32 $0x500, s9  }
0x9: {  	s17 =	sor.u32 $0x60, s21;
	s18 =	sor.u32 $0x70, s21;
	s14 =	smul.u32 $0x500, s12  }
0xa: {  	s3 =	sshll.u32 s1, $0x4;
	s1 =	ssub.s32 $0x2, s1;
	s19 =	smul.u32 $0x500, s15  }
0xb: {  	_ =	strace $0x8000004D;
	s23 =	smul.u32 $0x500, s17;
	s11 =	sshrl.u32 s1, $0x1  }
0xc: {  	s26 =	smul.u32 $0x500, s18;
	s6 =	sadd.s32 s5, s0;
	s1 =	ssub.s32 s1, s11  }
0xd: {  	p0 =	sgt.u32 s18, $0x7C;
	s6 =	sadd.s32 $0x33E00, s6;
	s1 =	smax.u32 s1, $0x1  }
0xe: {  	s3 =	sor.u32 s21, s3;
	s8 =	sadd.s32 s6, s8;
	[dreg:$0x11] =	wrdreg s1  }
0xf: {  	s11 =	sor.u32 $0x40, s21;
	s22 =	sadd.s32 s6, s10;
	[dreg:$0x4] =	wrdreg s8  }
0x10: {  	s16 =	smul.u32 $0x500, s11;
	s24 =	sadd.s32 s6, s13;
	[dreg:$0x5] =	wrdreg s22  }
0x11: {  	s3 =	smul.u32 $0x2710, s3;
	s25 =	sadd.s32 s6, s14;
	[dreg:$0x6] =	wrdreg s24  }
0x12: {  	s13 =	sadd.s32 $0xCC00, s0;
	[dreg:$0x7] =	wrdreg s25;
	s14 =	sadd.s32 s6, s16  }
0x13: {  	s16 =	sadd.s32 s6, s19;
	s19 =	smul.u32 $0x2710, s21;
	[dreg:$0x8] =	wrdreg s14  }
0x14: {  	s8 =	sadd.s32 s6, s23;
	s6 =	sadd.s32 s6, s26;
	[dreg:$0x9] =	wrdreg s16  }
0x15: {  	s22 =	sshrl.u32 s3, $0x3;
	s24 =	smul.u32 $0xA000, s21;
	[dreg:$0xa] =	wrdreg s8  }
0x16: {  	s25 =	smul.u32 $0xA000, s7;
	[dreg:$0xb] =	wrdreg s6;
	s8 =	sadd.s32 $0x2E00, s0  }
0x17: {  	s10 =	sadd.s32 s20, s22;
	s23 =	sadd.s32 $0xA, s22;
	s14 =	smul.u32 $0xA000, s9  }
0x18: {  	s3 =	sadd.s32 s19, s5;
	s0 =	sadd.s32 s8, s22;
	[dreg:$0xc] =	wrdreg s8  }
0x19: {  	s26 =	sadd.s32 s20, s23;
	s19 =	smul.u32 $0xA000, s12;
	[dreg:$0xd] =	wrdreg s10  }
0x1a: {  	s5 =	sadd.s32 s8, s23;
	s22 =	smul.u32 $0xA000, s11;
	[dreg:$0xe] =	wrdreg s0  }
0x1b: {  	s7 =	sshrl.u32 s24, $0x2;
	s24 =	smul.u32 $0xA000, s15;
	[dreg:$0xf] =	wrdreg s26  }
0x1c: {  	s12 =	smul.u32 $0xA000, s18;
	[dreg:$0x10] =	wrdreg s5;
	s16 =	sadd.s32 s7, s2  }
0x1d: {  	s0 =	sshrl.u32 s25, $0x2;
	s21 =	sshrl.u32 s14, $0x2;
	s26 =	smul.u32 $0xA000, s17  }
0x1e: {  	s15 =	sadd.s32 $0x1E0, s3;
	s17 =	sadd.s32 $0x190, s3;
	[dreg:$0x12] =	wrdreg s16  }
0x1f: {  	s11 =	sadd.s32 s0, s2;
	s23 =	sadd.s32 s21, s2;
	s1 =	sshrl.u32 s19, $0x2  }
0x20: {  	s25 =	sshrl.u32 s22, $0x2;
	s0 =	sshrl.u32 s24, $0x2;
	s16 =	sshrl.u32 s12, $0x2  }
0x21: {  	s18 =	sshrl.u32 s17, $0x3;
	s21 =	sadd.s32 $0xF0, s3;
	s22 =	sadd.s32 $0x140, s3  }
0x22: {  	s12 =	simm.s32 $0x1;
	s17 =	simm.s32 $0x200;
	[dreg:$0x14] =	wrdreg s23  }
0x23: {  	s1 =	sadd.s32 s1, s2;
	s7 =	sadd.s32 s25, s2;
	[dreg:$0x1d] =	wrdreg s22  }
0x24: {  	s9 =	sshrl.u32 s26, $0x2;
	s0 =	sadd.s32 s0, s2;
	[dreg:$0x13] =	wrdreg s11  }
0x25: {  	s19 =	sadd.s32 s18, s8;
	s23 =	sadd.s32 $0xA0, s3;
	[dreg:$0x15] =	wrdreg s1  }
0x26: {  	s26 =	sadd.s32 $0x14, s10;
	s3 =	simm.s32 $0xE;
	[dreg:$0x16] =	wrdreg s7  }
0x27: {  	s10 =	simm.s32 $0x0;
	s22 =	simm.s32 $0x5400;
	[dreg:$0x17] =	wrdreg s0  }
0x28: {  	s14 =	sadd.s32 s9, s2;
	s0 =	sshrl.u32 s15, $0x3;
	[dreg:$0x1b] =	wrdreg s19  }
0x29: {  	s1 =	sadd.s32 s16, s2;
	s25 =	sshrl.u32 s23, $0x3;
	[smem:$0x7FD] =	sst s26  }
0x2a: {  	s16 =	simm.s32 $0x50;
	s19 =	simm.s32 $0x2C00;
	s15 =	simm.s32 $0x280  }
0x2b: {  	s7 =	simm.s32 $0x9;
	s26 =	simm.s32 $0x4;
	[dreg:$0x18] =	wrdreg s14  }
0x2c: {  	s9 =	simm.s32 $0x7;
	[dreg:$0x19] =	wrdreg s1;
	s0 =	sadd.s32 s0, s20  }
0x2d: {  	s23 =	simm.s32 $0x300;
	[dreg:$0x1a] =	wrdreg s0;
	s0 =	sadd.s32 s18, s20  }
0x2e: {  	s1 =	simm.s32 $0x380;
	[dreg:$0x1c] =	wrdreg s0;
	s0 =	sshrl.u32 s21, $0x3  }
.Ltmp0:
0x2f: {  	s14 =	simm.s32 $0xB;
	s24 =	sadd.s32 s0, s8;
	(pc) =	sbr.rel .LBB2_1-.Ltmp0, $4  }
0x30: {  	s18 =	simm.s32 $0x2;
	s0 =	sadd.s32 s0, s20;
	[dreg:$0x1e] =	wrdreg s24  }
0x31: {  	s21 =	simm.s32 $0x280;
	s20 =	simm.s32 $0x3;
	[dreg:$0x1f] =	wrdreg s0  }
0x32: {  	s0 =	sadd.s32 s25, s8;
	s8 =	simm.s32 $0x400;
	s24 =	simm.s32 $0x6  }
0x33: {  	v0 =	vimm.f32 $0.0e+00;
	s25 =	simm.s32 $0xA;
	[smem:$0x7FC] =	sst s0;
	s0 =	simm.s32 $0x5  }
.LBB2_6:
0x34: {  	_ =	swait.ge [sflag:s30], $0x2800  }
0x35: {  	[sflag:s30] =	ssyncset.done $0x0  }
0x36: {  	[sflag:s30] =	ssyncadd.s32 $0xFFFFD800  }
0x37: {  	_ =	swait.ge [sflag:s31], $0x50  }
0x38: {  	[sflag:s31] =	ssyncset.done $0x0  }
0x39: {  	[sflag:s31] =	ssyncadd.s32 $0xFFFFFFB0  }
0x3a: {  	[spmem:s2] =	stream.indirect.scatter.add.f32 [tilespmem:s28], [sflag:$0x10], $0x80, s1, s16, $0xb8;
	[tilespmem:$0x1DC80] =	vst v63  }
0x3b: {  	_ =	swait.ge [sflag:s3], $0x2800  }
0x3c: {  	[sflag:s3] =	ssyncset.done $0x0  }
0x3d: {  	s5 =	simm.s32 $0xF;
	[sflag:s3] =	ssyncadd.s32 $0xFFFFD800  }
0x3e: {  	_ =	swait.ge [sflag:s5], $0x2800  }
0x3f: {  	[sflag:s5] =	ssyncset.done $0x0  }
0x40: {  	s6 =	simm.s32 $0x10;
	[sflag:s5] =	ssyncadd.s32 $0xFFFFD800  }
0x41: {  	_ =	swait.ge [sflag:s6], $0x2800  }
0x42: {  	[sflag:s6] =	ssyncset.done $0x0  }
0x43: {  	[sflag:s6] =	ssyncadd.s32 $0xFFFFD800  }
0x44: {  	_ =	swait.ge [sflag:s0], $0x2800  }
0x45: {  	[sflag:s0] =	ssyncset.done $0x0  }
0x46: {  	[sflag:s0] =	ssyncadd.s32 $0xFFFFD800  }
0x47: {  	_ =	swait.ge [sflag:s7], $0x50  }
0x48: {  	[sflag:s7] =	ssyncset.done $0x0  }
0x49: {  	s6 =	simm.s32 $0x11;
	[sflag:s7] =	ssyncadd.s32 $0xFFFFFFB0  }
0x4a: {  	[spmem:s2] =	stream.indirect.scatter.add.f32 [tilespmem:s8], [sflag:$0x11], $0x80, s17, s16, $0xb8;
	[tilespmem:$0x1DC80] =	vst v63  }
0x4b: {  	_ =	swait.ge [sflag:s6], $0x2800  }
0x4c: {  	[sflag:s6] =	ssyncset.done $0x0  }
0x4d: {  	[sflag:s6] =	ssyncadd.s32 $0xFFFFD800  }
0x4e: {  	[bflag:$0x0] =	sbarrier.arrive $0xFFFF  }
0x4f: {  	s10 =	rddreg [dreg:$0x12]  }
0x50: {  	[tilespmem:s8], [sflag:$0x12] =	stream.linear.gather [spmem:s10], $0x2800, $0x38;
	[tilespmem:$0x1DC80] =	vst v63  }
0x51: {  	s10 =	simm.s32 $0x12  }
0x52: {  	_ =	swait.ge [sflag:s10], $0x2800  }
0x53: {  	[sflag:s10] =	ssyncset.done $0x0  }
0x54: {  	s11 =	rddreg [dreg:$0x4];
	[sflag:s10] =	ssyncadd.s32 $0xFFFFD800  }
0x55: {  	[hbm4b:s11+s4] =	stream.linear.scatter [tilespmem:s8], [sflag:$0x11], $0x2800, $0x38;
	[tilespmem:$0x1DC80] =	vst v63  }
0x56: {  	_ =	swait.ge [sflag:s6], $0x2800  }
0x57: {  	[sflag:s6] =	ssyncset.done $0x0  }
0x58: {  	s11 =	rddreg [dreg:$0x13];
	[sflag:s6] =	ssyncadd.s32 $0xFFFFD800  }
0x59: {  	[tilespmem:s8], [sflag:$0x12] =	stream.linear.gather [spmem:s11], $0x2800, $0x38;
	[tilespmem:$0x1DC80] =	vst v63  }
0x5a: {  	_ =	swait.ge [sflag:s10], $0x2800  }
0x5b: {  	[sflag:s10] =	ssyncset.done $0x0  }
0x5c: {  	s15 =	rddreg [dreg:$0x5];
	[sflag:s10] =	ssyncadd.s32 $0xFFFFD800  }
0x5d: {  	[hbm4b:s15+s4] =	stream.linear.scatter [tilespmem:s8], [sflag:$0x11], $0x2800, $0x38;
	[tilespmem:$0x1DC80] =	vst v63  }
0x5e: {  	_ =	swait.ge [sflag:s6], $0x2800  }
0x5f: {  	[sflag:s6] =	ssyncset.done $0x0  }
0x60: {  	s19 =	rddreg [dreg:$0x14];
	[sflag:s6] =	ssyncadd.s32 $0xFFFFD800  }
0x61: {  	[tilespmem:s8], [sflag:$0x12] =	stream.linear.gather [spmem:s19], $0x2800, $0x38;
	[tilespmem:$0x1DC80] =	vst v63  }
0x62: {  	_ =	swait.ge [sflag:s10], $0x2800  }
0x63: {  	[sflag:s10] =	ssyncset.done $0x0  }
0x64: {  	s15 =	rddreg [dreg:$0x6];
	[sflag:s10] =	ssyncadd.s32 $0xFFFFD800  }
0x65: {  	[hbm4b:s15+s4] =	stream.linear.scatter [tilespmem:s8], [sflag:$0x11], $0x2800, $0x38;
	[tilespmem:$0x1DC80] =	vst v63  }
0x66: {  	_ =	swait.ge [sflag:s6], $0x2800  }
0x67: {  	[sflag:s6] =	ssyncset.done $0x0  }
0x68: {  	s19 =	rddreg [dreg:$0x15];
	[sflag:s6] =	ssyncadd.s32 $0xFFFFD800  }
0x69: {  	[tilespmem:s8], [sflag:$0x12] =	stream.linear.gather [spmem:s19], $0x2800, $0x38;
	[tilespmem:$0x1DC80] =	vst v63  }
0x6a: {  	_ =	swait.ge [sflag:s10], $0x2800  }
0x6b: {  	[sflag:s10] =	ssyncset.done $0x0  }
0x6c: {  	s15 =	rddreg [dreg:$0x7];
	[sflag:s10] =	ssyncadd.s32 $0xFFFFD800  }
0x6d: {  	[hbm4b:s15+s4] =	stream.linear.scatter [tilespmem:s8], [sflag:$0x11], $0x2800, $0x38;
	[tilespmem:$0x1DC80] =	vst v63  }
0x6e: {  	_ =	swait.ge [sflag:s6], $0x2800  }
0x6f: {  	[sflag:s6] =	ssyncset.done $0x0  }
0x70: {  	s19 =	rddreg [dreg:$0x16];
	[sflag:s6] =	ssyncadd.s32 $0xFFFFD800  }
0x71: {  	[tilespmem:s8], [sflag:$0x12] =	stream.linear.gather [spmem:s19], $0x2800, $0x38;
	[tilespmem:$0x1DC80] =	vst v63  }
0x72: {  	_ =	swait.ge [sflag:s10], $0x2800  }
0x73: {  	[sflag:s10] =	ssyncset.done $0x0  }
0x74: {  	s15 =	rddreg [dreg:$0x8];
	[sflag:s10] =	ssyncadd.s32 $0xFFFFD800  }
0x75: {  	[hbm4b:s15+s4] =	stream.linear.scatter [tilespmem:s8], [sflag:$0x11], $0x2800, $0x38;
	[tilespmem:$0x1DC80] =	vst v63  }
0x76: {  	_ =	swait.ge [sflag:s6], $0x2800  }
0x77: {  	[sflag:s6] =	ssyncset.done $0x0  }
0x78: {  	s19 =	rddreg [dreg:$0x17];
	[sflag:s6] =	ssyncadd.s32 $0xFFFFD800  }
0x79: {  	[tilespmem:s8], [sflag:$0x12] =	stream.linear.gather [spmem:s19], $0x2800, $0x38;
	[tilespmem:$0x1DC80] =	vst v63  }
0x7a: {  	_ =	swait.ge [sflag:s10], $0x2800  }
0x7b: {  	[sflag:s10] =	ssyncset.done $0x0  }
0x7c: {  	s15 =	rddreg [dreg:$0x9];
	[sflag:s10] =	ssyncadd.s32 $0xFFFFD800  }
0x7d: {  	[hbm4b:s15+s4] =	stream.linear.scatter [tilespmem:s8], [sflag:$0x11], $0x2800, $0x38;
	[tilespmem:$0x1DC80] =	vst v63  }
0x7e: {  	_ =	swait.ge [sflag:s6], $0x2800  }
0x7f: {  	[sflag:s6] =	ssyncset.done $0x0  }
0x80: {  	s19 =	rddreg [dreg:$0x18];
	[sflag:s6] =	ssyncadd.s32 $0xFFFFD800  }
0x81: {  	[tilespmem:s8], [sflag:$0x12] =	stream.linear.gather [spmem:s19], $0x2800, $0x38;
	[tilespmem:$0x1DC80] =	vst v63  }
0x82: {  	_ =	swait.ge [sflag:s10], $0x2800  }
0x83: {  	[sflag:s10] =	ssyncset.done $0x0  }
0x84: {  	[sflag:s10] =	ssyncadd.s32 $0xFFFFD800;
	s10 =	rddreg [dreg:$0xa]  }
0x85: {  	[hbm4b:s10+s4] =	stream.linear.scatter [tilespmem:s8], [sflag:$0x11], $0x2800, $0x38;
	[tilespmem:$0x1DC80] =	vst v63  }
0x86: {  	_ =	swait.ge [sflag:s6], $0x2800  }
0x87: {  	[sflag:s6] =	ssyncset.done $0x0  }
0x88: {  	s5 =	simm.s32 @!p0 $0x400;
	[sflag:s6] =	ssyncadd.s32 $0xFFFFD800;
	s6 =	rddreg [dreg:$0x19]  }
0x89: {  	[tilespmem:s5], [sflag:$0x12] =	stream.linear.gather @!p0 [spmem:s6], $0x2800, $0x38;
	[tilespmem:$0x1DC80] =	vst v63  }
0x8a: {  	s6 =	simm.s32 @!p0 $0x12  }
0x8b: {  	_ =	swait.ge @!p0 [sflag:s6], $0x2800  }
0x8c: {  	[sflag:s6] =	ssyncset.done @!p0 $0x0  }
0x8d: {  	s10 =	rddreg [dreg:$0xb];
	[sflag:s6] =	ssyncadd.s32 @!p0 $0xFFFFD800;
	s6 =	simm.s32 @!p0 $0x0  }
0x8e: {  	[hbm4b:s10+s6] =	stream.linear.scatter @!p0 [tilespmem:s5], [sflag:$0x11], $0x2800, $0x38;
	[tilespmem:$0x1DC80] =	vst v63  }
0x8f: {  	s5 =	simm.s32 @!p0 $0x11  }
0x90: {  	_ =	swait.ge @!p0 [sflag:s5], $0x2800  }
0x91: {  	s15 =	sld [smem:$0x7FB];
	_ =	sdelay $0x2  }
0x92: {  	s19 =	rddreg [dreg:$0x11];
	s10 =	sadd.s32 $0x1, s15  }
0x93: {  	p1 =	sne.s32 s10, s19  }
.Ltmp1:
0x94: {  	_ = 	snop;
	(pc) =	sbr.rel @!p1 .LBB2_7-.Ltmp1, $3  }
0x95: {  	_ =	sdelay $0x1  }
0x96: {  	[sflag:s5] =	ssyncset.done @!p0 $0x0  }
0x97: {  	[sflag:s5] =	ssyncadd.s32 @!p0 $0xFFFFD800;
	s15 =	simm.s32 $0x280;
	s19 =	simm.s32 $0x2C00  }
.LBB2_1:
0x98: {  	[smem:$0x7FB] =	sst s10;
	s5 =	simm.s32 $0x70;
	s6 =	simm.s32 $0x3C0  }
.LBB2_2:
0x99: {  	p1 =	sne.s32 s6, $0x9FC0;
	[tilespmem:s5+$0x400] =	vst v0  }
0x9a: {  	[tilespmem:s5+$0x390] =	vst v0  }
0x9b: {  	[tilespmem:s5+$0x3A0] =	vst v0  }
.Ltmp2:
0x9c: {  	[tilespmem:s5+$0x3B0] =	vst v0;
	(pc) =	sbr.rel @p1 .LBB2_2-.Ltmp2, $4  }
0x9d: {  	[tilespmem:s5+$0x3C0] =	vst v0  }
0x9e: {  	[tilespmem:s5+$0x3D0] =	vst v0  }
0x9f: {  	[tilespmem:s5+$0x3E0] =	vst v0  }
0xa0: {  	[tilespmem:s5+$0x3F0] =	vst v0;
	s5 =	sshra.s32 s6, $0x2;
	s6 =	sadd.s32 $0x200, s6  }
0xa1: {  	[tilespmem:s5+$0x400] =	vst v0  }
0xa2: {  	[tilespmem:s5+$0x390] =	vst v0  }
0xa3: {  	[tilespmem:s5+$0x3A0] =	vst v0  }
0xa4: {  	[tilespmem:s5+$0x3B0] =	vst v0  }
0xa5: {  	[tilespmem:s5+$0x3C0] =	vst v0  }
0xa6: {  	[tilespmem:s5+$0x3D0] =	vst v0  }
0xa7: {  	[tilespmem:s5+$0x3E0] =	vst v0  }
0xa8: {  	[tilespmem:s5+$0x3F0] =	vst v0;
	s10 =	rddreg [dreg:$0x12];
	s6 =	simm.s32 $0x11  }
0xa9: {  	[spmem:s10] =	stream.linear.scatter [tilespmem:s8], [sflag:$0x11], $0x2800, $0x38;
	[tilespmem:$0x1DC80] =	vst v63  }
0xaa: {  	_ =	swait.ge [sflag:s6], $0x2800  }
0xab: {  	[sflag:s6] =	ssyncset.done $0x0  }
0xac: {  	[sflag:s6] =	ssyncadd.s32 $0xFFFFD800  }
0xad: {  	[spmem:s11] =	stream.linear.scatter [tilespmem:s8], [sflag:$0x11], $0x2800, $0x38;
	[tilespmem:$0x1DC80] =	vst v63  }
0xae: {  	_ =	swait.ge [sflag:s6], $0x2800  }
0xaf: {  	[sflag:s6] =	ssyncset.done $0x0  }
0xb0: {  	s11 =	rddreg [dreg:$0x14];
	[sflag:s6] =	ssyncadd.s32 $0xFFFFD800  }
0xb1: {  	[spmem:s11] =	stream.linear.scatter [tilespmem:s8], [sflag:$0x11], $0x2800, $0x38;
	[tilespmem:$0x1DC80] =	vst v63  }
0xb2: {  	_ =	swait.ge [sflag:s6], $0x2800  }
0xb3: {  	[sflag:s6] =	ssyncset.done $0x0  }
0xb4: {  	s10 =	rddreg [dreg:$0x15];
	[sflag:s6] =	ssyncadd.s32 $0xFFFFD800  }
0xb5: {  	[spmem:s10] =	stream.linear.scatter [tilespmem:s8], [sflag:$0x11], $0x2800, $0x38;
	[tilespmem:$0x1DC80] =	vst v63  }
0xb6: {  	_ =	swait.ge [sflag:s6], $0x2800  }
0xb7: {  	[sflag:s6] =	ssyncset.done $0x0  }
0xb8: {  	s11 =	rddreg [dreg:$0x16];
	[sflag:s6] =	ssyncadd.s32 $0xFFFFD800  }
0xb9: {  	[spmem:s11] =	stream.linear.scatter [tilespmem:s8], [sflag:$0x11], $0x2800, $0x38;
	[tilespmem:$0x1DC80] =	vst v63  }
0xba: {  	_ =	swait.ge [sflag:s6], $0x2800  }
0xbb: {  	[sflag:s6] =	ssyncset.done $0x0  }
0xbc: {  	s10 =	rddreg [dreg:$0x17];
	[sflag:s6] =	ssyncadd.s32 $0xFFFFD800  }
0xbd: {  	[spmem:s10] =	stream.linear.scatter [tilespmem:s8], [sflag:$0x11], $0x2800, $0x38;
	[tilespmem:$0x1DC80] =	vst v63  }
0xbe: {  	_ =	swait.ge [sflag:s6], $0x2800  }
0xbf: {  	[sflag:s6] =	ssyncset.done $0x0  }
0xc0: {  	s11 =	rddreg [dreg:$0x18];
	[sflag:s6] =	ssyncadd.s32 $0xFFFFD800  }
0xc1: {  	[spmem:s11] =	stream.linear.scatter [tilespmem:s8], [sflag:$0x11], $0x2800, $0x38;
	[tilespmem:$0x1DC80] =	vst v63  }
0xc2: {  	_ =	swait.ge [sflag:s6], $0x2800  }
0xc3: {  	[sflag:s6] =	ssyncset.done $0x0  }
0xc4: {  	s5 =	simm.s32 @!p0 $0x400;
	[sflag:s6] =	ssyncadd.s32 $0xFFFFD800;
	s6 =	rddreg [dreg:$0x19]  }
0xc5: {  	[spmem:s6] =	stream.linear.scatter @!p0 [tilespmem:s5], [sflag:$0x11], $0x2800, $0x38;
	[tilespmem:$0x1DC80] =	vst v63  }
0xc6: {  	s5 =	simm.s32 @!p0 $0x11  }
0xc7: {  	_ =	swait.ge @!p0 [sflag:s5], $0x2800  }
0xc8: {  	[sflag:s5] =	ssyncset.done @!p0 $0x0;
	s10 =	rddreg [dreg:$0xd]  }
0xc9: {  	s11 =	rddreg [dreg:$0xf];
	[sflag:s5] =	ssyncadd.s32 @!p0 $0xFFFFD800;
	s5 =	simm.s32 $0x0  }
0xca: {  	[tilespmem:s5], [sflag:$0x1] =	stream.linear.gather [hbm4b:s10+s5], $0x50, $0x38;
	[tilespmem:$0x1DC80] =	vst v63  }
0xcb: {  	s6 =	sld [smem:$0x7FD];
	s10 =	simm.s32 $0x80  }
0xcc: {  	[tilespmem:s10], [sflag:$0x2] =	stream.linear.gather [hbm4b:s11+s5], $0x50, $0x38;
	[tilespmem:$0x1DC80] =	vst v63  }
0xcd: {  	s11 =	simm.s32 $0x100  }
0xce: {  	[tilespmem:s11], [sflag:$0x3] =	stream.linear.gather [hbm4b:s6+s5], $0x50, $0x38;
	[tilespmem:$0x1DC80] =	vst v63  }
0xcf: {  	_ =	swait.ge [sflag:s12], $0x50  }
0xd0: {  	[sflag:s12] =	ssyncset.done $0x0  }
0xd1: {  	[sflag:s12] =	ssyncadd.s32 $0xFFFFFFB0  }
0xd2: {  	[tilespmem:s8], [sflag:$0x5] =	stream.indirect.gather [hbm4b:s13+s16], $0x80, s5, s16, $0xb8;
	[tilespmem:$0x1DC80] =	vst v63  }
0xd3: {  	s6 =	rddreg [dreg:$0xe]  }
0xd4: {  	[tilespmem:s17], [sflag:$0x9] =	stream.linear.gather [hbm4b:s6+s5], $0x50, $0x38;
	[tilespmem:$0x1DC80] =	vst v63  }
0xd5: {  	_ =	swait.ge [sflag:s18], $0x50  }
0xd6: {  	[sflag:s18] =	ssyncset.done $0x0  }
0xd7: {  	[sflag:s18] =	ssyncadd.s32 $0xFFFFFFB0  }
0xd8: {  	[tilespmem:s19], [sflag:$0x6] =	stream.indirect.gather [hbm4b:s13+s16], $0x80, s10, s16, $0xb8;
	[tilespmem:$0x1DC80] =	vst v63  }
0xd9: {  	s10 =	rddreg [dreg:$0x10]  }
0xda: {  	[tilespmem:s15], [sflag:$0xA] =	stream.linear.gather [hbm4b:s10+s5], $0x50, $0x38;
	[tilespmem:$0x1DC80] =	vst v63  }
0xdb: {  	[bflag:$0x0] =	sbarrier.arrive $0xFFFF  }
0xdc: {  	s6 =	rddreg [dreg:$0x1d]  }
.LBB2_4:
0xdd: {  	_ =	swait.ge [sflag:s0], $0x2800  }
0xde: {  	[sflag:s0] =	ssyncset.done $0x0  }
0xdf: {  	[sflag:s0] =	ssyncadd.s32 $0xFFFFD800  }
0xe0: {  	_ =	swait.ge [sflag:s7], $0x50  }
0xe1: {  	p1 =	seq.s32 s5, $0x0;
	[sflag:s7] =	ssyncset.done $0x0  }
0xe2: {  	s10 =	simm.s32 @!p1 $0xF;
	[sflag:s7] =	ssyncadd.s32 $0xFFFFFFB0  }
0xe3: {  	[spmem:s2] =	stream.indirect.scatter.add.f32 [tilespmem:s8], [sflag:$0xD], $0x80, s17, s16, $0xb8;
	[tilespmem:$0x1DC80] =	vst v63  }
0xe4: {  	_ =	swait.ge @!p1 [sflag:s10], $0x2800  }
0xe5: {  	[sflag:s10] =	ssyncset.done @!p1 $0x0  }
0xe6: {  	[sflag:s10] =	ssyncadd.s32 @!p1 $0xFFFFD800  }
0xe7: {  	_ =	swait.ge [sflag:s20], $0x50  }
0xe8: {  	[sflag:s20] =	ssyncset.done $0x0  }
0xe9: {  	[sflag:s20] =	ssyncadd.s32 $0xFFFFFFB0  }
0xea: {  	[tilespmem:s22], [sflag:$0x7] =	stream.indirect.gather [hbm4b:s13+s16], $0x80, s11, s16, $0xb8;
	[tilespmem:$0x1DC80] =	vst v63  }
0xeb: {  	s11 =	sld [smem:$0x7FC];
	_ =	sdelay $0x2  }
0xec: {  	s10 =	sadd.s32 s5, s11;
	s11 =	rddreg [dreg:$0x1f]  }
0xed: {  	[tilespmem:s23], [sflag:$0xB] =	stream.linear.gather [hbm4b:s10+s4], $0x50, $0x38;
	[tilespmem:$0x1DC80] =	vst v63  }
0xee: {  	s10 =	sadd.s32 s5, s11;
	s11 =	simm.s32 $0x180  }
0xef: {  	[tilespmem:s11], [sflag:$0x4] =	stream.linear.gather [hbm4b:s10+s4], $0x50, $0x38;
	[tilespmem:$0x1DC80] =	vst v63  }
0xf0: {  	_ =	swait.ge [sflag:s24], $0x2800  }
0xf1: {  	[sflag:s24] =	ssyncset.done $0x0  }
0xf2: {  	[sflag:s24] =	ssyncadd.s32 $0xFFFFD800  }
0xf3: {  	_ =	swait.ge [sflag:s25], $0x50  }
0xf4: {  	[sflag:s25] =	ssyncset.done $0x0  }
0xf5: {  	s10 =	simm.s32 @!p1 $0x10;
	[sflag:s25] =	ssyncadd.s32 $0xFFFFFFB0  }
0xf6: {  	[spmem:s2] =	stream.indirect.scatter.add.f32 [tilespmem:s19], [sflag:$0xE], $0x80, s15, s16, $0xb8;
	[tilespmem:$0x1DC80] =	vst v63  }
0xf7: {  	_ =	swait.ge @!p1 [sflag:s10], $0x2800  }
0xf8: {  	[sflag:s10] =	ssyncset.done @!p1 $0x0  }
0xf9: {  	[sflag:s10] =	ssyncadd.s32 @!p1 $0xFFFFD800  }
0xfa: {  	_ =	swait.ge [sflag:s26], $0x50  }
0xfb: {  	[sflag:s26] =	ssyncset.done $0x0  }
0xfc: {  	s19 =	rddreg [dreg:$0x1e];
	[sflag:s26] =	ssyncadd.s32 $0xFFFFFFB0  }
0xfd: {  	[tilespmem:s28], [sflag:$0x8] =	stream.indirect.gather [hbm4b:s13+s16], $0x80, s11, s16, $0xb8;
	[tilespmem:$0x1DC80] =	vst v63  }
0xfe: {  	s10 =	sadd.s32 s5, s19  }
0xff: {  	[tilespmem:s1], [sflag:$0xC] =	stream.linear.gather [hbm4b:s10+s4], $0x50, $0x38;
	[tilespmem:$0x1DC80] =	vst v63  }
0x100: {  	s11 =	rddreg [dreg:$0x1];
	s10 =	sshrl.u32 s6, $0x3  }
0x101: {  	s11 =	sadd.s32 s11, s10  }
0x102: {  	[tilespmem:s4], [sflag:$0x1] =	stream.linear.gather [hbm4b:s11+s4], $0x50, $0x38;
	[tilespmem:$0x1DC80] =	vst v63  }
0x103: {  	_ =	swait.ge [sflag:s9], $0x2800  }
0x104: {  	[sflag:s9] =	ssyncset.done $0x0  }
0x105: {  	[sflag:s9] =	ssyncadd.s32 $0xFFFFD800  }
0x106: {  	_ =	swait.ge [sflag:s14], $0x50  }
0x107: {  	[sflag:s14] =	ssyncset.done $0x0  }
0x108: {  	[sflag:s14] =	ssyncadd.s32 $0xFFFFFFB0  }
0x109: {  	[spmem:s2] =	stream.indirect.scatter.add.f32 [tilespmem:s22], [sflag:$0xF], $0x80, s23, s16, $0xb8;
	[tilespmem:$0x1DC80] =	vst v63  }
0x10a: {  	_ =	swait.ge [sflag:s29], $0x2800  }
0x10b: {  	[sflag:s29] =	ssyncset.done $0x0  }
0x10c: {  	[sflag:s29] =	ssyncadd.s32 $0xFFFFD800  }
0x10d: {  	p1 =	seq.s32 s5, $0x4B0;
	_ =	swait.ge [sflag:s12], $0x50  }
.Ltmp3:
0x10e: {  	[sflag:s12] =	ssyncset.done $0x0;
	(pc) =	sbr.rel @p1 .LBB2_6-.Ltmp3, $4  }
0x10f: {  	s11 =	rddreg [dreg:$0xc];
	[sflag:s12] =	ssyncadd.s32 $0xFFFFFFB0  }
0x110: {  	[tilespmem:s8], [sflag:$0x5] =	stream.indirect.gather [hbm4b:s13+s16], $0x80, s4, s16, $0xb8;
	[tilespmem:$0x1DC80] =	vst v63  }
0x111: {  	s15 =	simm.s32 $0x2C00;
	s19 =	simm.s32 $0x100;
	s10 =	sadd.s32 s11, s10  }
0x112: {  	[tilespmem:s17], [sflag:$0x9] =	stream.linear.gather [hbm4b:s10+s4], $0x50, $0x38;
	[tilespmem:$0x1DC80] =	vst v63  }
0x113: {  	s10 =	rddreg [dreg:$0x1c]  }
0x114: {  	s11 =	simm.s32 $0x80;
	s10 =	sadd.s32 s5, s10  }
0x115: {  	[tilespmem:s11], [sflag:$0x2] =	stream.linear.gather [hbm4b:s10+s4], $0x50, $0x38;
	[tilespmem:$0x1DC80] =	vst v63  }
0x116: {  	_ =	swait.ge [sflag:s30], $0x2800  }
0x117: {  	[sflag:s30] =	ssyncset.done $0x0  }
0x118: {  	[sflag:s30] =	ssyncadd.s32 $0xFFFFD800  }
0x119: {  	_ =	swait.ge [sflag:s31], $0x50  }
0x11a: {  	[sflag:s31] =	ssyncset.done $0x0  }
0x11b: {  	[sflag:s31] =	ssyncadd.s32 $0xFFFFFFB0  }
0x11c: {  	[spmem:s2] =	stream.indirect.scatter.add.f32 [tilespmem:s28], [sflag:$0x10], $0x80, s1, s16, $0xb8;
	[tilespmem:$0x1DC80] =	vst v63  }
0x11d: {  	_ =	swait.ge [sflag:s3], $0x2800  }
0x11e: {  	[sflag:s3] =	ssyncset.done $0x0  }
0x11f: {  	[sflag:s3] =	ssyncadd.s32 $0xFFFFD800  }
0x120: {  	_ =	swait.ge [sflag:s18], $0x50  }
0x121: {  	[sflag:s18] =	ssyncset.done $0x0  }
0x122: {  	[sflag:s18] =	ssyncadd.s32 $0xFFFFFFB0  }
0x123: {  	[tilespmem:s15], [sflag:$0x6] =	stream.indirect.gather [hbm4b:s13+s16], $0x80, s11, s16, $0xb8;
	[tilespmem:$0x1DC80] =	vst v63  }
0x124: {  	s11 =	rddreg [dreg:$0x1b]  }
.Ltmp4:
0x125: {  	s15 =	rddreg [dreg:$0x1a];
	s10 =	sadd.s32 s5, s11;
	(pc) =	sbr.rel .LBB2_4-.Ltmp4, $4  }
0x126: {  	[tilespmem:s21], [sflag:$0xA] =	stream.linear.gather [hbm4b:s10+s4], $0x50, $0x38;
	[tilespmem:$0x1DC80] =	vst v63  }
0x127: {  	s6 =	sadd.s32 $0x140, s6;
	s11 =	simm.s32 $0x100;
	s10 =	sadd.s32 s5, s15  }
0x128: {  	[tilespmem:s19], [sflag:$0x3] =	stream.linear.gather [hbm4b:s10+s4], $0x50, $0x38;
	[tilespmem:$0x1DC80] =	vst v63  }
0x129: {  	s5 =	sadd.s32 $0x28, s5;
	s15 =	simm.s32 $0x280;
	s19 =	simm.s32 $0x2C00  }
.LBB2_7:
0x12a: {  	_ =	sfence.sel $0x180000  }
0x12b: {  	[bflag:$0x0] =	sbarrier.arrive $0xFFFF  }
0x12c: {  	_ =	strace $0x9000004D  }
0x12d: {  	s0 =	stileid.u32;
	[bflag:$0x2] =	sbarrier.arrive $0xFFFF  }
0x12e: {  	p0 =	sne.s32 s0, $0x0;
	s0 =	rddreg [dreg:$0x3]  }
0x12f: {  	s0 =	sadd.s32 @!p0 $0x100000, s0  }
0x130: {  	[sflag:s0] =	ssyncadd.tile.s32 @!p0 $0x1;
	_ =	shalt  }
.Lfunc_end2:
_tile_overlayer_lowered:
.L_overlay_start_2:
0x131: {  	(tag) =	ssettag $0x2  }
0x132: {  	s0 =	rddreg [dreg:$0x0];
	s2 =	stileid.u32  }
0x133: {  	s1 =	rddreg [dreg:$0x1];
	p0 =	sne.s32 s2, $0x0  }
0x134: {  	s3 =	rddreg [dreg:$0x2];
	[bflag:$0x3] =	sbarrier.arrive $0xFFFF;
	s2 =	simm.s32 @!p0 $0x1C11  }
0x135: {  	[timem:s3], [sflag:s2] =	dma.local @!p0 [hbm:s0], s1  }
0x136: {  	s0 =	simm.s32 @!p0 $0x11  }
0x137: {  	_ =	swait.ge @!p0 [sflag:s0], s1  }
0x138: {  	s1 =	ssub.s32 @!p0 $0x0, s1;
	[sflag:s0] =	ssyncset.done @!p0 $0x0  }
0x139: {  	[sflag:s0] =	ssyncadd.s32 @!p0 s1  }
0x13a: {  	[bflag:$0x3] =	sbarrier.arrive $0xFFFF  }
0x13b: {  	_ =	shalt  }

// kernel: kernel.9.cloned.1.call-start
scs
__scs_entry_jumppad:
0x0: {  	(pc) =	sbr.rel $0x88, $3  }
0x1: {  	(tag) =	ssettag $0x0;
	lr =	simm.s32 $0x1  }
0x2: {  	[smem:$0x3F93] =	sst lr;
	_ =	strace $0xD0000000  }
0x3: {  	_ = 	snop  }
0x4: {  	_ = 	snop  }
0x5: {  	_ = 	snop  }
0x6: {  	_ = 	snop  }
0x7: {  	_ = 	snop  }
__scs_overlays_trampoline_lowered:
0x8: {  	[smem:$0x3FA2] =	sst s0  }
0x9: {  	[smem:$0x3FA3] =	sst s1  }
0xa: {  	[smem:$0x3FA4] =	sst s2  }
0xb: {  	[smem:$0x3FA5] =	sst s3  }
0xc: {  	[smem:$0x3FA6] =	sst s4  }
0xd: {  	[smem:$0x3FA7] =	sst s5  }
0xe: {  	[smem:$0x3FA8] =	sst s6  }
0xf: {  	[smem:$0x3FA9] =	sst s7  }
0x10: {  	[smem:$0x3FAA] =	sst s8  }
0x11: {  	[smem:$0x3FAB] =	sst s9;
	s0 =	simm.s32 @!p0 $0x0  }
0x12: {  	s1 =	sld [smem:$0x3F91];
	s0 =	simm.s32 @p0 $0x1  }
0x13: {  	[smem:$0x3FAC] =	sst s0;
	s0 =	simm.s32 @!p1 $0x0  }
0x14: {  	s2 =	sld [smem:$0x3F90];
	s0 =	simm.s32 @p1 $0x1  }
0x15: {  	[smem:$0x3FAD] =	sst s0;
	s0 =	simm.s32 @!p2 $0x0  }
0x16: {  	s3 =	sld [smem:$0x3FDB];
	s0 =	simm.s32 @p2 $0x1  }
0x17: {  	s4 =	simm.s32 $0x1BF5;
	[smem:$0x3FAF] =	sst s0  }
0x18: {  	s0 =	sld [smem:$0x3F92];
	_ =	swait.ge [sflag:s4], $0x0  }
0x19: {  	s7 =	sld [smem:$0x3F93]  }
0x1a: {  	s8 =	sadd.s32 $0xFFFFE003, lr  }
0x1b: {  	s9 =	sadd.s32 $0xFFFFFEF7, lr;
	s5 =	simm.s32 $0xFFFFFFFF;
	p2 =	slt.u32 s8, $0xFFFFF086  }
0x1c: {  	p1 =	slt.u32 s9, $0xF7A;
	s5 =	simm.s32 @!p2 $0x0  }
0x1d: {  	s5 =	simm.s32 @p1 $0x1;
	p0 =	seq.s32 s7, s2  }
0x1e: {  	s7 =	smul.u32 @!p0 $0xF7A, s2;
	p2 =	seq.s32 @!p0 s5, $0x0  }
0x1f: {  	s9 =	smul.u32 $0xF7A, s1;
	s8 =	simm.s32 @!p0 $0x1BF5;
	p2 =	por !p2, p0  }
0x20: {  	[sflag:s8] =	ssyncset.s32 @!p0 $0xFFFFF086;
	s6 =	sadd.s32 @!p0 s3, s7;
	s7 =	simm.s32 @!p0 $0x108  }
0x21: {  	s3 =	sadd.s32 s3, s9;
	s6 =	sadd.s32 @!p0 $0x88, s6;
	s7 =	simm.s32 @p2 $0x1082  }
0x22: {  	[simem:s7], [sflag:s8] =	dma.local @!p0 [hbm:s6], $0xF7A  }
0x23: {  	s9 =	sor.u32 $0xD0000000, s2;
	s6 =	simm.s32 $0x108;
	_ =	swait.ge @!p0 [sflag:s8], $0x0  }
0x24: {  	s3 =	sadd.s32 $0x88, s3;
	s6 =	simm.s32 @!p1 $0x1082;
	[sflag:s4] =	ssyncset.s32 $0xFFFFF086  }
0x25: {  	[simem:s6], [sflag:s4] =	dma.local [hbm:s3], $0xF7A  }
0x26: {  	[smem:$0x3F93] =	sst s1;
	(tag) =	ssettag s2;
	_ =	strace s9  }
0x27: {  	s1 =	sld [smem:$0x3FA3]  }
0x28: {  	s2 =	sld [smem:$0x3FA4]  }
0x29: {  	s4 =	sld [smem:$0x3FA6]  }
0x2a: {  	p0 =	seq.s32 s5, $0x0;
	s5 =	sld [smem:$0x3FA7]  }
0x2b: {  	s6 =	sld [smem:$0x3FA8]  }
0x2c: {  	s7 =	sld [smem:$0x3FA9]  }
0x2d: {  	s3 =	simm.s32 $0x108;
	s8 =	sld [smem:$0x3FAA]  }
0x2e: {  	s3 =	simm.s32 @!p0 $0x1082;
	s9 =	sld [smem:$0x3FAB]  }
0x2f: {  	lr =	sadd.s32 s0, s3;
	s0 =	sld [smem:$0x3FA2]  }
0x30: {  	s3 =	sld [smem:$0x3FA5]  }
0x31: {  	[smem:$0x3FAE] =	sst s10  }
0x32: {  	s10 =	sld [smem:$0x3FAC];
	_ =	sdelay $0x3  }
0x33: {  	p0 =	seq.s32 s10, $0x1;
	s10 =	sld [smem:$0x3FAE];
	_ =	sdelay $0x3  }
0x34: {  	[smem:$0x3FAE] =	sst s10  }
0x35: {  	s10 =	sld [smem:$0x3FAD];
	_ =	sdelay $0x3  }
0x36: {  	p1 =	seq.s32 s10, $0x1;
	s10 =	sld [smem:$0x3FAE];
	_ =	sdelay $0x3  }
0x37: {  	[smem:$0x3FAE] =	sst s10  }
0x38: {  	s10 =	sld [smem:$0x3FAF]  }
0x39: {  	_ = 	snop;
	(pc) =	sbr.ind lr, $3  }
0x3a: {  	_ = 	snop  }
0x3b: {  	_ = 	snop  }
0x3c: {  	p2 =	seq.s32 s10, $0x1;
	s10 =	sld [smem:$0x3FAE]  }
0x3d: {  	_ =	shalt  }
0x3e: {  	_ =	shalt  }
0x3f: {  	_ =	shalt  }
0x40: {  	_ =	shalt  }
0x41: {  	_ =	shalt  }
0x42: {  	_ =	shalt  }
0x43: {  	_ =	shalt  }
0x44: {  	_ =	shalt  }
0x45: {  	_ =	shalt  }
0x46: {  	_ =	shalt  }
0x47: {  	_ =	shalt  }
0x48: {  	_ =	shalt  }
0x49: {  	_ =	shalt  }
0x4a: {  	_ =	shalt  }
0x4b: {  	_ =	shalt  }
0x4c: {  	_ =	shalt  }
0x4d: {  	_ =	shalt  }
0x4e: {  	_ =	shalt  }
0x4f: {  	_ =	shalt  }
0x50: {  	_ =	shalt  }
0x51: {  	_ =	shalt  }
0x52: {  	_ =	shalt  }
0x53: {  	_ =	shalt  }
0x54: {  	_ =	shalt  }
0x55: {  	_ =	shalt  }
0x56: {  	_ =	shalt  }
0x57: {  	_ =	shalt  }
0x58: {  	_ =	shalt  }
0x59: {  	_ =	shalt  }
0x5a: {  	_ =	shalt  }
0x5b: {  	_ =	shalt  }
0x5c: {  	_ =	shalt  }
0x5d: {  	_ =	shalt  }
0x5e: {  	_ =	shalt  }
0x5f: {  	_ =	shalt  }
0x60: {  	_ =	shalt  }
0x61: {  	_ =	shalt  }
0x62: {  	_ =	shalt  }
0x63: {  	_ =	shalt  }
0x64: {  	_ =	shalt  }
0x65: {  	_ =	shalt  }
0x66: {  	_ =	shalt  }
0x67: {  	_ =	shalt  }
0x68: {  	_ =	shalt  }
0x69: {  	_ =	shalt  }
0x6a: {  	_ =	shalt  }
0x6b: {  	_ =	shalt  }
0x6c: {  	_ =	shalt  }
0x6d: {  	_ =	shalt  }
0x6e: {  	_ =	shalt  }
0x6f: {  	_ =	shalt  }
0x70: {  	_ =	shalt  }
0x71: {  	_ =	shalt  }
0x72: {  	_ =	shalt  }
0x73: {  	_ =	shalt  }
0x74: {  	_ =	shalt  }
0x75: {  	_ =	shalt  }
0x76: {  	_ =	shalt  }
0x77: {  	_ =	shalt  }
0x78: {  	_ =	shalt  }
0x79: {  	_ =	shalt  }
0x7a: {  	_ =	shalt  }
0x7b: {  	_ =	shalt  }
0x7c: {  	_ =	shalt  }
0x7d: {  	_ =	shalt  }
0x7e: {  	_ =	shalt  }
0x7f: {  	_ =	shalt  }
0x80: {  	_ =	shalt  }
0x81: {  	_ =	shalt  }
0x82: {  	_ =	shalt  }
0x83: {  	_ =	shalt  }
0x84: {  	_ =	shalt  }
0x85: {  	_ =	shalt  }
0x86: {  	_ =	shalt  }
0x87: {  	_ =	shalt  }
.Lfunc_end0:
.L_simem_size_0:
called_computation_lowered:
.L_overlay_start_0:
0x88: {  	s2 =	sld [smem:$0x3FD9]  }
0x89: {  	s3 =	sld [smem:$0x3FFE];
	_ =	sdelay $0x1  }
0x8a: {  	s1 =	srdreg.scid  }
0x8b: {  	s0 =	sand.u32 $0x1, s1  }
0x8c: {  	s16 =	sshll.u32 s0, $0xA;
	s2 =	sadd.s32 s3, s2  }
0x8d: {  	s2 =	sadd.s32 s2, s16  }
0x8e: {  	[smem:$0x3FBA] =	sst s2  }
0x8f: {  	_ = 	snop  }
0x90: {  	(tm) =	ssettm $0x1  }
0x91: {  	s17 =	sld [smem:$0x3FFB];
	_ =	sdelay $0x3  }
0x92: {  	_ =	strace s17  }
0x93: {  	s2 =	sld [smem:$0x3FFC];
	_ =	sdelay $0x3  }
0x94: {  	_ =	strace s2  }
0x95: {  	s2 =	sld [smem:$0x3FFD];
	_ =	sdelay $0x3  }
0x96: {  	_ =	strace s2  }
0x97: {  	_ =	strace $0x8FFFFFFF  }
0x98: {  	s18 =	sld [smem:$0x3FDB];
	_ =	sdelay $0x1  }
0x99: {  	s19 =	simm.s32 $_scs_section_size  }
0x9a: {  	s4 =	simm.s32 $_size__tile_overlayer_lowered;
	s5 =	simm.s32 $_tile_overlayer_lowered  }
0x9b: {  	s22 =	simm.s32 $0x1BFF;
	s21 =	sshll.u32 s5, $0x1;
	s2 =	sadd.s32 s19, s18  }
0x9c: {  	s6 =	simm.s32 $0x0;
	s20 =	sshll.u32 s4, $0x1;
	s4 =	sadd.s32 s21, s2  }
0x9d: {  	[timem:s6], [sflag:s22] =	dma.local [hbm:s4], s20  }
0x9e: {  	_ =	swait.ge [sflag:s22], s20  }
0x9f: {  	s3 =	ssub.s32 $0x0, s20;
	[sflag:s22] =	ssyncset.done $0x0  }
0xa0: {  	[sflag:s22] =	ssyncadd.s32 s3;
	_ =	sdelay $0x1  }
0xa1: {  	s23 =	simm.s32 $0x1B8B  }
0xa2: {  	_ =	swait.ge [sflag:s23], $0x1  }
0xa3: {  	[sflag:s23] =	ssyncset.done $0x0  }
0xa4: {  	s25 =	simm.s32 $0x1B8E;
	s24 =	sld [smem:$0x3FFE];
	[sflag:s23] =	ssyncadd.s32 $0xFFFFFFFF  }
0xa5: {  	s26 =	simm.s32 $execute0_lowered;
	[smem:$0x3FD2] =	sst s25  }
0xa6: {  	s4 =	sshll.u32 s26, $0x1;
	_ =	strace $0x80000046;
	[dreg:$0x1] =	wrdreg $0xFFFFFFFF  }
0xa7: {  	s28 =	simm.s32 $_size_execute0_lowered;
	s2 =	sadd.s32 s2, s4;
	[dreg:$0x0] =	wrdreg $0x0  }
0xa8: {  	s4 =	sshll.u32 s28, $0x1;
	[dreg:$0x2] =	wrdreg s2  }
0xa9: {  	[dreg:$0x3] =	wrdreg s4  }
0xaa: {  	[dreg:$0x4] =	wrdreg $0xC0  }
0xab: {  	_ =	task [dreg:s6], $0x5FFFF  }
0xac: {  	[dreg:$0x1] =	wrdreg $0xFFFFFFFF  }
0xad: {  	[dreg:$0x0] =	wrdreg $0x60  }
0xae: {  	[dreg:$0x2] =	wrdreg s24  }
0xaf: {  	[dreg:$0x3] =	wrdreg $0x3000  }
0xb0: {  	[dreg:$0x4] =	wrdreg $0x9  }
0xb1: {  	_ =	task.clear_ibuf [dreg:s6], $0x5FFFF;
	_ =	strace $0x90000046  }
0xb2: {  	s29 =	simm.s32 $0x9;
	_ =	strace $0x80000048  }
0xb3: {  	_ =	swait.ge [sflag:s29], $0x1  }
0xb4: {  	[sflag:s29] =	ssyncadd.s32 $0xFFFFFFFF  }
0xb5: {  	_ =	strace $0x90000048  }
0xb6: {  	_ =	sfence  }
0xb7: {  	s30 =	sld [smem:$0x0];
	_ =	sdelay $0x2  }
0xb8: {  	s31 =	sshll.u32 s1, $0xD;
	s1 =	sshrl.u32 s1, $0x2  }
0xb9: {  	s3 =	sand.u32 $0x4000, s31;
	s1 =	sadd.s32 s1, s30  }
0xba: {  	s0 =	sor.u32 s3, s0;
	s1 =	sshll.u32 s1, $0x11  }
0xbb: {  	s0 =	sor.u32 s1, s0  }
0xbc: {  	s0 =	sadd.s32 $0x8F2B, s0  }
0xbd: {  	[sflag:s0] =	ssyncadd.remote.s32 $0x1  }
0xbe: {  	_ =	sfence.sel $0xFFFF  }
0xbf: {  	[dreg:$0x0] =	wrdreg $0xFFFFFFFF;
	(pc) =	sbr.abs _section_cstart, $3  }
0xc0: {  	[dreg:$0x1] =	wrdreg $0xFFFFFFFF  }
0xc1: {  	_ =	task.clear_ibuf [dreg:s6], $0x2FFFF;
	_ =	strace $0x9FFFFFFF  }
0xc2: {  	(tm) =	ssettm $0x7FFFFFFF  }
0xc3: {  	_ =	shalt  }
tec
execute0_lowered:
.L_overlay_start_1:
0x0: {  	(tag) =	ssettag $0x1  }
0x1: {  	s0 =	srdreg.scid  }
0x2: {  	s24 =	stileid.u32;
	s12 =	rddreg [dreg:$0x0];
	s28 =	simm.s32 $0x7  }
0x3: {  	s29 =	simm.s32 $0x8;
	s30 =	simm.s32 $0xA;
	s31 =	simm.s32 $0x0  }
0x4: {  	s9 =	sand.u32 $0x1, s0;
	s15 =	sadd.s32 $0xCC00, s12;
	s16 =	sor.u32 $0x10, s24  }
0x5: {  	s20 =	sor.u32 $0x20, s24;
	s19 =	sor.u32 $0x30, s24;
	s23 =	smul.u32 $0x2710, s24  }
0x6: {  	s10 =	sor.u32 $0x40, s24;
	s0 =	sshll.u32 s9, $0x4;
	s14 =	smul.u32 $0x2710, s9  }
0x7: {  	s1 =	ssub.s32 $0x2, s9;
	s9 =	smul.u32 $0x27100, s9;
	s0 =	sor.u32 s24, s0  }
0x8: {  	s13 =	sor.u32 $0x50, s24;
	s6 =	sor.u32 $0x70, s24;
	s11 =	smul.u32 $0x2710, s0  }
0x9: {  	s26 =	sadd.s32 $0x2E00, s12;
	s17 =	sshrl.u32 s1, $0x1;
	s0 =	smul.u32 $0x50, s24  }
0xa: {  	p0 =	sgt.u32 s6, $0x7C;
	s8 =	ssub.s32 s1, s17;
	s1 =	smul.u32 $0x50, s16  }
0xb: {  	s17 =	sor.u32 $0x60, s24;
	s25 =	sadd.s32 s23, s9;
	s9 =	simm.s32 $0x0  }
0xc: {  	[smem:$0x7FF] =	sst s9;
	s12 =	sadd.s32 $0x280, s25;
	s2 =	sadd.s32 s14, s0  }
0xd: {  	s4 =	sadd.s32 s14, s1;
	s3 =	sshrl.u32 s2, $0x3;
	s2 =	smul.u32 $0x50, s20  }
0xe: {  	s11 =	sshrl.u32 s11, $0x3;
	s7 =	sshrl.u32 s4, $0x3;
	s4 =	smul.u32 $0x50, s10  }
0xf: {  	s8 =	smax.u32 s8, $0x1;
	s23 =	sadd.s32 s26, s11;
	s20 =	smul.u32 $0x140, s20  }
0x10: {  	s11 =	sshrl.u32 s12, $0x3;
	s10 =	smul.u32 $0x140, s10;
	s3 =	sadd.s32 s15, s3  }
0x11: {  	[dreg:$0x3] =	wrdreg s3;
	s5 =	sadd.s32 s14, s2;
	s3 =	smul.u32 $0x50, s19  }
0x12: {  	s7 =	sadd.s32 s15, s7;
	s11 =	sadd.s32 s11, s26;
	s5 =	sshrl.u32 s5, $0x3  }
0x13: {  	[dreg:$0x4] =	wrdreg s7;
	s5 =	sadd.s32 s15, s5;
	s18 =	sadd.s32 s14, s3  }
0x14: {  	[dreg:$0x5] =	wrdreg s5;
	s21 =	sshrl.u32 s18, $0x3;
	s5 =	smul.u32 $0x50, s13  }
0x15: {  	s18 =	sadd.s32 s14, s4;
	s13 =	smul.u32 $0x140, s13;
	s7 =	sadd.s32 s15, s21  }
0x16: {  	s18 =	sshrl.u32 s18, $0x3;
	[dreg:$0x6] =	wrdreg s7;
	s7 =	smul.u32 $0x50, s17  }
0x17: {  	s10 =	sshrl.u32 s10, $0x2;
	s18 =	sadd.s32 s15, s18;
	s17 =	smul.u32 $0x140, s17  }
0x18: {  	s21 =	sadd.s32 s14, s5;
	[dreg:$0x7] =	wrdreg s18;
	s18 =	smul.u32 $0x50, s6  }
0x19: {  	s21 =	sshrl.u32 s21, $0x3;
	s6 =	smul.u32 $0x140, s6;
	s22 =	sadd.s32 s14, s7  }
0x1a: {  	s21 =	sadd.s32 s15, s21;
	s22 =	sshrl.u32 s22, $0x3;
	s14 =	sadd.s32 s14, s18  }
0x1b: {  	[dreg:$0x8] =	wrdreg s21;
	s22 =	sadd.s32 s15, s22;
	s14 =	sshrl.u32 s14, $0x3  }
0x1c: {  	s6 =	sshrl.u32 s6, $0x2;
	[dreg:$0x9] =	wrdreg s22;
	s14 =	sadd.s32 s15, s14  }
0x1d: {  	s22 =	smul.u32 $0x140, s16;
	s15 =	sadd.s32 $0x2D0, s25;
	s16 =	sadd.s32 $0x230, s25  }
0x1e: {  	s25 =	sadd.s32 $0x1E0, s25;
	[dreg:$0xa] =	wrdreg s14;
	s12 =	sshrl.u32 s15, $0x3  }
0x1f: {  	s15 =	sshrl.u32 s16, $0x3;
	s16 =	sshrl.u32 s25, $0x3;
	s12 =	sadd.s32 s12, s26  }
0x20: {  	s14 =	sadd.s32 s15, s26;
	s15 =	rddreg [dreg:$0x1];
	s16 =	sadd.s32 s16, s26  }
0x21: {  	s26 =	smul.u32 $0x140, s24;
	_ =	strace $0x80000047;
	[dreg:$0xb] =	wrdreg s8  }
0x22: {  	s24 =	smul.u32 $0x140, s19;
	s6 =	sadd.s32 s6, s15;
	s0 =	sadd.s32 s0, s15  }
0x23: {  	s25 =	sshrl.u32 s26, $0x2;
	s26 =	sshrl.u32 s22, $0x2;
	[dreg:$0x13] =	wrdreg s6  }
0x24: {  	s8 =	sshrl.u32 s24, $0x2;
	s24 =	sadd.s32 s10, s15;
	[dreg:$0x14] =	wrdreg s0  }
0x25: {  	s22 =	sshrl.u32 s20, $0x2;
	s20 =	sadd.s32 s3, s15;
	[dreg:$0x10] =	wrdreg s24  }
0x26: {  	s3 =	sadd.s32 $0x14, s23;
	s19 =	sadd.s32 s25, s15;
	[dreg:$0x17] =	wrdreg s20  }
0x27: {  	s6 =	sadd.s32 $0x32, s23;
	s21 =	sadd.s32 s26, s15;
	[dreg:$0xc] =	wrdreg s19  }
0x28: {  	s10 =	simm.s32 $0x3;
	s8 =	sadd.s32 s8, s15;
	[dreg:$0xd] =	wrdreg s21  }
0x29: {  	s26 =	sshrl.u32 s17, $0x2;
	s17 =	sadd.s32 s1, s15;
	[dreg:$0xf] =	wrdreg s8  }
0x2a: {  	s25 =	sshrl.u32 s13, $0x2;
	s24 =	sadd.s32 s7, s15;
	[dreg:$0x15] =	wrdreg s17  }
0x2b: {  	s7 =	simm.s32 $0x280;
	s19 =	sadd.s32 s22, s15;
	[dreg:$0x1a] =	wrdreg s24  }
0x2c: {  	s20 =	simm.s32 $0x200;
	s8 =	sadd.s32 s25, s15;
	[dreg:$0xe] =	wrdreg s19  }
0x2d: {  	s13 =	sadd.s32 s26, s15;
	s21 =	sadd.s32 s4, s15;
	[dreg:$0x11] =	wrdreg s8  }
0x2e: {  	s22 =	sadd.s32 s5, s15;
	s25 =	sadd.s32 s18, s15;
	[dreg:$0x12] =	wrdreg s13  }
0x2f: {  	s26 =	sadd.s32 $0xA, s23;
	s4 =	sadd.s32 $0x1E, s23;
	[dreg:$0x18] =	wrdreg s21  }
0x30: {  	s5 =	sadd.s32 $0x28, s23;
	s17 =	simm.s32 $0x80;
	[dreg:$0x19] =	wrdreg s22  }
.Ltmp0:
0x31: {  	s18 =	simm.s32 $0x1;
	[dreg:$0x1b] =	wrdreg s25;
	(pc) =	sbr.rel .LBB2_1-.Ltmp0, $4  }
0x32: {  	s24 =	simm.s32 $0x5;
	s19 =	sadd.s32 s2, s15;
	[dreg:$0x1c] =	wrdreg s26  }
0x33: {  	s2 =	smov.u32 s23;
	s8 =	simm.s32 $0x9;
	s21 =	simm.s32 $0x100  }
0x34: {  	s22 =	simm.s32 $0x2;
	s23 =	simm.s32 $0x180;
	s25 =	simm.s32 $0x4  }
0x35: {  	v0 =	vimm.f32 $1.000000000e+00;
	v1 =	vimm.f32 $0.0e+00;
	s26 =	simm.s32 $0x6;
	[dreg:$0x16] =	wrdreg s19;
	s19 =	simm.s32 $0x50  }
.LBB2_4:
0x36: {  	_ =	swait.ge [sflag:s28], $0x50  }
0x37: {  	[sflag:s28] =	ssyncset.done $0x0  }
0x38: {  	[sflag:s28] =	ssyncadd.s32 $0xFFFFFFB0  }
0x39: {  	_ =	swait.ge [sflag:s29], $0x50  }
0x3a: {  	[sflag:s29] =	ssyncset.done $0x0  }
0x3b: {  	[sflag:s29] =	ssyncadd.s32 $0xFFFFFFB0  }
0x3c: {  	_ =	swait.ge [sflag:s18], $0x50  }
0x3d: {  	[sflag:s18] =	ssyncset.done $0x0  }
0x3e: {  	[sflag:s18] =	ssyncadd.s32 $0xFFFFFFB0  }
0x3f: {  	[spmem:s15] =	stream.indirect.scatter.add.f32 [tilespmem:s20], [sflag:$0x9], $0x1, s9, s19, $0xb8;
	[tilespmem:$0x578] =	vst v63  }
0x40: {  	_ =	swait.ge [sflag:s8], $0x50  }
0x41: {  	[sflag:s8] =	ssyncset.done $0x0  }
0x42: {  	[sflag:s8] =	ssyncadd.s32 $0xFFFFFFB0  }
0x43: {  	[bflag:$0x0] =	sbarrier.arrive $0xFFFF  }
0x44: {  	s0 =	rddreg [dreg:$0x14]  }
0x45: {  	[tilespmem:s7], [sflag:$0xA] =	stream.linear.gather [spmem:s0], $0x50, $0x38;
	[tilespmem:$0x578] =	vst v63  }
0x46: {  	_ =	swait.ge [sflag:s30], $0x50  }
0x47: {  	[sflag:s30] =	ssyncset.done $0x0  }
0x48: {  	s1 =	rddreg [dreg:$0x3];
	[sflag:s30] =	ssyncadd.s32 $0xFFFFFFB0  }
0x49: {  	[hbm4b:s1+s9] =	stream.linear.scatter [tilespmem:s7], [sflag:$0x9], $0x50, $0x38;
	[tilespmem:$0x578] =	vst v63  }
0x4a: {  	_ =	swait.ge [sflag:s8], $0x50  }
0x4b: {  	[sflag:s8] =	ssyncset.done $0x0  }
0x4c: {  	s13 =	rddreg [dreg:$0x15];
	[sflag:s8] =	ssyncadd.s32 $0xFFFFFFB0  }
0x4d: {  	[tilespmem:s7], [sflag:$0xA] =	stream.linear.gather [spmem:s13], $0x50, $0x38;
	[tilespmem:$0x578] =	vst v63  }
0x4e: {  	_ =	swait.ge [sflag:s30], $0x50  }
0x4f: {  	[sflag:s30] =	ssyncset.done $0x0  }
0x50: {  	s1 =	rddreg [dreg:$0x4];
	[sflag:s30] =	ssyncadd.s32 $0xFFFFFFB0  }
0x51: {  	[hbm4b:s1+s9] =	stream.linear.scatter [tilespmem:s7], [sflag:$0x9], $0x50, $0x38;
	[tilespmem:$0x578] =	vst v63  }
0x52: {  	_ =	swait.ge [sflag:s8], $0x50  }
0x53: {  	[sflag:s8] =	ssyncset.done $0x0  }
0x54: {  	s13 =	rddreg [dreg:$0x16];
	[sflag:s8] =	ssyncadd.s32 $0xFFFFFFB0  }
0x55: {  	[tilespmem:s7], [sflag:$0xA] =	stream.linear.gather [spmem:s13], $0x50, $0x38;
	[tilespmem:$0x578] =	vst v63  }
0x56: {  	_ =	swait.ge [sflag:s30], $0x50  }
0x57: {  	[sflag:s30] =	ssyncset.done $0x0  }
0x58: {  	s1 =	rddreg [dreg:$0x5];
	[sflag:s30] =	ssyncadd.s32 $0xFFFFFFB0  }
0x59: {  	[hbm4b:s1+s9] =	stream.linear.scatter [tilespmem:s7], [sflag:$0x9], $0x50, $0x38;
	[tilespmem:$0x578] =	vst v63  }
0x5a: {  	_ =	swait.ge [sflag:s8], $0x50  }
0x5b: {  	[sflag:s8] =	ssyncset.done $0x0  }
0x5c: {  	s13 =	rddreg [dreg:$0x17];
	[sflag:s8] =	ssyncadd.s32 $0xFFFFFFB0  }
0x5d: {  	[tilespmem:s7], [sflag:$0xA] =	stream.linear.gather [spmem:s13], $0x50, $0x38;
	[tilespmem:$0x578] =	vst v63  }
0x5e: {  	_ =	swait.ge [sflag:s30], $0x50  }
0x5f: {  	[sflag:s30] =	ssyncset.done $0x0  }
0x60: {  	s1 =	rddreg [dreg:$0x6];
	[sflag:s30] =	ssyncadd.s32 $0xFFFFFFB0  }
0x61: {  	[hbm4b:s1+s9] =	stream.linear.scatter [tilespmem:s7], [sflag:$0x9], $0x50, $0x38;
	[tilespmem:$0x578] =	vst v63  }
0x62: {  	_ =	swait.ge [sflag:s8], $0x50  }
0x63: {  	[sflag:s8] =	ssyncset.done $0x0  }
0x64: {  	s13 =	rddreg [dreg:$0x18];
	[sflag:s8] =	ssyncadd.s32 $0xFFFFFFB0  }
0x65: {  	[tilespmem:s7], [sflag:$0xA] =	stream.linear.gather [spmem:s13], $0x50, $0x38;
	[tilespmem:$0x578] =	vst v63  }
0x66: {  	_ =	swait.ge [sflag:s30], $0x50  }
0x67: {  	[sflag:s30] =	ssyncset.done $0x0  }
0x68: {  	s1 =	rddreg [dreg:$0x7];
	[sflag:s30] =	ssyncadd.s32 $0xFFFFFFB0  }
0x69: {  	[hbm4b:s1+s9] =	stream.linear.scatter [tilespmem:s7], [sflag:$0x9], $0x50, $0x38;
	[tilespmem:$0x578] =	vst v63  }
0x6a: {  	_ =	swait.ge [sflag:s8], $0x50  }
0x6b: {  	[sflag:s8] =	ssyncset.done $0x0  }
0x6c: {  	s13 =	rddreg [dreg:$0x19];
	[sflag:s8] =	ssyncadd.s32 $0xFFFFFFB0  }
0x6d: {  	[tilespmem:s7], [sflag:$0xA] =	stream.linear.gather [spmem:s13], $0x50, $0x38;
	[tilespmem:$0x578] =	vst v63  }
0x6e: {  	_ =	swait.ge [sflag:s30], $0x50  }
0x6f: {  	[sflag:s30] =	ssyncset.done $0x0  }
0x70: {  	s1 =	rddreg [dreg:$0x8];
	[sflag:s30] =	ssyncadd.s32 $0xFFFFFFB0  }
0x71: {  	[hbm4b:s1+s9] =	stream.linear.scatter [tilespmem:s7], [sflag:$0x9], $0x50, $0x38;
	[tilespmem:$0x578] =	vst v63  }
0x72: {  	_ =	swait.ge [sflag:s8], $0x50  }
0x73: {  	[sflag:s8] =	ssyncset.done $0x0  }
0x74: {  	s13 =	rddreg [dreg:$0x1a];
	[sflag:s8] =	ssyncadd.s32 $0xFFFFFFB0  }
0x75: {  	[tilespmem:s7], [sflag:$0xA] =	stream.linear.gather [spmem:s13], $0x50, $0x38;
	[tilespmem:$0x578] =	vst v63  }
0x76: {  	_ =	swait.ge [sflag:s30], $0x50  }
0x77: {  	[sflag:s30] =	ssyncset.done $0x0  }
0x78: {  	s1 =	rddreg [dreg:$0x9];
	[sflag:s30] =	ssyncadd.s32 $0xFFFFFFB0  }
0x79: {  	[hbm4b:s1+s9] =	stream.linear.scatter [tilespmem:s7], [sflag:$0x9], $0x50, $0x38;
	[tilespmem:$0x578] =	vst v63  }
0x7a: {  	_ =	swait.ge [sflag:s8], $0x50  }
0x7b: {  	s0 =	simm.s32 @!p0 $0x280;
	[sflag:s8] =	ssyncset.done $0x0  }
0x7c: {  	s13 =	simm.s32 @!p0 $0xA;
	s1 =	rddreg [dreg:$0x1b];
	[sflag:s8] =	ssyncadd.s32 $0xFFFFFFB0  }
0x7d: {  	[tilespmem:s0], [sflag:$0xA] =	stream.linear.gather @!p0 [spmem:s1], $0x50, $0x38;
	[tilespmem:$0x578] =	vst v63  }
0x7e: {  	_ =	swait.ge @!p0 [sflag:s13], $0x50  }
0x7f: {  	[sflag:s13] =	ssyncset.done @!p0 $0x0  }
0x80: {  	s1 =	rddreg [dreg:$0xa];
	[sflag:s13] =	ssyncadd.s32 @!p0 $0xFFFFFFB0;
	s13 =	simm.s32 @!p0 $0x0  }
0x81: {  	[hbm4b:s1+s13] =	stream.linear.scatter @!p0 [tilespmem:s0], [sflag:$0x9], $0x50, $0x38;
	[tilespmem:$0x578] =	vst v63  }
0x82: {  	s0 =	simm.s32 @!p0 $0x9  }
0x83: {  	_ =	swait.ge @!p0 [sflag:s0], $0x50  }
0x84: {  	s31 =	sadd.s32 $0x1, s31;
	s13 =	rddreg [dreg:$0xb]  }
0x85: {  	p1 =	sne.s32 s31, s13  }
.Ltmp1:
0x86: {  	_ = 	snop;
	(pc) =	sbr.rel @!p1 .LBB2_5-.Ltmp1, $3  }
0x87: {  	_ =	sdelay $0x1  }
0x88: {  	[sflag:s0] =	ssyncset.done @!p0 $0x0  }
0x89: {  	[sflag:s0] =	ssyncadd.s32 @!p0 $0xFFFFFFB0  }
.LBB2_1:
0x8a: {  	[tilespmem:$0x200] =	vst v0  }
0x8b: {  	[tilespmem:$0x210] =	vst v0  }
0x8c: {  	[tilespmem:$0x220] =	vst v0  }
0x8d: {  	[tilespmem:$0x230] =	vst v0  }
0x8e: {  	[tilespmem:$0x240] =	vst v0  }
0x8f: {  	[tilespmem:$0x280] =	vst v1  }
0x90: {  	[tilespmem:$0x290] =	vst v1  }
0x91: {  	[tilespmem:$0x2A0] =	vst v1  }
0x92: {  	[tilespmem:$0x2B0] =	vst v1  }
0x93: {  	[tilespmem:$0x2C0] =	vst v1;
	s0 =	rddreg [dreg:$0xc]  }
0x94: {  	[spmem:s0] =	stream.linear.scatter [tilespmem:s7], [sflag:$0x9], $0x50, $0x38;
	[tilespmem:$0x578] =	vst v63  }
0x95: {  	_ =	swait.ge [sflag:s8], $0x50  }
0x96: {  	[sflag:s8] =	ssyncset.done $0x0  }
0x97: {  	s13 =	rddreg [dreg:$0xd];
	[sflag:s8] =	ssyncadd.s32 $0xFFFFFFB0  }
0x98: {  	[spmem:s13] =	stream.linear.scatter [tilespmem:s7], [sflag:$0x9], $0x50, $0x38;
	[tilespmem:$0x578] =	vst v63  }
0x99: {  	_ =	swait.ge [sflag:s8], $0x50  }
0x9a: {  	[sflag:s8] =	ssyncset.done $0x0  }
0x9b: {  	s1 =	rddreg [dreg:$0xe];
	[sflag:s8] =	ssyncadd.s32 $0xFFFFFFB0  }
0x9c: {  	[spmem:s1] =	stream.linear.scatter [tilespmem:s7], [sflag:$0x9], $0x50, $0x38;
	[tilespmem:$0x578] =	vst v63  }
0x9d: {  	_ =	swait.ge [sflag:s8], $0x50  }
0x9e: {  	[sflag:s8] =	ssyncset.done $0x0  }
0x9f: {  	s13 =	rddreg [dreg:$0xf];
	[sflag:s8] =	ssyncadd.s32 $0xFFFFFFB0  }
0xa0: {  	[spmem:s13] =	stream.linear.scatter [tilespmem:s7], [sflag:$0x9], $0x50, $0x38;
	[tilespmem:$0x578] =	vst v63  }
0xa1: {  	_ =	swait.ge [sflag:s8], $0x50  }
0xa2: {  	[sflag:s8] =	ssyncset.done $0x0  }
0xa3: {  	s1 =	rddreg [dreg:$0x10];
	[sflag:s8] =	ssyncadd.s32 $0xFFFFFFB0  }
0xa4: {  	[spmem:s1] =	stream.linear.scatter [tilespmem:s7], [sflag:$0x9], $0x50, $0x38;
	[tilespmem:$0x578] =	vst v63  }
0xa5: {  	_ =	swait.ge [sflag:s8], $0x50  }
0xa6: {  	[sflag:s8] =	ssyncset.done $0x0  }
0xa7: {  	s13 =	rddreg [dreg:$0x11];
	[sflag:s8] =	ssyncadd.s32 $0xFFFFFFB0  }
0xa8: {  	[spmem:s13] =	stream.linear.scatter [tilespmem:s7], [sflag:$0x9], $0x50, $0x38;
	[tilespmem:$0x578] =	vst v63  }
0xa9: {  	_ =	swait.ge [sflag:s8], $0x50  }
0xaa: {  	[sflag:s8] =	ssyncset.done $0x0  }
0xab: {  	s1 =	rddreg [dreg:$0x12];
	[sflag:s8] =	ssyncadd.s32 $0xFFFFFFB0  }
0xac: {  	[spmem:s1] =	stream.linear.scatter [tilespmem:s7], [sflag:$0x9], $0x50, $0x38;
	[tilespmem:$0x578] =	vst v63  }
0xad: {  	_ =	swait.ge [sflag:s8], $0x50  }
0xae: {  	[sflag:s8] =	ssyncset.done $0x0  }
0xaf: {  	s13 =	simm.s32 @!p0 $0x280;
	s0 =	rddreg [dreg:$0x13];
	[sflag:s8] =	ssyncadd.s32 $0xFFFFFFB0  }
0xb0: {  	[spmem:s0] =	stream.linear.scatter @!p0 [tilespmem:s13], [sflag:$0x9], $0x50, $0x38;
	[tilespmem:$0x578] =	vst v63  }
0xb1: {  	s13 =	simm.s32 @!p0 $0x9  }
0xb2: {  	_ =	swait.ge @!p0 [sflag:s13], $0x50  }
0xb3: {  	[sflag:s13] =	ssyncset.done @!p0 $0x0  }
0xb4: {  	[sflag:s13] =	ssyncadd.s32 @!p0 $0xFFFFFFB0  }
0xb5: {  	[tilespmem:s9], [sflag:$0x1] =	stream.linear.gather [hbm4b:s2+s9], $0x50, $0x38;
	[tilespmem:$0x578] =	vst v63  }
0xb6: {  	s13 =	rddreg [dreg:$0x1c]  }
0xb7: {  	[tilespmem:s17], [sflag:$0x2] =	stream.linear.gather [hbm4b:s13+s9], $0x50, $0x38;
	[tilespmem:$0x578] =	vst v63  }
0xb8: {  	[bflag:$0x0] =	sbarrier.arrive $0xFFFF  }
0xb9: {  	_ =	swait.ge [sflag:s18], $0x50  }
0xba: {  	[sflag:s18] =	ssyncset.done $0x0  }
0xbb: {  	[sflag:s18] =	ssyncadd.s32 $0xFFFFFFB0  }
0xbc: {  	[spmem:s15] =	stream.indirect.scatter.add.f32 [tilespmem:s20], [sflag:$0x5], $0x1, s9, s19, $0xb8;
	[tilespmem:$0x578] =	vst v63  }
0xbd: {  	_ = 	snop  }
0xbe: {  	[tilespmem:s21], [sflag:$0x3] =	stream.linear.gather [hbm4b:s3+s9], $0x50, $0x38;
	[tilespmem:$0x578] =	vst v63  }
0xbf: {  	_ =	swait.ge [sflag:s22], $0x50  }
0xc0: {  	[sflag:s22] =	ssyncset.done $0x0  }
0xc1: {  	[sflag:s22] =	ssyncadd.s32 $0xFFFFFFB0  }
0xc2: {  	[spmem:s15] =	stream.indirect.scatter.add.f32 [tilespmem:s20], [sflag:$0x6], $0x1, s17, s19, $0xb8;
	[tilespmem:$0x578] =	vst v63  }
0xc3: {  	_ = 	snop  }
0xc4: {  	[tilespmem:s23], [sflag:$0x4] =	stream.linear.gather [hbm4b:s4+s9], $0x50, $0x38;
	[tilespmem:$0x578] =	vst v63  }
0xc5: {  	_ =	swait.ge [sflag:s10], $0x50  }
0xc6: {  	[sflag:s10] =	ssyncset.done $0x0  }
0xc7: {  	[sflag:s10] =	ssyncadd.s32 $0xFFFFFFB0  }
0xc8: {  	[spmem:s15] =	stream.indirect.scatter.add.f32 [tilespmem:s20], [sflag:$0x7], $0x1, s21, s19, $0xb8;
	[tilespmem:$0x578] =	vst v63  }
0xc9: {  	_ =	swait.ge [sflag:s24], $0x50  }
0xca: {  	[sflag:s24] =	ssyncset.done $0x0  }
0xcb: {  	[sflag:s24] =	ssyncadd.s32 $0xFFFFFFB0  }
0xcc: {  	[tilespmem:s9], [sflag:$0x1] =	stream.linear.gather [hbm4b:s5+s9], $0x50, $0x38;
	[tilespmem:$0x578] =	vst v63  }
0xcd: {  	_ =	swait.ge [sflag:s25], $0x50  }
0xce: {  	[sflag:s25] =	ssyncset.done $0x0  }
0xcf: {  	[sflag:s25] =	ssyncadd.s32 $0xFFFFFFB0  }
0xd0: {  	[spmem:s15] =	stream.indirect.scatter.add.f32 [tilespmem:s20], [sflag:$0x8], $0x1, s23, s19, $0xb8;
	[tilespmem:$0x578] =	vst v63  }
0xd1: {  	_ =	swait.ge [sflag:s26], $0x50  }
0xd2: {  	[sflag:s26] =	ssyncset.done $0x0  }
0xd3: {  	s13 =	simm.s32 $0x0;
	[sflag:s26] =	ssyncadd.s32 $0xFFFFFFB0  }
0xd4: {  	[tilespmem:s17], [sflag:$0x2] =	stream.linear.gather [hbm4b:s6+s9], $0x50, $0x38;
	[tilespmem:$0x578] =	vst v63  }
.LBB2_2:
0xd5: {  	_ =	swait.ge [sflag:s18], $0x50  }
0xd6: {  	[sflag:s18] =	ssyncset.done $0x0  }
0xd7: {  	[sflag:s18] =	ssyncadd.s32 $0xFFFFFFB0  }
0xd8: {  	[spmem:s15] =	stream.indirect.scatter.add.f32 [tilespmem:s20], [sflag:$0x5], $0x1, s9, s19, $0xb8;
	[tilespmem:$0x578] =	vst v63  }
0xd9: {  	_ =	swait.ge [sflag:s28], $0x50  }
0xda: {  	[sflag:s28] =	ssyncset.done $0x0  }
0xdb: {  	s0 =	sadd.s32 s13, s16;
	[sflag:s28] =	ssyncadd.s32 $0xFFFFFFB0  }
0xdc: {  	[tilespmem:s21], [sflag:$0x3] =	stream.linear.gather [hbm4b:s0+s9], $0x50, $0x38;
	[tilespmem:$0x578] =	vst v63  }
0xdd: {  	_ =	swait.ge [sflag:s22], $0x50  }
0xde: {  	[sflag:s22] =	ssyncset.done $0x0  }
0xdf: {  	[sflag:s22] =	ssyncadd.s32 $0xFFFFFFB0  }
0xe0: {  	[spmem:s15] =	stream.indirect.scatter.add.f32 [tilespmem:s20], [sflag:$0x6], $0x1, s17, s19, $0xb8;
	[tilespmem:$0x578] =	vst v63  }
0xe1: {  	_ =	swait.ge [sflag:s29], $0x50  }
0xe2: {  	[sflag:s29] =	ssyncset.done $0x0  }
0xe3: {  	s1 =	sadd.s32 s13, s14;
	[sflag:s29] =	ssyncadd.s32 $0xFFFFFFB0  }
0xe4: {  	[tilespmem:s23], [sflag:$0x4] =	stream.linear.gather [hbm4b:s1+s9], $0x50, $0x38;
	[tilespmem:$0x578] =	vst v63  }
0xe5: {  	_ =	swait.ge [sflag:s10], $0x50  }
0xe6: {  	[sflag:s10] =	ssyncset.done $0x0  }
0xe7: {  	[sflag:s10] =	ssyncadd.s32 $0xFFFFFFB0  }
0xe8: {  	[spmem:s15] =	stream.indirect.scatter.add.f32 [tilespmem:s20], [sflag:$0x7], $0x1, s21, s19, $0xb8;
	[tilespmem:$0x578] =	vst v63  }
0xe9: {  	_ =	swait.ge [sflag:s24], $0x50  }
0xea: {  	[sflag:s24] =	ssyncset.done $0x0  }
0xeb: {  	s1 =	sadd.s32 s13, s11;
	[sflag:s24] =	ssyncadd.s32 $0xFFFFFFB0  }
0xec: {  	[tilespmem:s9], [sflag:$0x1] =	stream.linear.gather [hbm4b:s1+s9], $0x50, $0x38;
	[tilespmem:$0x578] =	vst v63  }
0xed: {  	_ =	swait.ge [sflag:s25], $0x50  }
0xee: {  	p1 =	seq.s32 s13, $0x488;
	[sflag:s25] =	ssyncset.done $0x0  }
.Ltmp2:
0xef: {  	[sflag:s25] =	ssyncadd.s32 $0xFFFFFFB0;
	(pc) =	sbr.rel @p1 .LBB2_4-.Ltmp2, $4  }
0xf0: {  	[spmem:s15] =	stream.indirect.scatter.add.f32 [tilespmem:s20], [sflag:$0x8], $0x1, s23, s19, $0xb8;
	[tilespmem:$0x578] =	vst v63  }
0xf1: {  	_ =	swait.ge [sflag:s26], $0x50  }
0xf2: {  	[sflag:s26] =	ssyncset.done $0x0  }
0xf3: {  	[sflag:s26] =	ssyncadd.s32 $0xFFFFFFB0  }
.Ltmp3:
0xf4: {  	(pc) =	sbr.rel .LBB2_2-.Ltmp3, $3  }
0xf5: {  	_ =	sdelay $0x1  }
0xf6: {  	s0 =	sadd.s32 s13, s12;
	s13 =	sadd.s32 $0x28, s13  }
0xf7: {  	[tilespmem:s17], [sflag:$0x2] =	stream.linear.gather [hbm4b:s0+s9], $0x50, $0x38;
	[tilespmem:$0x578] =	vst v63  }
.LBB2_5:
0xf8: {  	_ =	sfence.sel $0x180000  }
0xf9: {  	[bflag:$0x0] =	sbarrier.arrive $0xFFFF  }
0xfa: {  	_ =	strace $0x90000047  }
0xfb: {  	s0 =	stileid.u32;
	[bflag:$0x2] =	sbarrier.arrive $0xFFFF  }
0xfc: {  	p0 =	sne.s32 s0, $0x0;
	s0 =	rddreg [dreg:$0x2]  }
0xfd: {  	s0 =	sadd.s32 @!p0 $0x100000, s0  }
0xfe: {  	[sflag:s0] =	ssyncadd.tile.s32 @!p0 $0x1;
	_ =	shalt  }
.Lfunc_end2:
_tile_overlayer_lowered:
.L_overlay_start_2:
0xff: {  	(tag) =	ssettag $0x2  }
0x100: {  	s0 =	rddreg [dreg:$0x0];
	s2 =	stileid.u32  }
0x101: {  	s1 =	rddreg [dreg:$0x1];
	p0 =	sne.s32 s2, $0x0  }
0x102: {  	s3 =	rddreg [dreg:$0x2];
	[bflag:$0x3] =	sbarrier.arrive $0xFFFF;
	s2 =	simm.s32 @!p0 $0x1C09  }
0x103: {  	[timem:s3], [sflag:s2] =	dma.local @!p0 [hbm:s0], s1  }
0x104: {  	s0 =	simm.s32 @!p0 $0x9  }
0x105: {  	_ =	swait.ge @!p0 [sflag:s0], s1  }
0x106: {  	s1 =	ssub.s32 @!p0 $0x0, s1;
	[sflag:s0] =	ssyncset.done @!p0 $0x0  }
0x107: {  	[sflag:s0] =	ssyncadd.s32 @!p0 s1  }
0x108: {  	[bflag:$0x3] =	sbarrier.arrive $0xFFFF  }
0x109: {  	_ =	shalt  }

</sc_bundles>
